<compile_context>
chip_gen: v7x
topology: tpu7x:2x2x1
jax: 0.10.2.dev20260603
libtpu: 0.0.44.dev20260713+nightly
codegen_flags: <defaults>
</compile_context>

<pallas_src>
import functools

import jax
import jax.numpy as jnp
from jax import lax
from jax.experimental import pallas as pl
from jax.experimental.pallas import tpu as pltpu
from jax.experimental.pallas import tpu_sc as plsc

N = 128
L = 16
NG = N // L
H = N // 2
NT = 16
INF = float("inf")


def _bf_body(adj_hbm, col0_hbm, dist_hbm, pred_hbm, neg_hbm,
             adj_loc, fa_ref, gvi_ref, newvi_ref,
             dist_loc, pred_loc, negacc_ref, negcomb_ref, outv_ref,
             pvi_sh, negshared,
             fa_sem, fb_sem, g_sem, pub_sem):
    s = lax.axis_index("s")
    h = s // NG
    p = s % NG
    vbase = p * L
    ubase = h * H

    pltpu.sync_copy(adj_hbm.at[pl.ds(ubase, H), pl.ds(vbase, L)], adj_loc)
    pltpu.sync_copy(col0_hbm.at[pl.ds(vbase, L)],
                    pvi_sh.at[0, h, 0, pl.ds(vbase, L)])
    newvi_ref[0, :] = jnp.zeros((L,), jnp.float32)
    pltpu.sync_copy(newvi_ref.at[0], pvi_sh.at[0, h, 1, pl.ds(vbase, L)])

    plsc.subcore_barrier()

    Q = H // 2

    def issue_fetches(par):
        pltpu.async_copy(pvi_sh.at[par, :, 0, pl.ds(ubase, Q)],
                         fa_ref.at[:, pl.ds(0, Q)], fa_sem)
        pltpu.async_copy(pvi_sh.at[par, :, 0, pl.ds(ubase + Q, Q)],
                         fa_ref.at[:, pl.ds(Q, Q)], fb_sem)

        @pl.when(h == 0)
        def _group():
            pltpu.async_copy(pvi_sh.at[par, :, :, pl.ds(vbase, L)], gvi_ref,
                             g_sem)

    issue_fetches(0)

    def wait_fa(par):
        pltpu.make_async_copy(pvi_sh.at[par, :, 0, pl.ds(ubase, Q)],
                              fa_ref.at[:, pl.ds(0, Q)], fa_sem).wait()

    def wait_fb(par):
        pltpu.make_async_copy(pvi_sh.at[par, :, 0, pl.ds(ubase + Q, Q)],
                              fa_ref.at[:, pl.ds(Q, Q)], fb_sem).wait()

    def wait_group(par):
        pltpu.make_async_copy(pvi_sh.at[par, :, :, pl.ds(vbase, L)], gvi_ref,
                              g_sem).wait()

    def merged_chunks(lo, hi):
        return [jnp.minimum(fa_ref[0, pl.ds(16 * c, L)],
                            fa_ref[1, pl.ds(16 * c, L)])
                for c in range(lo, hi)]

    def group_merge():
        gv0 = gvi_ref[0, 0, :]
        gv1 = gvi_ref[1, 0, :]
        gi0 = plsc.bitcast(gvi_ref[0, 1, :], jnp.int32)
        gi1 = plsc.bitcast(gvi_ref[1, 1, :], jnp.int32)
        cond = gv1 < gv0
        return jnp.minimum(gv1, gv0), jnp.where(cond, gi1, gi0)

    def step(i, carry):
        nch = 2
        per = H // nch
        bests = [jnp.full((L,), INF, jnp.float32) for _ in range(nch)]
        bidxs = [jnp.zeros((L,), jnp.int32) for _ in range(nch)]
        wait_fa((i - 1) % 2)
        chunks = merged_chunks(0, 2)
        for t in range(per):
            val = chunks[t // L][t % L] + adj_loc[t, :]
            cond = val < bests[0]
            bests[0] = jnp.minimum(val, bests[0])
            bidxs[0] = jnp.where(cond, ubase + t, bidxs[0])
        wait_fb((i - 1) % 2)
        chunks_hi = merged_chunks(2, 4)
        for t in range(per):
            ul = per + t
            val = chunks_hi[t // L][t % L] + adj_loc[ul, :]
            cond = val < bests[1]
            bests[1] = jnp.minimum(val, bests[1])
            bidxs[1] = jnp.where(cond, ubase + ul, bidxs[1])
        cond = bests[1] < bests[0]
        best = jnp.minimum(bests[1], bests[0])
        bidx = jnp.where(cond, bidxs[1], bidxs[0])
        newvi_ref[0, :] = best
        newvi_ref[1, :] = plsc.bitcast(bidx, jnp.float32)
        dv = pltpu.async_copy(newvi_ref,
                              pvi_sh.at[i % 2, h, :, pl.ds(vbase, L)],
                              pub_sem)

        @pl.when(h == 0)
        def _record():
            wait_group((i - 1) % 2)
            dval, didx = group_merge()
            dist_loc[i - 1, :] = dval
            pred_loc[i - 1, :] = didx

        dv.wait()
        plsc.subcore_barrier()
        issue_fetches(i % 2)
        return carry

    lax.fori_loop(1, N, step, 0)

    lastpar = (N - 1) % 2
    wait_fa(lastpar)
    wait_fb(lastpar)
    lchunks = merged_chunks(0, 4)

    @pl.when(h == 0)
    def _last_row():
        wait_group(lastpar)
        dval, didx = group_merge()
        dist_loc[N - 1, :] = dval
        pred_loc[N - 1, :] = didx

    @pl.when(h == 1)
    def _late_group():
        pltpu.sync_copy(pvi_sh.at[lastpar, :, :, pl.ds(vbase, L)], gvi_ref)

    lastg = jnp.minimum(gvi_ref[0, 0, :], gvi_ref[1, 0, :])
    acc = jnp.zeros((L,), jnp.bool_)
    for ul in range(H):
        val = lchunks[ul // L][ul % L] + adj_loc[ul, :]
        acc = acc | (val < lastg)
    negacc_ref[...] = acc.astype(jnp.int32)
    pltpu.sync_copy(negacc_ref, negshared.at[s])

    @pl.when(h == 0)
    def _write_out():
        pltpu.sync_copy(dist_loc, dist_hbm.at[:, pl.ds(vbase, L)])
        pltpu.sync_copy(pred_loc, pred_hbm.at[:, pl.ds(vbase, L)])

    plsc.subcore_barrier()

    @pl.when(s == 0)
    def _combine():
        pltpu.sync_copy(negshared, negcomb_ref)
        flag = jnp.zeros((L,), jnp.int32)
        for g in range(NT):
            flag = flag | negcomb_ref[g, :]
        any_neg = jnp.any(flag != 0)
        outv_ref[...] = jnp.where(any_neg, 1, 0) * jnp.ones((L,), jnp.int32)
        pltpu.sync_copy(outv_ref, neg_hbm)


_bf_call = functools.partial(
    pl.kernel,
    out_type=(
        jax.ShapeDtypeStruct((N, N), jnp.float32),
        jax.ShapeDtypeStruct((N, N), jnp.int32),
        jax.ShapeDtypeStruct((L,), jnp.int32),
    ),
    mesh=plsc.VectorSubcoreMesh(core_axis_name="c", subcore_axis_name="s",
                                num_cores=1),
    compiler_params=pltpu.CompilerParams(use_tc_tiling_on_sc=False,
                                         needs_layout_passes=False),
    scratch_types=(
        pltpu.VMEM((H, L), jnp.float32),
        pltpu.VMEM((2, H), jnp.float32),
        pltpu.VMEM((2, 2, L), jnp.float32),
        pltpu.VMEM((2, L), jnp.float32),
        pltpu.VMEM((N, L), jnp.float32),
        pltpu.VMEM((N, L), jnp.int32),
        pltpu.VMEM((L,), jnp.int32),
        pltpu.VMEM((NT, L), jnp.int32),
        pltpu.VMEM((L,), jnp.int32),
        pltpu.VMEM_SHARED((2, 2, 2, N), jnp.float32),
        pltpu.VMEM_SHARED((NT, L), jnp.int32),
        pltpu.SemaphoreType.DMA,
        pltpu.SemaphoreType.DMA,
        pltpu.SemaphoreType.DMA,
        pltpu.SemaphoreType.DMA,
    ),
)(_bf_body)


@jax.jit
def kernel(adj_matrix, source_node):
    col0 = jnp.full((N,), INF, jnp.float32).at[source_node].set(0.0)
    dist_it, pred_it, negv = _bf_call(adj_matrix.astype(jnp.float32), col0)
    return dist_it.T, pred_it.T, negv[0] != 0

# --- scband reference (transcript-rebuilt; emitter-appended) ---
"""Pipeline reference for scband-bellman-ford-layer-40372692582737 (READ-ONLY COPY).

The authoritative reference and input builder live on the scoring server;
editing this copy changes nothing except your own understanding.
"""

import jax, jax.numpy as jnp
import numpy as np

NUM_NODES = 128


def setup_inputs(seed: int = 0) -> dict:
    key = jax.random.key(seed)
    adj_matrix = jax.random.uniform(key, (NUM_NODES, NUM_NODES), dtype=jnp.float32)
    return {"adj_matrix": adj_matrix, "source_node": 0}


def reference(adj_matrix, source_node):
    # Faithful vectorized Bellman-Ford matching the torch loop semantics:
    # distances[v, i] = min_u (distances[u, i-1] + adj[u, v]), starting from inf,
    # predecessors[v, i] = first u achieving that strict improvement (== first-occurrence argmin).
    n = adj_matrix.shape[0]
    inf = jnp.float32(jnp.inf)
    col0 = jnp.full((n,), inf, dtype=adj_matrix.dtype).at[source_node].set(0.0)

    def step(prev_col, _):
        cand = prev_col[:, None] + adj_matrix  # cand[u, v]
        mn = jnp.min(cand, axis=0)
        am = jnp.argmin(cand, axis=0)
        new_col = jnp.where(mn < inf, mn, inf)
        pred_col = jnp.where(mn < inf, am, 0).astype(jnp.int32)
        return new_col, (new_col, pred_col)

    _, (cols, pcols) = jax.lax.scan(step, col0, None, length=n - 1)
    distances = jnp.concatenate([col0[None, :], cols], axis=0).T  # [n, n] (node, iteration)
    predecessors = jnp.concatenate([jnp.zeros((1, n), dtype=jnp.int32), pcols], axis=0).T

    last = distances[:, n - 1]
    has_negative_cycle = jnp.any(last[:, None] + adj_matrix < last[None, :])
    return distances, predecessors, has_negative_cycle

if __name__ == "__main__":
    import jax
    _d = setup_inputs()
    print(jax.jit(kernel)(*tuple(_d.values())))

</pallas_src>

<mosaic_0001>
#map = affine_map<(d0, d1) -> (0, 0)>
#map1 = affine_map<(d0, d1) -> (0)>
module attributes {stable_mosaic.version = 14 : i64} {
  func.func @_bf_body(%arg0: i32, %arg1: i32, %arg2: memref<128x128xf32, #tpu.memory_space<hbm>>, %arg3: memref<128xf32, #tpu.memory_space<hbm>>, %arg4: memref<128x128xf32, #tpu.memory_space<hbm>>, %arg5: memref<128x128xi32, #tpu.memory_space<hbm>>, %arg6: memref<16xi32, #tpu.memory_space<hbm>>, %arg7: memref<64x16xf32, #tpu.memory_space<vmem>>, %arg8: memref<2x64xf32, #tpu.memory_space<vmem>>, %arg9: memref<2x2x16xf32, #tpu.memory_space<vmem>>, %arg10: memref<2x16xf32, #tpu.memory_space<vmem>>, %arg11: memref<128x16xf32, #tpu.memory_space<vmem>>, %arg12: memref<128x16xi32, #tpu.memory_space<vmem>>, %arg13: memref<16xi32, #tpu.memory_space<vmem>>, %arg14: memref<16x16xi32, #tpu.memory_space<vmem>>, %arg15: memref<16xi32, #tpu.memory_space<vmem>>, %arg16: memref<2x2x2x128xf32, #tpu.memory_space<vmem_shared>>, %arg17: memref<16x16xi32, #tpu.memory_space<vmem_shared>>, %arg18: memref<!tpu.dma_semaphore, #tpu.memory_space<semaphore_mem>>, %arg19: memref<!tpu.dma_semaphore, #tpu.memory_space<semaphore_mem>>, %arg20: memref<!tpu.dma_semaphore, #tpu.memory_space<semaphore_mem>>, %arg21: memref<!tpu.dma_semaphore, #tpu.memory_space<semaphore_mem>>) attributes {dimension_semantics = [#tpu.dimension_semantics<core_parallel>, #tpu.dimension_semantics<subcore_parallel>], iteration_bounds = array<i64: 1, 16>, scalar_prefetch = 0 : i64, scratch_operands = 15 : i64, tpu.core_type = #tpu.core_type<sc_vector_subcore>, window_params = [{transform_indices = #map}, {transform_indices = #map1}, {transform_indices = #map}, {transform_indices = #map}, {transform_indices = #map1}]} {
    %jit3A = arith.constant 8 : i32
    %div3A = arith.divsi %arg1, %jit3A : i32
    %sign3A = arith.constant 0 : i32
    %sign3A_0 = arith.cmpi sgt, %arg1, %sign3A : i32
    %sign3A_1 = arith.extui %sign3A_0 : i1 to i32
    %sign3A_2 = arith.constant 0 : i32
    %sign3A_3 = arith.cmpi slt, %arg1, %sign3A_2 : i32
    %sign3A_4 = arith.extui %sign3A_3 : i1 to i32
    %sign3A_5 = arith.subi %sign3A_1, %sign3A_4 : i32
    %sign3A_6 = arith.constant 0 : i32
    %sign3A_7 = arith.cmpi sgt, %jit3A, %sign3A_6 : i32
    %sign3A_8 = arith.extui %sign3A_7 : i1 to i32
    %sign3A_9 = arith.constant 0 : i32
    %sign3A_10 = arith.cmpi slt, %jit3A, %sign3A_9 : i32
    %sign3A_11 = arith.extui %sign3A_10 : i1 to i32
    %sign3A_12 = arith.subi %sign3A_8, %sign3A_11 : i32
    %ne3A = arith.cmpi ne, %sign3A_5, %sign3A_12 : i32
    %rem3A = arith.remsi %arg1, %jit3A : i32
    %ne3A_13 = arith.constant 0 : i32
    %ne3A_14 = arith.cmpi ne, %rem3A, %ne3A_13 : i32
    %and3A = arith.andi %ne3A, %ne3A_14 : i1
    %sub3A = arith.constant 1 : i32
    %sub3A_15 = arith.subi %div3A, %sub3A : i32
    %select_n3A = arith.select %and3A, %sub3A_15, %div3A : i32
    %jit3A_16 = arith.constant 8 : i32
    %eq3A = arith.constant 0 : i32
    %eq3A_17 = arith.cmpi eq, %jit3A_16, %eq3A : i32
    %jit3A_18 = arith.constant 1 : i32
    %select_n3A_19 = arith.select %eq3A_17, %jit3A_18, %jit3A_16 : i32
    %rem3A_20 = arith.remsi %arg1, %select_n3A_19 : i32
    %ne3A_21 = arith.constant 0 : i32
    %ne3A_22 = arith.cmpi ne, %rem3A_20, %ne3A_21 : i32
    %lt3A = arith.constant 0 : i32
    %lt3A_23 = arith.cmpi slt, %rem3A_20, %lt3A : i32
    %lt3A_24 = arith.constant 0 : i32
    %lt3A_25 = arith.cmpi slt, %select_n3A_19, %lt3A_24 : i32
    %ne3A_26 = arith.xori %lt3A_23, %lt3A_25 : i1
    %and3A_27 = arith.andi %ne3A_26, %ne3A_22 : i1
    %add3A = arith.addi %rem3A_20, %select_n3A_19 : i32
    %select_n3A_28 = arith.select %and3A_27, %add3A, %rem3A_20 : i32
    %mul3A = arith.constant 16 : i32
    %mul3A_29 = arith.muli %select_n3A_28, %mul3A : i32
    %mul3A_30 = arith.constant 64 : i32
    %mul3A_31 = arith.muli %select_n3A, %mul3A_30 : i32
    "tpu.region"() ({
      %run_scoped3A_816 = tpu.sem_alloc : memref<!tpu.dma_semaphore, #tpu.memory_space<semaphore_mem>>
      %dma_start3A_817 = tpu.memref_slice %arg2[%mul3A_31, %mul3A_29] : memref<128x128xf32, #tpu.memory_space<hbm>> -> memref<64x16xf32, #tpu.memory_space<hbm>>
      %dma_start3A_818 = tpu.memref_slice %arg2[%mul3A_31, %mul3A_29] : memref<128x128xf32, #tpu.memory_space<hbm>> -> memref<64x16xf32, #tpu.memory_space<hbm>>
      tpu.enqueue_dma source(%dma_start3A_818 : memref<64x16xf32, #tpu.memory_space<hbm>>) target(%arg7 : memref<64x16xf32, #tpu.memory_space<vmem>>) target_semaphore(%run_scoped3A_816 : memref<!tpu.dma_semaphore, #tpu.memory_space<semaphore_mem>>)
      %dma_wait3A_819 = tpu.memref_slice %arg2[%mul3A_31, %mul3A_29] : memref<128x128xf32, #tpu.memory_space<hbm>> -> memref<64x16xf32, #tpu.memory_space<hbm>>
      %dma_wait3A_820 = tpu.memref_slice %arg2[%mul3A_31, %mul3A_29] : memref<128x128xf32, #tpu.memory_space<hbm>> -> memref<64x16xf32, #tpu.memory_space<hbm>>
      tpu.wait_dma2 semaphore(%run_scoped3A_816 : memref<!tpu.dma_semaphore, #tpu.memory_space<semaphore_mem>>) src(%dma_wait3A_820 : memref<64x16xf32, #tpu.memory_space<hbm>>) dst(%arg7 : memref<64x16xf32, #tpu.memory_space<vmem>>)
      tpu.yield
    }) : () -> ()
    %run_scoped3A = arith.constant 0 : i32
    %run_scoped3A_32 = arith.constant 0 : i32
    "tpu.region"() ({
      %run_scoped3A_816 = tpu.sem_alloc : memref<!tpu.dma_semaphore, #tpu.memory_space<semaphore_mem>>
      %dma_start3A_817 = tpu.memref_slice %arg16[%run_scoped3A, %select_n3A, %run_scoped3A_32, %mul3A_29] : memref<2x2x2x128xf32, #tpu.memory_space<vmem_shared>> -> memref<1x1x1x16xf32, #tpu.memory_space<vmem_shared>>
      %dma_start3A_818 = tpu.memref_squeeze %dma_start3A_817 : memref<1x1x1x16xf32, #tpu.memory_space<vmem_shared>> -> memref<16xf32, #tpu.memory_space<vmem_shared>>
      %dma_start3A_819 = tpu.memref_slice %arg3[%mul3A_29] : memref<128xf32, #tpu.memory_space<hbm>> -> memref<16xf32, #tpu.memory_space<hbm>>
      tpu.enqueue_dma source(%dma_start3A_819 : memref<16xf32, #tpu.memory_space<hbm>>) target(%dma_start3A_818 : memref<16xf32, #tpu.memory_space<vmem_shared>>) target_semaphore(%run_scoped3A_816 : memref<!tpu.dma_semaphore, #tpu.memory_space<semaphore_mem>>)
      %dma_wait3A_820 = tpu.memref_slice %arg16[%run_scoped3A, %select_n3A, %run_scoped3A_32, %mul3A_29] : memref<2x2x2x128xf32, #tpu.memory_space<vmem_shared>> -> memref<1x1x1x16xf32, #tpu.memory_space<vmem_shared>>
      %dma_wait3A_821 = tpu.memref_squeeze %dma_wait3A_820 : memref<1x1x1x16xf32, #tpu.memory_space<vmem_shared>> -> memref<16xf32, #tpu.memory_space<vmem_shared>>
      %dma_wait3A_822 = tpu.memref_slice %arg3[%mul3A_29] : memref<128xf32, #tpu.memory_space<hbm>> -> memref<16xf32, #tpu.memory_space<hbm>>
      tpu.wait_dma2 semaphore(%run_scoped3A_816 : memref<!tpu.dma_semaphore, #tpu.memory_space<semaphore_mem>>) src(%dma_wait3A_822 : memref<16xf32, #tpu.memory_space<hbm>>) dst(%dma_wait3A_821 : memref<16xf32, #tpu.memory_space<vmem_shared>>)
      tpu.yield
    }) : () -> ()
    %broadcast_in_dim3A = arith.constant 0.000000e+00 : f32
    %broadcast_in_dim3A_33 = vector.broadcast %broadcast_in_dim3A : f32 to vector<16xf32>
    %swap3A = arith.constant 0 : i32
    %swap3A_34 = arith.index_cast %swap3A : i32 to index
    %swap3A_35 = arith.constant 0 : index
    %swap3A_36 = tpu.vector_load %arg10[%swap3A_34, %swap3A_35] {strides = array<i32>} : memref<2x16xf32, #tpu.memory_space<vmem>>, vector<16xf32>,
    tpu.vector_store %arg10[%swap3A_34, %swap3A_35], %broadcast_in_dim3A_33 {strides = array<i32>} : memref<2x16xf32, #tpu.memory_space<vmem>>, vector<16xf32>,
    %run_scoped3A_37 = arith.constant 0 : i32
    %run_scoped3A_38 = arith.constant 0 : i32
    %run_scoped3A_39 = arith.constant 1 : i32
    "tpu.region"() ({
      %run_scoped3A_816 = tpu.sem_alloc : memref<!tpu.dma_semaphore, #tpu.memory_space<semaphore_mem>>
      %dma_start3A_817 = arith.constant 0 : i32
      %dma_start3A_818 = tpu.memref_slice %arg10[%run_scoped3A_37, %dma_start3A_817] : memref<2x16xf32, #tpu.memory_space<vmem>> -> memref<1x16xf32, #tpu.memory_space<vmem>>
      %dma_start3A_819 = tpu.memref_squeeze %dma_start3A_818 : memref<1x16xf32, #tpu.memory_space<vmem>> -> memref<16xf32, #tpu.memory_space<vmem>>
      %dma_start3A_820 = tpu.memref_slice %arg16[%run_scoped3A_38, %select_n3A, %run_scoped3A_39, %mul3A_29] : memref<2x2x2x128xf32, #tpu.memory_space<vmem_shared>> -> memref<1x1x1x16xf32, #tpu.memory_space<vmem_shared>>
      %dma_start3A_821 = tpu.memref_squeeze %dma_start3A_820 : memref<1x1x1x16xf32, #tpu.memory_space<vmem_shared>> -> memref<16xf32, #tpu.memory_space<vmem_shared>>
      %dma_start3A_822 = tpu.memref_slice %arg16[%run_scoped3A_38, %select_n3A, %run_scoped3A_39, %mul3A_29] : memref<2x2x2x128xf32, #tpu.memory_space<vmem_shared>> -> memref<1x1x1x16xf32, #tpu.memory_space<vmem_shared>>
      %dma_start3A_823 = tpu.memref_squeeze %dma_start3A_822 : memref<1x1x1x16xf32, #tpu.memory_space<vmem_shared>> -> memref<16xf32, #tpu.memory_space<vmem_shared>>
      %dma_start3A_824 = arith.constant 0 : i32
      %dma_start3A_825 = tpu.memref_slice %arg10[%run_scoped3A_37, %dma_start3A_824] : memref<2x16xf32, #tpu.memory_space<vmem>> -> memref<1x16xf32, #tpu.memory_space<vmem>>
      %dma_start3A_826 = tpu.memref_squeeze %dma_start3A_825 : memref<1x16xf32, #tpu.memory_space<vmem>> -> memref<16xf32, #tpu.memory_space<vmem>>
      tpu.enqueue_dma source(%dma_start3A_826 : memref<16xf32, #tpu.memory_space<vmem>>) target(%dma_start3A_823 : memref<16xf32, #tpu.memory_space<vmem_shared>>) target_semaphore(%run_scoped3A_816 : memref<!tpu.dma_semaphore, #tpu.memory_space<semaphore_mem>>)
      %dma_wait3A_827 = arith.constant 0 : i32
      %dma_wait3A_828 = tpu.memref_slice %arg10[%run_scoped3A_37, %dma_wait3A_827] : memref<2x16xf32, #tpu.memory_space<vmem>> -> memref<1x16xf32, #tpu.memory_space<vmem>>
      %dma_wait3A_829 = tpu.memref_squeeze %dma_wait3A_828 : memref<1x16xf32, #tpu.memory_space<vmem>> -> memref<16xf32, #tpu.memory_space<vmem>>
      %dma_wait3A_830 = tpu.memref_slice %arg16[%run_scoped3A_38, %select_n3A, %run_scoped3A_39, %mul3A_29] : memref<2x2x2x128xf32, #tpu.memory_space<vmem_shared>> -> memref<1x1x1x16xf32, #tpu.memory_space<vmem_shared>>
      %dma_wait3A_831 = tpu.memref_squeeze %dma_wait3A_830 : memref<1x1x1x16xf32, #tpu.memory_space<vmem_shared>> -> memref<16xf32, #tpu.memory_space<vmem_shared>>
      %dma_wait3A_832 = tpu.memref_slice %arg16[%run_scoped3A_38, %select_n3A, %run_scoped3A_39, %mul3A_29] : memref<2x2x2x128xf32, #tpu.memory_space<vmem_shared>> -> memref<1x1x1x16xf32, #tpu.memory_space<vmem_shared>>
      %dma_wait3A_833 = tpu.memref_squeeze %dma_wait3A_832 : memref<1x1x1x16xf32, #tpu.memory_space<vmem_shared>> -> memref<16xf32, #tpu.memory_space<vmem_shared>>
      %dma_wait3A_834 = arith.constant 0 : i32
      %dma_wait3A_835 = tpu.memref_slice %arg10[%run_scoped3A_37, %dma_wait3A_834] : memref<2x16xf32, #tpu.memory_space<vmem>> -> memref<1x16xf32, #tpu.memory_space<vmem>>
      %dma_wait3A_836 = tpu.memref_squeeze %dma_wait3A_835 : memref<1x16xf32, #tpu.memory_space<vmem>> -> memref<16xf32, #tpu.memory_space<vmem>>
      tpu.wait_dma2 semaphore(%run_scoped3A_816 : memref<!tpu.dma_semaphore, #tpu.memory_space<semaphore_mem>>) src(%dma_wait3A_836 : memref<16xf32, #tpu.memory_space<vmem>>) dst(%dma_wait3A_833 : memref<16xf32, #tpu.memory_space<vmem_shared>>)
      tpu.yield
    }) : () -> ()
    %barrier3A = arith.constant 0 : index
    tpu.barrier barrier_id(%barrier3A)
    %dma_start3A = arith.constant 0 : i32
    %dma_start3A_40 = arith.constant 0 : i32
    %dma_start3A_41 = arith.constant 0 : i32
    %dma_start3A_42 = arith.constant 0 : i32
    %dma_start3A_43 = tpu.memref_slice %arg8[%dma_start3A_41, %dma_start3A_42] : memref<2x64xf32, #tpu.memory_space<vmem>> -> memref<2x32xf32, #tpu.memory_space<vmem>>
    %dma_start3A_44 = arith.constant 0 : i32
    %dma_start3A_45 = tpu.memref_slice %arg16[%dma_start3A, %dma_start3A_44, %dma_start3A_40, %mul3A_31] : memref<2x2x2x128xf32, #tpu.memory_space<vmem_shared>> -> memref<1x2x1x32xf32, #tpu.memory_space<vmem_shared>>
    %dma_start3A_46 = tpu.memref_squeeze %dma_start3A_45 : memref<1x2x1x32xf32, #tpu.memory_space<vmem_shared>> -> memref<2x32xf32, #tpu.memory_space<vmem_shared>>
    %dma_start3A_47 = arith.constant 0 : i32
    %dma_start3A_48 = arith.constant 0 : i32
    %dma_start3A_49 = tpu.memref_slice %arg8[%dma_start3A_47, %dma_start3A_48] : memref<2x64xf32, #tpu.memory_space<vmem>> -> memref<2x32xf32, #tpu.memory_space<vmem>>
    %dma_start3A_50 = arith.constant 0 : i32
    %dma_start3A_51 = tpu.memref_slice %arg16[%dma_start3A, %dma_start3A_50, %dma_start3A_40, %mul3A_31] : memref<2x2x2x128xf32, #tpu.memory_space<vmem_shared>> -> memref<1x2x1x32xf32, #tpu.memory_space<vmem_shared>>
    %dma_start3A_52 = tpu.memref_squeeze %dma_start3A_51 : memref<1x2x1x32xf32, #tpu.memory_space<vmem_shared>> -> memref<2x32xf32, #tpu.memory_space<vmem_shared>>
    tpu.enqueue_dma source(%dma_start3A_52 : memref<2x32xf32, #tpu.memory_space<vmem_shared>>) target(%dma_start3A_49 : memref<2x32xf32, #tpu.memory_space<vmem>>) target_semaphore(%arg18 : memref<!tpu.dma_semaphore, #tpu.memory_space<semaphore_mem>>)
    %add3A_53 = arith.constant 32 : i32
    %add3A_54 = arith.addi %mul3A_31, %add3A_53 : i32
    %dma_start3A_55 = arith.constant 0 : i32
    %dma_start3A_56 = arith.constant 0 : i32
    %dma_start3A_57 = arith.constant 0 : i32
    %dma_start3A_58 = arith.constant 32 : i32
    %dma_start3A_59 = tpu.memref_slice %arg8[%dma_start3A_57, %dma_start3A_58] : memref<2x64xf32, #tpu.memory_space<vmem>> -> memref<2x32xf32, #tpu.memory_space<vmem>>
    %dma_start3A_60 = arith.constant 0 : i32
    %dma_start3A_61 = tpu.memref_slice %arg16[%dma_start3A_55, %dma_start3A_60, %dma_start3A_56, %add3A_54] : memref<2x2x2x128xf32, #tpu.memory_space<vmem_shared>> -> memref<1x2x1x32xf32, #tpu.memory_space<vmem_shared>>
    %dma_start3A_62 = tpu.memref_squeeze %dma_start3A_61 : memref<1x2x1x32xf32, #tpu.memory_space<vmem_shared>> -> memref<2x32xf32, #tpu.memory_space<vmem_shared>>
    %dma_start3A_63 = arith.constant 0 : i32
    %dma_start3A_64 = arith.constant 32 : i32
    %dma_start3A_65 = tpu.memref_slice %arg8[%dma_start3A_63, %dma_start3A_64] : memref<2x64xf32, #tpu.memory_space<vmem>> -> memref<2x32xf32, #tpu.memory_space<vmem>>
    %dma_start3A_66 = arith.constant 0 : i32
    %dma_start3A_67 = tpu.memref_slice %arg16[%dma_start3A_55, %dma_start3A_66, %dma_start3A_56, %add3A_54] : memref<2x2x2x128xf32, #tpu.memory_space<vmem_shared>> -> memref<1x2x1x32xf32, #tpu.memory_space<vmem_shared>>
    %dma_start3A_68 = tpu.memref_squeeze %dma_start3A_67 : memref<1x2x1x32xf32, #tpu.memory_space<vmem_shared>> -> memref<2x32xf32, #tpu.memory_space<vmem_shared>>
    tpu.enqueue_dma source(%dma_start3A_68 : memref<2x32xf32, #tpu.memory_space<vmem_shared>>) target(%dma_start3A_65 : memref<2x32xf32, #tpu.memory_space<vmem>>) target_semaphore(%arg19 : memref<!tpu.dma_semaphore, #tpu.memory_space<semaphore_mem>>)
    %eq3A_69 = arith.constant 0 : i32
    %eq3A_70 = arith.cmpi eq, %select_n3A, %eq3A_69 : i32
    %convert_element_type3A = arith.extui %eq3A_70 : i1 to i32
    %cond3A = arith.constant 0 : i32
    %cond3A_71 = arith.cmpi ne, %convert_element_type3A, %cond3A : i32
    scf.if %cond3A_71 {
      %dma_start3A_816 = arith.constant 0 : i32
      %dma_start3A_817 = arith.constant 0 : i32
      %dma_start3A_818 = arith.constant 0 : i32
      %dma_start3A_819 = tpu.memref_slice %arg16[%dma_start3A_816, %dma_start3A_817, %dma_start3A_818, %mul3A_29] : memref<2x2x2x128xf32, #tpu.memory_space<vmem_shared>> -> memref<1x2x2x16xf32, #tpu.memory_space<vmem_shared>>
      %dma_start3A_820 = tpu.memref_squeeze %dma_start3A_819 : memref<1x2x2x16xf32, #tpu.memory_space<vmem_shared>> -> memref<2x2x16xf32, #tpu.memory_space<vmem_shared>>
      %dma_start3A_821 = arith.constant 0 : i32
      %dma_start3A_822 = arith.constant 0 : i32
      %dma_start3A_823 = tpu.memref_slice %arg16[%dma_start3A_816, %dma_start3A_821, %dma_start3A_822, %mul3A_29] : memref<2x2x2x128xf32, #tpu.memory_space<vmem_shared>> -> memref<1x2x2x16xf32, #tpu.memory_space<vmem_shared>>
      %dma_start3A_824 = tpu.memref_squeeze %dma_start3A_823 : memref<1x2x2x16xf32, #tpu.memory_space<vmem_shared>> -> memref<2x2x16xf32, #tpu.memory_space<vmem_shared>>
      tpu.enqueue_dma source(%dma_start3A_824 : memref<2x2x16xf32, #tpu.memory_space<vmem_shared>>) target(%arg9 : memref<2x2x16xf32, #tpu.memory_space<vmem>>) target_semaphore(%arg20 : memref<!tpu.dma_semaphore, #tpu.memory_space<semaphore_mem>>)
    } else {
    }
    %scan3A = arith.constant 0 : i32
    %scan3A_72 = arith.constant 1 : i32
    %scan3A_73 = arith.constant 127 : i32
    %scan3A_74 = arith.addi %scan3A_72, %scan3A_73 : i32
    %scan3A_75 = arith.constant 1 : i32
    scf.for %scan3A_816 = %scan3A_72 to %scan3A_74 step %scan3A_75  : i32 {
      %broadcast_in_dim3A_817 = arith.constant 0x7F800000 : f32
      %broadcast_in_dim3A_818 = vector.broadcast %broadcast_in_dim3A_817 : f32 to vector<16xf32>
      %broadcast_in_dim3A_819 = arith.constant 0x7F800000 : f32
      %broadcast_in_dim3A_820 = vector.broadcast %broadcast_in_dim3A_819 : f32 to vector<16xf32>
      %broadcast_in_dim3A_821 = arith.constant 0 : i32
      %broadcast_in_dim3A_822 = vector.broadcast %broadcast_in_dim3A_821 : i32 to vector<16xi32>
      %broadcast_in_dim3A_823 = arith.constant 0 : i32
      %broadcast_in_dim3A_824 = vector.broadcast %broadcast_in_dim3A_823 : i32 to vector<16xi32>
      %sub3A_825 = arith.constant 1 : i32
      %sub3A_826 = arith.subi %scan3A_816, %sub3A_825 : i32
      %jit3A_827 = arith.constant 2 : i32
      %eq3A_828 = arith.constant 0 : i32
      %eq3A_829 = arith.cmpi eq, %jit3A_827, %eq3A_828 : i32
      %jit3A_830 = arith.constant 1 : i32
      %select_n3A_831 = arith.select %eq3A_829, %jit3A_830, %jit3A_827 : i32
      %rem3A_832 = arith.remsi %sub3A_826, %select_n3A_831 : i32
      %ne3A_833 = arith.constant 0 : i32
      %ne3A_834 = arith.cmpi ne, %rem3A_832, %ne3A_833 : i32
      %lt3A_835 = arith.constant 0 : i32
      %lt3A_836 = arith.cmpi slt, %rem3A_832, %lt3A_835 : i32
      %lt3A_837 = arith.constant 0 : i32
      %lt3A_838 = arith.cmpi slt, %select_n3A_831, %lt3A_837 : i32
      %ne3A_839 = arith.xori %lt3A_836, %lt3A_838 : i1
      %and3A_840 = arith.andi %ne3A_839, %ne3A_834 : i1
      %add3A_841 = arith.addi %rem3A_832, %select_n3A_831 : i32
      %select_n3A_842 = arith.select %and3A_840, %add3A_841, %rem3A_832 : i32
      %dma_wait3A_843 = arith.constant 0 : i32
      %dma_wait3A_844 = arith.constant 0 : i32
      %dma_wait3A_845 = arith.constant 0 : i32
      %dma_wait3A_846 = tpu.memref_slice %arg8[%dma_wait3A_844, %dma_wait3A_845] : memref<2x64xf32, #tpu.memory_space<vmem>> -> memref<2x32xf32, #tpu.memory_space<vmem>>
      %dma_wait3A_847 = arith.constant 0 : i32
      %dma_wait3A_848 = tpu.memref_slice %arg16[%select_n3A_842, %dma_wait3A_847, %dma_wait3A_843, %mul3A_31] : memref<2x2x2x128xf32, #tpu.memory_space<vmem_shared>> -> memref<1x2x1x32xf32, #tpu.memory_space<vmem_shared>>
      %dma_wait3A_849 = tpu.memref_squeeze %dma_wait3A_848 : memref<1x2x1x32xf32, #tpu.memory_space<vmem_shared>> -> memref<2x32xf32, #tpu.memory_space<vmem_shared>>
      %dma_wait3A_850 = arith.constant 0 : i32
      %dma_wait3A_851 = arith.constant 0 : i32
      %dma_wait3A_852 = tpu.memref_slice %arg8[%dma_wait3A_850, %dma_wait3A_851] : memref<2x64xf32, #tpu.memory_space<vmem>> -> memref<2x32xf32, #tpu.memory_space<vmem>>
      %dma_wait3A_853 = arith.constant 0 : i32
      %dma_wait3A_854 = tpu.memref_slice %arg16[%select_n3A_842, %dma_wait3A_853, %dma_wait3A_843, %mul3A_31] : memref<2x2x2x128xf32, #tpu.memory_space<vmem_shared>> -> memref<1x2x1x32xf32, #tpu.memory_space<vmem_shared>>
      %dma_wait3A_855 = tpu.memref_squeeze %dma_wait3A_854 : memref<1x2x1x32xf32, #tpu.memory_space<vmem_shared>> -> memref<2x32xf32, #tpu.memory_space<vmem_shared>>
      tpu.wait_dma2 semaphore(%arg18 : memref<!tpu.dma_semaphore, #tpu.memory_space<semaphore_mem>>) src(%dma_wait3A_855 : memref<2x32xf32, #tpu.memory_space<vmem_shared>>) dst(%dma_wait3A_852 : memref<2x32xf32, #tpu.memory_space<vmem>>)
      %get3A_856 = arith.constant 0 : i32
      %get3A_857 = arith.index_cast %get3A_856 : i32 to index
      %get3A_858 = arith.constant 0 : index
      %get3A_859 = tpu.vector_load %arg8[%get3A_857, %get3A_858] {strides = array<i32>} : memref<2x64xf32, #tpu.memory_space<vmem>>, vector<16xf32>,
      %get3A_860 = arith.constant 1 : i32
      %get3A_861 = arith.index_cast %get3A_860 : i32 to index
      %get3A_862 = arith.constant 0 : index
      %get3A_863 = tpu.vector_load %arg8[%get3A_861, %get3A_862] {strides = array<i32>} : memref<2x64xf32, #tpu.memory_space<vmem>>, vector<16xf32>,
      %min3A_864 = arith.minimumf %get3A_859, %get3A_863 : vector<16xf32>
      %get3A_865 = arith.constant 0 : i32
      %get3A_866 = arith.index_cast %get3A_865 : i32 to index
      %get3A_867 = arith.constant 16 : index
      %get3A_868 = tpu.vector_load %arg8[%get3A_866, %get3A_867] {strides = array<i32>} : memref<2x64xf32, #tpu.memory_space<vmem>>, vector<16xf32>,
      %get3A_869 = arith.constant 1 : i32
      %get3A_870 = arith.index_cast %get3A_869 : i32 to index
      %get3A_871 = arith.constant 16 : index
      %get3A_872 = tpu.vector_load %arg8[%get3A_870, %get3A_871] {strides = array<i32>} : memref<2x64xf32, #tpu.memory_space<vmem>>, vector<16xf32>,
      %min3A_873 = arith.minimumf %get3A_868, %get3A_872 : vector<16xf32>
      %slice3A_874 = vector.extract_strided_slice %min3A_864 {offsets = [0], sizes = [1], strides = [1]} : vector<16xf32> to vector<1xf32>
      %squeeze3A_875 = vector.extract %slice3A_874[0] : f32 from vector<1xf32>
      %get3A_876 = arith.constant 0 : i32
      %get3A_877 = arith.index_cast %get3A_876 : i32 to index
      %get3A_878 = arith.constant 0 : index
      %get3A_879 = tpu.vector_load %arg7[%get3A_877, %get3A_878] {strides = array<i32>} : memref<64x16xf32, #tpu.memory_space<vmem>>, vector<16xf32>,
      %add3A_880 = vector.broadcast %squeeze3A_875 : f32 to vector<16xf32>
      %add3A_881 = arith.addf %add3A_880, %get3A_879 : vector<16xf32>
      %lt3A_882 = arith.cmpf olt, %add3A_881, %broadcast_in_dim3A_818 : vector<16xf32>
      %min3A_883 = arith.minimumf %add3A_881, %broadcast_in_dim3A_818 : vector<16xf32>
      %add3A_884 = arith.constant 0 : i32
      %add3A_885 = arith.addi %mul3A_31, %add3A_884 : i32
      %broadcast_in_dim3A_886 = vector.broadcast %add3A_885 : i32 to vector<16xi32>
      %select_n3A_887 = arith.select %lt3A_882, %broadcast_in_dim3A_886, %broadcast_in_dim3A_822 : vector<16xi1>, vector<16xi32>
      %slice3A_888 = vector.extract_strided_slice %min3A_864 {offsets = [1], sizes = [1], strides = [1]} : vector<16xf32> to vector<1xf32>
      %squeeze3A_889 = vector.extract %slice3A_888[0] : f32 from vector<1xf32>
      %get3A_890 = arith.constant 1 : i32
      %get3A_891 = arith.index_cast %get3A_890 : i32 to index
      %get3A_892 = arith.constant 0 : index
      %get3A_893 = tpu.vector_load %arg7[%get3A_891, %get3A_892] {strides = array<i32>} : memref<64x16xf32, #tpu.memory_space<vmem>>, vector<16xf32>,
      %add3A_894 = vector.broadcast %squeeze3A_889 : f32 to vector<16xf32>
      %add3A_895 = arith.addf %add3A_894, %get3A_893 : vector<16xf32>
      %lt3A_896 = arith.cmpf olt, %add3A_895, %min3A_883 : vector<16xf32>
      %min3A_897 = arith.minimumf %add3A_895, %min3A_883 : vector<16xf32>
      %add3A_898 = arith.constant 1 : i32
      %add3A_899 = arith.addi %mul3A_31, %add3A_898 : i32
      %broadcast_in_dim3A_900 = vector.broadcast %add3A_899 : i32 to vector<16xi32>
      %select_n3A_901 = arith.select %lt3A_896, %broadcast_in_dim3A_900, %select_n3A_887 : vector<16xi1>, vector<16xi32>
      %slice3A_902 = vector.extract_strided_slice %min3A_864 {offsets = [2], sizes = [1], strides = [1]} : vector<16xf32> to vector<1xf32>
      %squeeze3A_903 = vector.extract %slice3A_902[0] : f32 from vector<1xf32>
      %get3A_904 = arith.constant 2 : i32
      %get3A_905 = arith.index_cast %get3A_904 : i32 to index
      %get3A_906 = arith.constant 0 : index
      %get3A_907 = tpu.vector_load %arg7[%get3A_905, %get3A_906] {strides = array<i32>} : memref<64x16xf32, #tpu.memory_space<vmem>>, vector<16xf32>,
      %add3A_908 = vector.broadcast %squeeze3A_903 : f32 to vector<16xf32>
      %add3A_909 = arith.addf %add3A_908, %get3A_907 : vector<16xf32>
      %lt3A_910 = arith.cmpf olt, %add3A_909, %min3A_897 : vector<16xf32>
      %min3A_911 = arith.minimumf %add3A_909, %min3A_897 : vector<16xf32>
      %add3A_912 = arith.constant 2 : i32
      %add3A_913 = arith.addi %mul3A_31, %add3A_912 : i32
      %broadcast_in_dim3A_914 = vector.broadcast %add3A_913 : i32 to vector<16xi32>
      %select_n3A_915 = arith.select %lt3A_910, %broadcast_in_dim3A_914, %select_n3A_901 : vector<16xi1>, vector<16xi32>
      %slice3A_916 = vector.extract_strided_slice %min3A_864 {offsets = [3], sizes = [1], strides = [1]} : vector<16xf32> to vector<1xf32>
      %squeeze3A_917 = vector.extract %slice3A_916[0] : f32 from vector<1xf32>
      %get3A_918 = arith.constant 3 : i32
      %get3A_919 = arith.index_cast %get3A_918 : i32 to index
      %get3A_920 = arith.constant 0 : index
      %get3A_921 = tpu.vector_load %arg7[%get3A_919, %get3A_920] {strides = array<i32>} : memref<64x16xf32, #tpu.memory_space<vmem>>, vector<16xf32>,
      %add3A_922 = vector.broadcast %squeeze3A_917 : f32 to vector<16xf32>
      %add3A_923 = arith.addf %add3A_922, %get3A_921 : vector<16xf32>
      %lt3A_924 = arith.cmpf olt, %add3A_923, %min3A_911 : vector<16xf32>
      %min3A_925 = arith.minimumf %add3A_923, %min3A_911 : vector<16xf32>
      %add3A_926 = arith.constant 3 : i32
      %add3A_927 = arith.addi %mul3A_31, %add3A_926 : i32
      %broadcast_in_dim3A_928 = vector.broadcast %add3A_927 : i32 to vector<16xi32>
      %select_n3A_929 = arith.select %lt3A_924, %broadcast_in_dim3A_928, %select_n3A_915 : vector<16xi1>, vector<16xi32>
      %slice3A_930 = vector.extract_strided_slice %min3A_864 {offsets = [4], sizes = [1], strides = [1]} : vector<16xf32> to vector<1xf32>
      %squeeze3A_931 = vector.extract %slice3A_930[0] : f32 from vector<1xf32>
      %get3A_932 = arith.constant 4 : i32
      %get3A_933 = arith.index_cast %get3A_932 : i32 to index
      %get3A_934 = arith.constant 0 : index
      %get3A_935 = tpu.vector_load %arg7[%get3A_933, %get3A_934] {strides = array<i32>} : memref<64x16xf32, #tpu.memory_space<vmem>>, vector<16xf32>,
      %add3A_936 = vector.broadcast %squeeze3A_931 : f32 to vector<16xf32>
      %add3A_937 = arith.addf %add3A_936, %get3A_935 : vector<16xf32>
      %lt3A_938 = arith.cmpf olt, %add3A_937, %min3A_925 : vector<16xf32>
      %min3A_939 = arith.minimumf %add3A_937, %min3A_925 : vector<16xf32>
      %add3A_940 = arith.constant 4 : i32
      %add3A_941 = arith.addi %mul3A_31, %add3A_940 : i32
      %broadcast_in_dim3A_942 = vector.broadcast %add3A_941 : i32 to vector<16xi32>
      %select_n3A_943 = arith.select %lt3A_938, %broadcast_in_dim3A_942, %select_n3A_929 : vector<16xi1>, vector<16xi32>
      %slice3A_944 = vector.extract_strided_slice %min3A_864 {offsets = [5], sizes = [1], strides = [1]} : vector<16xf32> to vector<1xf32>
      %squeeze3A_945 = vector.extract %slice3A_944[0] : f32 from vector<1xf32>
      %get3A_946 = arith.constant 5 : i32
      %get3A_947 = arith.index_cast %get3A_946 : i32 to index
      %get3A_948 = arith.constant 0 : index
      %get3A_949 = tpu.vector_load %arg7[%get3A_947, %get3A_948] {strides = array<i32>} : memref<64x16xf32, #tpu.memory_space<vmem>>, vector<16xf32>,
      %add3A_950 = vector.broadcast %squeeze3A_945 : f32 to vector<16xf32>
      %add3A_951 = arith.addf %add3A_950, %get3A_949 : vector<16xf32>
      %lt3A_952 = arith.cmpf olt, %add3A_951, %min3A_939 : vector<16xf32>
      %min3A_953 = arith.minimumf %add3A_951, %min3A_939 : vector<16xf32>
      %add3A_954 = arith.constant 5 : i32
      %add3A_955 = arith.addi %mul3A_31, %add3A_954 : i32
      %broadcast_in_dim3A_956 = vector.broadcast %add3A_955 : i32 to vector<16xi32>
      %select_n3A_957 = arith.select %lt3A_952, %broadcast_in_dim3A_956, %select_n3A_943 : vector<16xi1>, vector<16xi32>
      %slice3A_958 = vector.extract_strided_slice %min3A_864 {offsets = [6], sizes = [1], strides = [1]} : vector<16xf32> to vector<1xf32>
      %squeeze3A_959 = vector.extract %slice3A_958[0] : f32 from vector<1xf32>
      %get3A_960 = arith.constant 6 : i32
      %get3A_961 = arith.index_cast %get3A_960 : i32 to index
      %get3A_962 = arith.constant 0 : index
      %get3A_963 = tpu.vector_load %arg7[%get3A_961, %get3A_962] {strides = array<i32>} : memref<64x16xf32, #tpu.memory_space<vmem>>, vector<16xf32>,
      %add3A_964 = vector.broadcast %squeeze3A_959 : f32 to vector<16xf32>
      %add3A_965 = arith.addf %add3A_964, %get3A_963 : vector<16xf32>
      %lt3A_966 = arith.cmpf olt, %add3A_965, %min3A_953 : vector<16xf32>
      %min3A_967 = arith.minimumf %add3A_965, %min3A_953 : vector<16xf32>
      %add3A_968 = arith.constant 6 : i32
      %add3A_969 = arith.addi %mul3A_31, %add3A_968 : i32
      %broadcast_in_dim3A_970 = vector.broadcast %add3A_969 : i32 to vector<16xi32>
      %select_n3A_971 = arith.select %lt3A_966, %broadcast_in_dim3A_970, %select_n3A_957 : vector<16xi1>, vector<16xi32>
      %slice3A_972 = vector.extract_strided_slice %min3A_864 {offsets = [7], sizes = [1], strides = [1]} : vector<16xf32> to vector<1xf32>
      %squeeze3A_973 = vector.extract %slice3A_972[0] : f32 from vector<1xf32>
      %get3A_974 = arith.constant 7 : i32
      %get3A_975 = arith.index_cast %get3A_974 : i32 to index
      %get3A_976 = arith.constant 0 : index
      %get3A_977 = tpu.vector_load %arg7[%get3A_975, %get3A_976] {strides = array<i32>} : memref<64x16xf32, #tpu.memory_space<vmem>>, vector<16xf32>,
      %add3A_978 = vector.broadcast %squeeze3A_973 : f32 to vector<16xf32>
      %add3A_979 = arith.addf %add3A_978, %get3A_977 : vector<16xf32>
      %lt3A_980 = arith.cmpf olt, %add3A_979, %min3A_967 : vector<16xf32>
      %min3A_981 = arith.minimumf %add3A_979, %min3A_967 : vector<16xf32>
      %add3A_982 = arith.constant 7 : i32
      %add3A_983 = arith.addi %mul3A_31, %add3A_982 : i32
      %broadcast_in_dim3A_984 = vector.broadcast %add3A_983 : i32 to vector<16xi32>
      %select_n3A_985 = arith.select %lt3A_980, %broadcast_in_dim3A_984, %select_n3A_971 : vector<16xi1>, vector<16xi32>
      %slice3A_986 = vector.extract_strided_slice %min3A_864 {offsets = [8], sizes = [1], strides = [1]} : vector<16xf32> to vector<1xf32>
      %squeeze3A_987 = vector.extract %slice3A_986[0] : f32 from vector<1xf32>
      %get3A_988 = arith.constant 8 : i32
      %get3A_989 = arith.index_cast %get3A_988 : i32 to index
      %get3A_990 = arith.constant 0 : index
      %get3A_991 = tpu.vector_load %arg7[%get3A_989, %get3A_990] {strides = array<i32>} : memref<64x16xf32, #tpu.memory_space<vmem>>, vector<16xf32>,
      %add3A_992 = vector.broadcast %squeeze3A_987 : f32 to vector<16xf32>
      %add3A_993 = arith.addf %add3A_992, %get3A_991 : vector<16xf32>
      %lt3A_994 = arith.cmpf olt, %add3A_993, %min3A_981 : vector<16xf32>
      %min3A_995 = arith.minimumf %add3A_993, %min3A_981 : vector<16xf32>
      %add3A_996 = arith.constant 8 : i32
      %add3A_997 = arith.addi %mul3A_31, %add3A_996 : i32
      %broadcast_in_dim3A_998 = vector.broadcast %add3A_997 : i32 to vector<16xi32>
      %select_n3A_999 = arith.select %lt3A_994, %broadcast_in_dim3A_998, %select_n3A_985 : vector<16xi1>, vector<16xi32>
      %slice3A_1000 = vector.extract_strided_slice %min3A_864 {offsets = [9], sizes = [1], strides = [1]} : vector<16xf32> to vector<1xf32>
      %squeeze3A_1001 = vector.extract %slice3A_1000[0] : f32 from vector<1xf32>
      %get3A_1002 = arith.constant 9 : i32
      %get3A_1003 = arith.index_cast %get3A_1002 : i32 to index
      %get3A_1004 = arith.constant 0 : index
      %get3A_1005 = tpu.vector_load %arg7[%get3A_1003, %get3A_1004] {strides = array<i32>} : memref<64x16xf32, #tpu.memory_space<vmem>>, vector<16xf32>,
      %add3A_1006 = vector.broadcast %squeeze3A_1001 : f32 to vector<16xf32>
      %add3A_1007 = arith.addf %add3A_1006, %get3A_1005 : vector<16xf32>
      %lt3A_1008 = arith.cmpf olt, %add3A_1007, %min3A_995 : vector<16xf32>
      %min3A_1009 = arith.minimumf %add3A_1007, %min3A_995 : vector<16xf32>
      %add3A_1010 = arith.constant 9 : i32
      %add3A_1011 = arith.addi %mul3A_31, %add3A_1010 : i32
      %broadcast_in_dim3A_1012 = vector.broadcast %add3A_1011 : i32 to vector<16xi32>
      %select_n3A_1013 = arith.select %lt3A_1008, %broadcast_in_dim3A_1012, %select_n3A_999 : vector<16xi1>, vector<16xi32>
      %slice3A_1014 = vector.extract_strided_slice %min3A_864 {offsets = [10], sizes = [1], strides = [1]} : vector<16xf32> to vector<1xf32>
      %squeeze3A_1015 = vector.extract %slice3A_1014[0] : f32 from vector<1xf32>
      %get3A_1016 = arith.constant 10 : i32
      %get3A_1017 = arith.index_cast %get3A_1016 : i32 to index
      %get3A_1018 = arith.constant 0 : index
      %get3A_1019 = tpu.vector_load %arg7[%get3A_1017, %get3A_1018] {strides = array<i32>} : memref<64x16xf32, #tpu.memory_space<vmem>>, vector<16xf32>,
      %add3A_1020 = vector.broadcast %squeeze3A_1015 : f32 to vector<16xf32>
      %add3A_1021 = arith.addf %add3A_1020, %get3A_1019 : vector<16xf32>
      %lt3A_1022 = arith.cmpf olt, %add3A_1021, %min3A_1009 : vector<16xf32>
      %min3A_1023 = arith.minimumf %add3A_1021, %min3A_1009 : vector<16xf32>
      %add3A_1024 = arith.constant 10 : i32
      %add3A_1025 = arith.addi %mul3A_31, %add3A_1024 : i32
      %broadcast_in_dim3A_1026 = vector.broadcast %add3A_1025 : i32 to vector<16xi32>
      %select_n3A_1027 = arith.select %lt3A_1022, %broadcast_in_dim3A_1026, %select_n3A_1013 : vector<16xi1>, vector<16xi32>
      %slice3A_1028 = vector.extract_strided_slice %min3A_864 {offsets = [11], sizes = [1], strides = [1]} : vector<16xf32> to vector<1xf32>
      %squeeze3A_1029 = vector.extract %slice3A_1028[0] : f32 from vector<1xf32>
      %get3A_1030 = arith.constant 11 : i32
      %get3A_1031 = arith.index_cast %get3A_1030 : i32 to index
      %get3A_1032 = arith.constant 0 : index
      %get3A_1033 = tpu.vector_load %arg7[%get3A_1031, %get3A_1032] {strides = array<i32>} : memref<64x16xf32, #tpu.memory_space<vmem>>, vector<16xf32>,
      %add3A_1034 = vector.broadcast %squeeze3A_1029 : f32 to vector<16xf32>
      %add3A_1035 = arith.addf %add3A_1034, %get3A_1033 : vector<16xf32>
      %lt3A_1036 = arith.cmpf olt, %add3A_1035, %min3A_1023 : vector<16xf32>
      %min3A_1037 = arith.minimumf %add3A_1035, %min3A_1023 : vector<16xf32>
      %add3A_1038 = arith.constant 11 : i32
      %add3A_1039 = arith.addi %mul3A_31, %add3A_1038 : i32
      %broadcast_in_dim3A_1040 = vector.broadcast %add3A_1039 : i32 to vector<16xi32>
      %select_n3A_1041 = arith.select %lt3A_1036, %broadcast_in_dim3A_1040, %select_n3A_1027 : vector<16xi1>, vector<16xi32>
      %slice3A_1042 = vector.extract_strided_slice %min3A_864 {offsets = [12], sizes = [1], strides = [1]} : vector<16xf32> to vector<1xf32>
      %squeeze3A_1043 = vector.extract %slice3A_1042[0] : f32 from vector<1xf32>
      %get3A_1044 = arith.constant 12 : i32
      %get3A_1045 = arith.index_cast %get3A_1044 : i32 to index
      %get3A_1046 = arith.constant 0 : index
      %get3A_1047 = tpu.vector_load %arg7[%get3A_1045, %get3A_1046] {strides = array<i32>} : memref<64x16xf32, #tpu.memory_space<vmem>>, vector<16xf32>,
      %add3A_1048 = vector.broadcast %squeeze3A_1043 : f32 to vector<16xf32>
      %add3A_1049 = arith.addf %add3A_1048, %get3A_1047 : vector<16xf32>
      %lt3A_1050 = arith.cmpf olt, %add3A_1049, %min3A_1037 : vector<16xf32>
      %min3A_1051 = arith.minimumf %add3A_1049, %min3A_1037 : vector<16xf32>
      %add3A_1052 = arith.constant 12 : i32
      %add3A_1053 = arith.addi %mul3A_31, %add3A_1052 : i32
      %broadcast_in_dim3A_1054 = vector.broadcast %add3A_1053 : i32 to vector<16xi32>
      %select_n3A_1055 = arith.select %lt3A_1050, %broadcast_in_dim3A_1054, %select_n3A_1041 : vector<16xi1>, vector<16xi32>
      %slice3A_1056 = vector.extract_strided_slice %min3A_864 {offsets = [13], sizes = [1], strides = [1]} : vector<16xf32> to vector<1xf32>
      %squeeze3A_1057 = vector.extract %slice3A_1056[0] : f32 from vector<1xf32>
      %get3A_1058 = arith.constant 13 : i32
      %get3A_1059 = arith.index_cast %get3A_1058 : i32 to index
      %get3A_1060 = arith.constant 0 : index
      %get3A_1061 = tpu.vector_load %arg7[%get3A_1059, %get3A_1060] {strides = array<i32>} : memref<64x16xf32, #tpu.memory_space<vmem>>, vector<16xf32>,
      %add3A_1062 = vector.broadcast %squeeze3A_1057 : f32 to vector<16xf32>
      %add3A_1063 = arith.addf %add3A_1062, %get3A_1061 : vector<16xf32>
      %lt3A_1064 = arith.cmpf olt, %add3A_1063, %min3A_1051 : vector<16xf32>
      %min3A_1065 = arith.minimumf %add3A_1063, %min3A_1051 : vector<16xf32>
      %add3A_1066 = arith.constant 13 : i32
      %add3A_1067 = arith.addi %mul3A_31, %add3A_1066 : i32
      %broadcast_in_dim3A_1068 = vector.broadcast %add3A_1067 : i32 to vector<16xi32>
      %select_n3A_1069 = arith.select %lt3A_1064, %broadcast_in_dim3A_1068, %select_n3A_1055 : vector<16xi1>, vector<16xi32>
      %slice3A_1070 = vector.extract_strided_slice %min3A_864 {offsets = [14], sizes = [1], strides = [1]} : vector<16xf32> to vector<1xf32>
      %squeeze3A_1071 = vector.extract %slice3A_1070[0] : f32 from vector<1xf32>
      %get3A_1072 = arith.constant 14 : i32
      %get3A_1073 = arith.index_cast %get3A_1072 : i32 to index
      %get3A_1074 = arith.constant 0 : index
      %get3A_1075 = tpu.vector_load %arg7[%get3A_1073, %get3A_1074] {strides = array<i32>} : memref<64x16xf32, #tpu.memory_space<vmem>>, vector<16xf32>,
      %add3A_1076 = vector.broadcast %squeeze3A_1071 : f32 to vector<16xf32>
      %add3A_1077 = arith.addf %add3A_1076, %get3A_1075 : vector<16xf32>
      %lt3A_1078 = arith.cmpf olt, %add3A_1077, %min3A_1065 : vector<16xf32>
      %min3A_1079 = arith.minimumf %add3A_1077, %min3A_1065 : vector<16xf32>
      %add3A_1080 = arith.constant 14 : i32
      %add3A_1081 = arith.addi %mul3A_31, %add3A_1080 : i32
      %broadcast_in_dim3A_1082 = vector.broadcast %add3A_1081 : i32 to vector<16xi32>
      %select_n3A_1083 = arith.select %lt3A_1078, %broadcast_in_dim3A_1082, %select_n3A_1069 : vector<16xi1>, vector<16xi32>
      %slice3A_1084 = vector.extract_strided_slice %min3A_864 {offsets = [15], sizes = [1], strides = [1]} : vector<16xf32> to vector<1xf32>
      %squeeze3A_1085 = vector.extract %slice3A_1084[0] : f32 from vector<1xf32>
      %get3A_1086 = arith.constant 15 : i32
      %get3A_1087 = arith.index_cast %get3A_1086 : i32 to index
      %get3A_1088 = arith.constant 0 : index
      %get3A_1089 = tpu.vector_load %arg7[%get3A_1087, %get3A_1088] {strides = array<i32>} : memref<64x16xf32, #tpu.memory_space<vmem>>, vector<16xf32>,
      %add3A_1090 = vector.broadcast %squeeze3A_1085 : f32 to vector<16xf32>
      %add3A_1091 = arith.addf %add3A_1090, %get3A_1089 : vector<16xf32>
      %lt3A_1092 = arith.cmpf olt, %add3A_1091, %min3A_1079 : vector<16xf32>
      %min3A_1093 = arith.minimumf %add3A_1091, %min3A_1079 : vector<16xf32>
      %add3A_1094 = arith.constant 15 : i32
      %add3A_1095 = arith.addi %mul3A_31, %add3A_1094 : i32
      %broadcast_in_dim3A_1096 = vector.broadcast %add3A_1095 : i32 to vector<16xi32>
      %select_n3A_1097 = arith.select %lt3A_1092, %broadcast_in_dim3A_1096, %select_n3A_1083 : vector<16xi1>, vector<16xi32>
      %slice3A_1098 = vector.extract_strided_slice %min3A_873 {offsets = [0], sizes = [1], strides = [1]} : vector<16xf32> to vector<1xf32>
      %squeeze3A_1099 = vector.extract %slice3A_1098[0] : f32 from vector<1xf32>
      %get3A_1100 = arith.constant 16 : i32
      %get3A_1101 = arith.index_cast %get3A_1100 : i32 to index
      %get3A_1102 = arith.constant 0 : index
      %get3A_1103 = tpu.vector_load %arg7[%get3A_1101, %get3A_1102] {strides = array<i32>} : memref<64x16xf32, #tpu.memory_space<vmem>>, vector<16xf32>,
      %add3A_1104 = vector.broadcast %squeeze3A_1099 : f32 to vector<16xf32>
      %add3A_1105 = arith.addf %add3A_1104, %get3A_1103 : vector<16xf32>
      %lt3A_1106 = arith.cmpf olt, %add3A_1105, %min3A_1093 : vector<16xf32>
      %min3A_1107 = arith.minimumf %add3A_1105, %min3A_1093 : vector<16xf32>
      %add3A_1108 = arith.constant 16 : i32
      %add3A_1109 = arith.addi %mul3A_31, %add3A_1108 : i32
      %broadcast_in_dim3A_1110 = vector.broadcast %add3A_1109 : i32 to vector<16xi32>
      %select_n3A_1111 = arith.select %lt3A_1106, %broadcast_in_dim3A_1110, %select_n3A_1097 : vector<16xi1>, vector<16xi32>
      %slice3A_1112 = vector.extract_strided_slice %min3A_873 {offsets = [1], sizes = [1], strides = [1]} : vector<16xf32> to vector<1xf32>
      %squeeze3A_1113 = vector.extract %slice3A_1112[0] : f32 from vector<1xf32>
      %get3A_1114 = arith.constant 17 : i32
      %get3A_1115 = arith.index_cast %get3A_1114 : i32 to index
      %get3A_1116 = arith.constant 0 : index
      %get3A_1117 = tpu.vector_load %arg7[%get3A_1115, %get3A_1116] {strides = array<i32>} : memref<64x16xf32, #tpu.memory_space<vmem>>, vector<16xf32>,
      %add3A_1118 = vector.broadcast %squeeze3A_1113 : f32 to vector<16xf32>
      %add3A_1119 = arith.addf %add3A_1118, %get3A_1117 : vector<16xf32>
      %lt3A_1120 = arith.cmpf olt, %add3A_1119, %min3A_1107 : vector<16xf32>
      %min3A_1121 = arith.minimumf %add3A_1119, %min3A_1107 : vector<16xf32>
      %add3A_1122 = arith.constant 17 : i32
      %add3A_1123 = arith.addi %mul3A_31, %add3A_1122 : i32
      %broadcast_in_dim3A_1124 = vector.broadcast %add3A_1123 : i32 to vector<16xi32>
      %select_n3A_1125 = arith.select %lt3A_1120, %broadcast_in_dim3A_1124, %select_n3A_1111 : vector<16xi1>, vector<16xi32>
      %slice3A_1126 = vector.extract_strided_slice %min3A_873 {offsets = [2], sizes = [1], strides = [1]} : vector<16xf32> to vector<1xf32>
      %squeeze3A_1127 = vector.extract %slice3A_1126[0] : f32 from vector<1xf32>
      %get3A_1128 = arith.constant 18 : i32
      %get3A_1129 = arith.index_cast %get3A_1128 : i32 to index
      %get3A_1130 = arith.constant 0 : index
      %get3A_1131 = tpu.vector_load %arg7[%get3A_1129, %get3A_1130] {strides = array<i32>} : memref<64x16xf32, #tpu.memory_space<vmem>>, vector<16xf32>,
      %add3A_1132 = vector.broadcast %squeeze3A_1127 : f32 to vector<16xf32>
      %add3A_1133 = arith.addf %add3A_1132, %get3A_1131 : vector<16xf32>
      %lt3A_1134 = arith.cmpf olt, %add3A_1133, %min3A_1121 : vector<16xf32>
      %min3A_1135 = arith.minimumf %add3A_1133, %min3A_1121 : vector<16xf32>
      %add3A_1136 = arith.constant 18 : i32
      %add3A_1137 = arith.addi %mul3A_31, %add3A_1136 : i32
      %broadcast_in_dim3A_1138 = vector.broadcast %add3A_1137 : i32 to vector<16xi32>
      %select_n3A_1139 = arith.select %lt3A_1134, %broadcast_in_dim3A_1138, %select_n3A_1125 : vector<16xi1>, vector<16xi32>
      %slice3A_1140 = vector.extract_strided_slice %min3A_873 {offsets = [3], sizes = [1], strides = [1]} : vector<16xf32> to vector<1xf32>
      %squeeze3A_1141 = vector.extract %slice3A_1140[0] : f32 from vector<1xf32>
      %get3A_1142 = arith.constant 19 : i32
      %get3A_1143 = arith.index_cast %get3A_1142 : i32 to index
      %get3A_1144 = arith.constant 0 : index
      %get3A_1145 = tpu.vector_load %arg7[%get3A_1143, %get3A_1144] {strides = array<i32>} : memref<64x16xf32, #tpu.memory_space<vmem>>, vector<16xf32>,
      %add3A_1146 = vector.broadcast %squeeze3A_1141 : f32 to vector<16xf32>
      %add3A_1147 = arith.addf %add3A_1146, %get3A_1145 : vector<16xf32>
      %lt3A_1148 = arith.cmpf olt, %add3A_1147, %min3A_1135 : vector<16xf32>
      %min3A_1149 = arith.minimumf %add3A_1147, %min3A_1135 : vector<16xf32>
      %add3A_1150 = arith.constant 19 : i32
      %add3A_1151 = arith.addi %mul3A_31, %add3A_1150 : i32
      %broadcast_in_dim3A_1152 = vector.broadcast %add3A_1151 : i32 to vector<16xi32>
      %select_n3A_1153 = arith.select %lt3A_1148, %broadcast_in_dim3A_1152, %select_n3A_1139 : vector<16xi1>, vector<16xi32>
      %slice3A_1154 = vector.extract_strided_slice %min3A_873 {offsets = [4], sizes = [1], strides = [1]} : vector<16xf32> to vector<1xf32>
      %squeeze3A_1155 = vector.extract %slice3A_1154[0] : f32 from vector<1xf32>
      %get3A_1156 = arith.constant 20 : i32
      %get3A_1157 = arith.index_cast %get3A_1156 : i32 to index
      %get3A_1158 = arith.constant 0 : index
      %get3A_1159 = tpu.vector_load %arg7[%get3A_1157, %get3A_1158] {strides = array<i32>} : memref<64x16xf32, #tpu.memory_space<vmem>>, vector<16xf32>,
      %add3A_1160 = vector.broadcast %squeeze3A_1155 : f32 to vector<16xf32>
      %add3A_1161 = arith.addf %add3A_1160, %get3A_1159 : vector<16xf32>
      %lt3A_1162 = arith.cmpf olt, %add3A_1161, %min3A_1149 : vector<16xf32>
      %min3A_1163 = arith.minimumf %add3A_1161, %min3A_1149 : vector<16xf32>
      %add3A_1164 = arith.constant 20 : i32
      %add3A_1165 = arith.addi %mul3A_31, %add3A_1164 : i32
      %broadcast_in_dim3A_1166 = vector.broadcast %add3A_1165 : i32 to vector<16xi32>
      %select_n3A_1167 = arith.select %lt3A_1162, %broadcast_in_dim3A_1166, %select_n3A_1153 : vector<16xi1>, vector<16xi32>
      %slice3A_1168 = vector.extract_strided_slice %min3A_873 {offsets = [5], sizes = [1], strides = [1]} : vector<16xf32> to vector<1xf32>
      %squeeze3A_1169 = vector.extract %slice3A_1168[0] : f32 from vector<1xf32>
      %get3A_1170 = arith.constant 21 : i32
      %get3A_1171 = arith.index_cast %get3A_1170 : i32 to index
      %get3A_1172 = arith.constant 0 : index
      %get3A_1173 = tpu.vector_load %arg7[%get3A_1171, %get3A_1172] {strides = array<i32>} : memref<64x16xf32, #tpu.memory_space<vmem>>, vector<16xf32>,
      %add3A_1174 = vector.broadcast %squeeze3A_1169 : f32 to vector<16xf32>
      %add3A_1175 = arith.addf %add3A_1174, %get3A_1173 : vector<16xf32>
      %lt3A_1176 = arith.cmpf olt, %add3A_1175, %min3A_1163 : vector<16xf32>
      %min3A_1177 = arith.minimumf %add3A_1175, %min3A_1163 : vector<16xf32>
      %add3A_1178 = arith.constant 21 : i32
      %add3A_1179 = arith.addi %mul3A_31, %add3A_1178 : i32
      %broadcast_in_dim3A_1180 = vector.broadcast %add3A_1179 : i32 to vector<16xi32>
      %select_n3A_1181 = arith.select %lt3A_1176, %broadcast_in_dim3A_1180, %select_n3A_1167 : vector<16xi1>, vector<16xi32>
      %slice3A_1182 = vector.extract_strided_slice %min3A_873 {offsets = [6], sizes = [1], strides = [1]} : vector<16xf32> to vector<1xf32>
      %squeeze3A_1183 = vector.extract %slice3A_1182[0] : f32 from vector<1xf32>
      %get3A_1184 = arith.constant 22 : i32
      %get3A_1185 = arith.index_cast %get3A_1184 : i32 to index
      %get3A_1186 = arith.constant 0 : index
      %get3A_1187 = tpu.vector_load %arg7[%get3A_1185, %get3A_1186] {strides = array<i32>} : memref<64x16xf32, #tpu.memory_space<vmem>>, vector<16xf32>,
      %add3A_1188 = vector.broadcast %squeeze3A_1183 : f32 to vector<16xf32>
      %add3A_1189 = arith.addf %add3A_1188, %get3A_1187 : vector<16xf32>
      %lt3A_1190 = arith.cmpf olt, %add3A_1189, %min3A_1177 : vector<16xf32>
      %min3A_1191 = arith.minimumf %add3A_1189, %min3A_1177 : vector<16xf32>
      %add3A_1192 = arith.constant 22 : i32
      %add3A_1193 = arith.addi %mul3A_31, %add3A_1192 : i32
      %broadcast_in_dim3A_1194 = vector.broadcast %add3A_1193 : i32 to vector<16xi32>
      %select_n3A_1195 = arith.select %lt3A_1190, %broadcast_in_dim3A_1194, %select_n3A_1181 : vector<16xi1>, vector<16xi32>
      %slice3A_1196 = vector.extract_strided_slice %min3A_873 {offsets = [7], sizes = [1], strides = [1]} : vector<16xf32> to vector<1xf32>
      %squeeze3A_1197 = vector.extract %slice3A_1196[0] : f32 from vector<1xf32>
      %get3A_1198 = arith.constant 23 : i32
      %get3A_1199 = arith.index_cast %get3A_1198 : i32 to index
      %get3A_1200 = arith.constant 0 : index
      %get3A_1201 = tpu.vector_load %arg7[%get3A_1199, %get3A_1200] {strides = array<i32>} : memref<64x16xf32, #tpu.memory_space<vmem>>, vector<16xf32>,
      %add3A_1202 = vector.broadcast %squeeze3A_1197 : f32 to vector<16xf32>
      %add3A_1203 = arith.addf %add3A_1202, %get3A_1201 : vector<16xf32>
      %lt3A_1204 = arith.cmpf olt, %add3A_1203, %min3A_1191 : vector<16xf32>
      %min3A_1205 = arith.minimumf %add3A_1203, %min3A_1191 : vector<16xf32>
      %add3A_1206 = arith.constant 23 : i32
      %add3A_1207 = arith.addi %mul3A_31, %add3A_1206 : i32
      %broadcast_in_dim3A_1208 = vector.broadcast %add3A_1207 : i32 to vector<16xi32>
      %select_n3A_1209 = arith.select %lt3A_1204, %broadcast_in_dim3A_1208, %select_n3A_1195 : vector<16xi1>, vector<16xi32>
      %slice3A_1210 = vector.extract_strided_slice %min3A_873 {offsets = [8], sizes = [1], strides = [1]} : vector<16xf32> to vector<1xf32>
      %squeeze3A_1211 = vector.extract %slice3A_1210[0] : f32 from vector<1xf32>
      %get3A_1212 = arith.constant 24 : i32
      %get3A_1213 = arith.index_cast %get3A_1212 : i32 to index
      %get3A_1214 = arith.constant 0 : index
      %get3A_1215 = tpu.vector_load %arg7[%get3A_1213, %get3A_1214] {strides = array<i32>} : memref<64x16xf32, #tpu.memory_space<vmem>>, vector<16xf32>,
      %add3A_1216 = vector.broadcast %squeeze3A_1211 : f32 to vector<16xf32>
      %add3A_1217 = arith.addf %add3A_1216, %get3A_1215 : vector<16xf32>
      %lt3A_1218 = arith.cmpf olt, %add3A_1217, %min3A_1205 : vector<16xf32>
      %min3A_1219 = arith.minimumf %add3A_1217, %min3A_1205 : vector<16xf32>
      %add3A_1220 = arith.constant 24 : i32
      %add3A_1221 = arith.addi %mul3A_31, %add3A_1220 : i32
      %broadcast_in_dim3A_1222 = vector.broadcast %add3A_1221 : i32 to vector<16xi32>
      %select_n3A_1223 = arith.select %lt3A_1218, %broadcast_in_dim3A_1222, %select_n3A_1209 : vector<16xi1>, vector<16xi32>
      %slice3A_1224 = vector.extract_strided_slice %min3A_873 {offsets = [9], sizes = [1], strides = [1]} : vector<16xf32> to vector<1xf32>
      %squeeze3A_1225 = vector.extract %slice3A_1224[0] : f32 from vector<1xf32>
      %get3A_1226 = arith.constant 25 : i32
      %get3A_1227 = arith.index_cast %get3A_1226 : i32 to index
      %get3A_1228 = arith.constant 0 : index
      %get3A_1229 = tpu.vector_load %arg7[%get3A_1227, %get3A_1228] {strides = array<i32>} : memref<64x16xf32, #tpu.memory_space<vmem>>, vector<16xf32>,
      %add3A_1230 = vector.broadcast %squeeze3A_1225 : f32 to vector<16xf32>
      %add3A_1231 = arith.addf %add3A_1230, %get3A_1229 : vector<16xf32>
      %lt3A_1232 = arith.cmpf olt, %add3A_1231, %min3A_1219 : vector<16xf32>
      %min3A_1233 = arith.minimumf %add3A_1231, %min3A_1219 : vector<16xf32>
      %add3A_1234 = arith.constant 25 : i32
      %add3A_1235 = arith.addi %mul3A_31, %add3A_1234 : i32
      %broadcast_in_dim3A_1236 = vector.broadcast %add3A_1235 : i32 to vector<16xi32>
      %select_n3A_1237 = arith.select %lt3A_1232, %broadcast_in_dim3A_1236, %select_n3A_1223 : vector<16xi1>, vector<16xi32>
      %slice3A_1238 = vector.extract_strided_slice %min3A_873 {offsets = [10], sizes = [1], strides = [1]} : vector<16xf32> to vector<1xf32>
      %squeeze3A_1239 = vector.extract %slice3A_1238[0] : f32 from vector<1xf32>
      %get3A_1240 = arith.constant 26 : i32
      %get3A_1241 = arith.index_cast %get3A_1240 : i32 to index
      %get3A_1242 = arith.constant 0 : index
      %get3A_1243 = tpu.vector_load %arg7[%get3A_1241, %get3A_1242] {strides = array<i32>} : memref<64x16xf32, #tpu.memory_space<vmem>>, vector<16xf32>,
      %add3A_1244 = vector.broadcast %squeeze3A_1239 : f32 to vector<16xf32>
      %add3A_1245 = arith.addf %add3A_1244, %get3A_1243 : vector<16xf32>
      %lt3A_1246 = arith.cmpf olt, %add3A_1245, %min3A_1233 : vector<16xf32>
      %min3A_1247 = arith.minimumf %add3A_1245, %min3A_1233 : vector<16xf32>
      %add3A_1248 = arith.constant 26 : i32
      %add3A_1249 = arith.addi %mul3A_31, %add3A_1248 : i32
      %broadcast_in_dim3A_1250 = vector.broadcast %add3A_1249 : i32 to vector<16xi32>
      %select_n3A_1251 = arith.select %lt3A_1246, %broadcast_in_dim3A_1250, %select_n3A_1237 : vector<16xi1>, vector<16xi32>
      %slice3A_1252 = vector.extract_strided_slice %min3A_873 {offsets = [11], sizes = [1], strides = [1]} : vector<16xf32> to vector<1xf32>
      %squeeze3A_1253 = vector.extract %slice3A_1252[0] : f32 from vector<1xf32>
      %get3A_1254 = arith.constant 27 : i32
      %get3A_1255 = arith.index_cast %get3A_1254 : i32 to index
      %get3A_1256 = arith.constant 0 : index
      %get3A_1257 = tpu.vector_load %arg7[%get3A_1255, %get3A_1256] {strides = array<i32>} : memref<64x16xf32, #tpu.memory_space<vmem>>, vector<16xf32>,
      %add3A_1258 = vector.broadcast %squeeze3A_1253 : f32 to vector<16xf32>
      %add3A_1259 = arith.addf %add3A_1258, %get3A_1257 : vector<16xf32>
      %lt3A_1260 = arith.cmpf olt, %add3A_1259, %min3A_1247 : vector<16xf32>
      %min3A_1261 = arith.minimumf %add3A_1259, %min3A_1247 : vector<16xf32>
      %add3A_1262 = arith.constant 27 : i32
      %add3A_1263 = arith.addi %mul3A_31, %add3A_1262 : i32
      %broadcast_in_dim3A_1264 = vector.broadcast %add3A_1263 : i32 to vector<16xi32>
      %select_n3A_1265 = arith.select %lt3A_1260, %broadcast_in_dim3A_1264, %select_n3A_1251 : vector<16xi1>, vector<16xi32>
      %slice3A_1266 = vector.extract_strided_slice %min3A_873 {offsets = [12], sizes = [1], strides = [1]} : vector<16xf32> to vector<1xf32>
      %squeeze3A_1267 = vector.extract %slice3A_1266[0] : f32 from vector<1xf32>
      %get3A_1268 = arith.constant 28 : i32
      %get3A_1269 = arith.index_cast %get3A_1268 : i32 to index
      %get3A_1270 = arith.constant 0 : index
      %get3A_1271 = tpu.vector_load %arg7[%get3A_1269, %get3A_1270] {strides = array<i32>} : memref<64x16xf32, #tpu.memory_space<vmem>>, vector<16xf32>,
      %add3A_1272 = vector.broadcast %squeeze3A_1267 : f32 to vector<16xf32>
      %add3A_1273 = arith.addf %add3A_1272, %get3A_1271 : vector<16xf32>
      %lt3A_1274 = arith.cmpf olt, %add3A_1273, %min3A_1261 : vector<16xf32>
      %min3A_1275 = arith.minimumf %add3A_1273, %min3A_1261 : vector<16xf32>
      %add3A_1276 = arith.constant 28 : i32
      %add3A_1277 = arith.addi %mul3A_31, %add3A_1276 : i32
      %broadcast_in_dim3A_1278 = vector.broadcast %add3A_1277 : i32 to vector<16xi32>
      %select_n3A_1279 = arith.select %lt3A_1274, %broadcast_in_dim3A_1278, %select_n3A_1265 : vector<16xi1>, vector<16xi32>
      %slice3A_1280 = vector.extract_strided_slice %min3A_873 {offsets = [13], sizes = [1], strides = [1]} : vector<16xf32> to vector<1xf32>
      %squeeze3A_1281 = vector.extract %slice3A_1280[0] : f32 from vector<1xf32>
      %get3A_1282 = arith.constant 29 : i32
      %get3A_1283 = arith.index_cast %get3A_1282 : i32 to index
      %get3A_1284 = arith.constant 0 : index
      %get3A_1285 = tpu.vector_load %arg7[%get3A_1283, %get3A_1284] {strides = array<i32>} : memref<64x16xf32, #tpu.memory_space<vmem>>, vector<16xf32>,
      %add3A_1286 = vector.broadcast %squeeze3A_1281 : f32 to vector<16xf32>
      %add3A_1287 = arith.addf %add3A_1286, %get3A_1285 : vector<16xf32>
      %lt3A_1288 = arith.cmpf olt, %add3A_1287, %min3A_1275 : vector<16xf32>
      %min3A_1289 = arith.minimumf %add3A_1287, %min3A_1275 : vector<16xf32>
      %add3A_1290 = arith.constant 29 : i32
      %add3A_1291 = arith.addi %mul3A_31, %add3A_1290 : i32
      %broadcast_in_dim3A_1292 = vector.broadcast %add3A_1291 : i32 to vector<16xi32>
      %select_n3A_1293 = arith.select %lt3A_1288, %broadcast_in_dim3A_1292, %select_n3A_1279 : vector<16xi1>, vector<16xi32>
      %slice3A_1294 = vector.extract_strided_slice %min3A_873 {offsets = [14], sizes = [1], strides = [1]} : vector<16xf32> to vector<1xf32>
      %squeeze3A_1295 = vector.extract %slice3A_1294[0] : f32 from vector<1xf32>
      %get3A_1296 = arith.constant 30 : i32
      %get3A_1297 = arith.index_cast %get3A_1296 : i32 to index
      %get3A_1298 = arith.constant 0 : index
      %get3A_1299 = tpu.vector_load %arg7[%get3A_1297, %get3A_1298] {strides = array<i32>} : memref<64x16xf32, #tpu.memory_space<vmem>>, vector<16xf32>,
      %add3A_1300 = vector.broadcast %squeeze3A_1295 : f32 to vector<16xf32>
      %add3A_1301 = arith.addf %add3A_1300, %get3A_1299 : vector<16xf32>
      %lt3A_1302 = arith.cmpf olt, %add3A_1301, %min3A_1289 : vector<16xf32>
      %min3A_1303 = arith.minimumf %add3A_1301, %min3A_1289 : vector<16xf32>
      %add3A_1304 = arith.constant 30 : i32
      %add3A_1305 = arith.addi %mul3A_31, %add3A_1304 : i32
      %broadcast_in_dim3A_1306 = vector.broadcast %add3A_1305 : i32 to vector<16xi32>
      %select_n3A_1307 = arith.select %lt3A_1302, %broadcast_in_dim3A_1306, %select_n3A_1293 : vector<16xi1>, vector<16xi32>
      %slice3A_1308 = vector.extract_strided_slice %min3A_873 {offsets = [15], sizes = [1], strides = [1]} : vector<16xf32> to vector<1xf32>
      %squeeze3A_1309 = vector.extract %slice3A_1308[0] : f32 from vector<1xf32>
      %get3A_1310 = arith.constant 31 : i32
      %get3A_1311 = arith.index_cast %get3A_1310 : i32 to index
      %get3A_1312 = arith.constant 0 : index
      %get3A_1313 = tpu.vector_load %arg7[%get3A_1311, %get3A_1312] {strides = array<i32>} : memref<64x16xf32, #tpu.memory_space<vmem>>, vector<16xf32>,
      %add3A_1314 = vector.broadcast %squeeze3A_1309 : f32 to vector<16xf32>
      %add3A_1315 = arith.addf %add3A_1314, %get3A_1313 : vector<16xf32>
      %lt3A_1316 = arith.cmpf olt, %add3A_1315, %min3A_1303 : vector<16xf32>
      %min3A_1317 = arith.minimumf %add3A_1315, %min3A_1303 : vector<16xf32>
      %add3A_1318 = arith.constant 31 : i32
      %add3A_1319 = arith.addi %mul3A_31, %add3A_1318 : i32
      %broadcast_in_dim3A_1320 = vector.broadcast %add3A_1319 : i32 to vector<16xi32>
      %select_n3A_1321 = arith.select %lt3A_1316, %broadcast_in_dim3A_1320, %select_n3A_1307 : vector<16xi1>, vector<16xi32>
      %sub3A_1322 = arith.constant 1 : i32
      %sub3A_1323 = arith.subi %scan3A_816, %sub3A_1322 : i32
      %jit3A_1324 = arith.constant 2 : i32
      %eq3A_1325 = arith.constant 0 : i32
      %eq3A_1326 = arith.cmpi eq, %jit3A_1324, %eq3A_1325 : i32
      %jit3A_1327 = arith.constant 1 : i32
      %select_n3A_1328 = arith.select %eq3A_1326, %jit3A_1327, %jit3A_1324 : i32
      %rem3A_1329 = arith.remsi %sub3A_1323, %select_n3A_1328 : i32
      %ne3A_1330 = arith.constant 0 : i32
      %ne3A_1331 = arith.cmpi ne, %rem3A_1329, %ne3A_1330 : i32
      %lt3A_1332 = arith.constant 0 : i32
      %lt3A_1333 = arith.cmpi slt, %rem3A_1329, %lt3A_1332 : i32
      %lt3A_1334 = arith.constant 0 : i32
      %lt3A_1335 = arith.cmpi slt, %select_n3A_1328, %lt3A_1334 : i32
      %ne3A_1336 = arith.xori %lt3A_1333, %lt3A_1335 : i1
      %and3A_1337 = arith.andi %ne3A_1336, %ne3A_1331 : i1
      %add3A_1338 = arith.addi %rem3A_1329, %select_n3A_1328 : i32
      %select_n3A_1339 = arith.select %and3A_1337, %add3A_1338, %rem3A_1329 : i32
      %add3A_1340 = arith.constant 32 : i32
      %add3A_1341 = arith.addi %mul3A_31, %add3A_1340 : i32
      %dma_wait3A_1342 = arith.constant 0 : i32
      %dma_wait3A_1343 = arith.constant 0 : i32
      %dma_wait3A_1344 = arith.constant 32 : i32
      %dma_wait3A_1345 = tpu.memref_slice %arg8[%dma_wait3A_1343, %dma_wait3A_1344] : memref<2x64xf32, #tpu.memory_space<vmem>> -> memref<2x32xf32, #tpu.memory_space<vmem>>
      %dma_wait3A_1346 = arith.constant 0 : i32
      %dma_wait3A_1347 = tpu.memref_slice %arg16[%select_n3A_1339, %dma_wait3A_1346, %dma_wait3A_1342, %add3A_1341] : memref<2x2x2x128xf32, #tpu.memory_space<vmem_shared>> -> memref<1x2x1x32xf32, #tpu.memory_space<vmem_shared>>
      %dma_wait3A_1348 = tpu.memref_squeeze %dma_wait3A_1347 : memref<1x2x1x32xf32, #tpu.memory_space<vmem_shared>> -> memref<2x32xf32, #tpu.memory_space<vmem_shared>>
      %dma_wait3A_1349 = arith.constant 0 : i32
      %dma_wait3A_1350 = arith.constant 32 : i32
      %dma_wait3A_1351 = tpu.memref_slice %arg8[%dma_wait3A_1349, %dma_wait3A_1350] : memref<2x64xf32, #tpu.memory_space<vmem>> -> memref<2x32xf32, #tpu.memory_space<vmem>>
      %dma_wait3A_1352 = arith.constant 0 : i32
      %dma_wait3A_1353 = tpu.memref_slice %arg16[%select_n3A_1339, %dma_wait3A_1352, %dma_wait3A_1342, %add3A_1341] : memref<2x2x2x128xf32, #tpu.memory_space<vmem_shared>> -> memref<1x2x1x32xf32, #tpu.memory_space<vmem_shared>>
      %dma_wait3A_1354 = tpu.memref_squeeze %dma_wait3A_1353 : memref<1x2x1x32xf32, #tpu.memory_space<vmem_shared>> -> memref<2x32xf32, #tpu.memory_space<vmem_shared>>
      tpu.wait_dma2 semaphore(%arg19 : memref<!tpu.dma_semaphore, #tpu.memory_space<semaphore_mem>>) src(%dma_wait3A_1354 : memref<2x32xf32, #tpu.memory_space<vmem_shared>>) dst(%dma_wait3A_1351 : memref<2x32xf32, #tpu.memory_space<vmem>>)
      %get3A_1355 = arith.constant 0 : i32
      %get3A_1356 = arith.index_cast %get3A_1355 : i32 to index
      %get3A_1357 = arith.constant 32 : index
      %get3A_1358 = tpu.vector_load %arg8[%get3A_1356, %get3A_1357] {strides = array<i32>} : memref<2x64xf32, #tpu.memory_space<vmem>>, vector<16xf32>,
      %get3A_1359 = arith.constant 1 : i32
      %get3A_1360 = arith.index_cast %get3A_1359 : i32 to index
      %get3A_1361 = arith.constant 32 : index
      %get3A_1362 = tpu.vector_load %arg8[%get3A_1360, %get3A_1361] {strides = array<i32>} : memref<2x64xf32, #tpu.memory_space<vmem>>, vector<16xf32>,
      %min3A_1363 = arith.minimumf %get3A_1358, %get3A_1362 : vector<16xf32>
      %get3A_1364 = arith.constant 0 : i32
      %get3A_1365 = arith.index_cast %get3A_1364 : i32 to index
      %get3A_1366 = arith.constant 48 : index
      %get3A_1367 = tpu.vector_load %arg8[%get3A_1365, %get3A_1366] {strides = array<i32>} : memref<2x64xf32, #tpu.memory_space<vmem>>, vector<16xf32>,
      %get3A_1368 = arith.constant 1 : i32
      %get3A_1369 = arith.index_cast %get3A_1368 : i32 to index
      %get3A_1370 = arith.constant 48 : index
      %get3A_1371 = tpu.vector_load %arg8[%get3A_1369, %get3A_1370] {strides = array<i32>} : memref<2x64xf32, #tpu.memory_space<vmem>>, vector<16xf32>,
      %min3A_1372 = arith.minimumf %get3A_1367, %get3A_1371 : vector<16xf32>
      %slice3A_1373 = vector.extract_strided_slice %min3A_1363 {offsets = [0], sizes = [1], strides = [1]} : vector<16xf32> to vector<1xf32>
      %squeeze3A_1374 = vector.extract %slice3A_1373[0] : f32 from vector<1xf32>
      %get3A_1375 = arith.constant 32 : i32
      %get3A_1376 = arith.index_cast %get3A_1375 : i32 to index
      %get3A_1377 = arith.constant 0 : index
      %get3A_1378 = tpu.vector_load %arg7[%get3A_1376, %get3A_1377] {strides = array<i32>} : memref<64x16xf32, #tpu.memory_space<vmem>>, vector<16xf32>,
      %add3A_1379 = vector.broadcast %squeeze3A_1374 : f32 to vector<16xf32>
      %add3A_1380 = arith.addf %add3A_1379, %get3A_1378 : vector<16xf32>
      %lt3A_1381 = arith.cmpf olt, %add3A_1380, %broadcast_in_dim3A_820 : vector<16xf32>
      %min3A_1382 = arith.minimumf %add3A_1380, %broadcast_in_dim3A_820 : vector<16xf32>
      %add3A_1383 = arith.constant 32 : i32
      %add3A_1384 = arith.addi %mul3A_31, %add3A_1383 : i32
      %broadcast_in_dim3A_1385 = vector.broadcast %add3A_1384 : i32 to vector<16xi32>
      %select_n3A_1386 = arith.select %lt3A_1381, %broadcast_in_dim3A_1385, %broadcast_in_dim3A_824 : vector<16xi1>, vector<16xi32>
      %slice3A_1387 = vector.extract_strided_slice %min3A_1363 {offsets = [1], sizes = [1], strides = [1]} : vector<16xf32> to vector<1xf32>
      %squeeze3A_1388 = vector.extract %slice3A_1387[0] : f32 from vector<1xf32>
      %get3A_1389 = arith.constant 33 : i32
      %get3A_1390 = arith.index_cast %get3A_1389 : i32 to index
      %get3A_1391 = arith.constant 0 : index
      %get3A_1392 = tpu.vector_load %arg7[%get3A_1390, %get3A_1391] {strides = array<i32>} : memref<64x16xf32, #tpu.memory_space<vmem>>, vector<16xf32>,
      %add3A_1393 = vector.broadcast %squeeze3A_1388 : f32 to vector<16xf32>
      %add3A_1394 = arith.addf %add3A_1393, %get3A_1392 : vector<16xf32>
      %lt3A_1395 = arith.cmpf olt, %add3A_1394, %min3A_1382 : vector<16xf32>
      %min3A_1396 = arith.minimumf %add3A_1394, %min3A_1382 : vector<16xf32>
      %add3A_1397 = arith.constant 33 : i32
      %add3A_1398 = arith.addi %mul3A_31, %add3A_1397 : i32
      %broadcast_in_dim3A_1399 = vector.broadcast %add3A_1398 : i32 to vector<16xi32>
      %select_n3A_1400 = arith.select %lt3A_1395, %broadcast_in_dim3A_1399, %select_n3A_1386 : vector<16xi1>, vector<16xi32>
      %slice3A_1401 = vector.extract_strided_slice %min3A_1363 {offsets = [2], sizes = [1], strides = [1]} : vector<16xf32> to vector<1xf32>
      %squeeze3A_1402 = vector.extract %slice3A_1401[0] : f32 from vector<1xf32>
      %get3A_1403 = arith.constant 34 : i32
      %get3A_1404 = arith.index_cast %get3A_1403 : i32 to index
      %get3A_1405 = arith.constant 0 : index
      %get3A_1406 = tpu.vector_load %arg7[%get3A_1404, %get3A_1405] {strides = array<i32>} : memref<64x16xf32, #tpu.memory_space<vmem>>, vector<16xf32>,
      %add3A_1407 = vector.broadcast %squeeze3A_1402 : f32 to vector<16xf32>
      %add3A_1408 = arith.addf %add3A_1407, %get3A_1406 : vector<16xf32>
      %lt3A_1409 = arith.cmpf olt, %add3A_1408, %min3A_1396 : vector<16xf32>
      %min3A_1410 = arith.minimumf %add3A_1408, %min3A_1396 : vector<16xf32>
      %add3A_1411 = arith.constant 34 : i32
      %add3A_1412 = arith.addi %mul3A_31, %add3A_1411 : i32
      %broadcast_in_dim3A_1413 = vector.broadcast %add3A_1412 : i32 to vector<16xi32>
      %select_n3A_1414 = arith.select %lt3A_1409, %broadcast_in_dim3A_1413, %select_n3A_1400 : vector<16xi1>, vector<16xi32>
      %slice3A_1415 = vector.extract_strided_slice %min3A_1363 {offsets = [3], sizes = [1], strides = [1]} : vector<16xf32> to vector<1xf32>
      %squeeze3A_1416 = vector.extract %slice3A_1415[0] : f32 from vector<1xf32>
      %get3A_1417 = arith.constant 35 : i32
      %get3A_1418 = arith.index_cast %get3A_1417 : i32 to index
      %get3A_1419 = arith.constant 0 : index
      %get3A_1420 = tpu.vector_load %arg7[%get3A_1418, %get3A_1419] {strides = array<i32>} : memref<64x16xf32, #tpu.memory_space<vmem>>, vector<16xf32>,
      %add3A_1421 = vector.broadcast %squeeze3A_1416 : f32 to vector<16xf32>
      %add3A_1422 = arith.addf %add3A_1421, %get3A_1420 : vector<16xf32>
      %lt3A_1423 = arith.cmpf olt, %add3A_1422, %min3A_1410 : vector<16xf32>
      %min3A_1424 = arith.minimumf %add3A_1422, %min3A_1410 : vector<16xf32>
      %add3A_1425 = arith.constant 35 : i32
      %add3A_1426 = arith.addi %mul3A_31, %add3A_1425 : i32
      %broadcast_in_dim3A_1427 = vector.broadcast %add3A_1426 : i32 to vector<16xi32>
      %select_n3A_1428 = arith.select %lt3A_1423, %broadcast_in_dim3A_1427, %select_n3A_1414 : vector<16xi1>, vector<16xi32>
      %slice3A_1429 = vector.extract_strided_slice %min3A_1363 {offsets = [4], sizes = [1], strides = [1]} : vector<16xf32> to vector<1xf32>
      %squeeze3A_1430 = vector.extract %slice3A_1429[0] : f32 from vector<1xf32>
      %get3A_1431 = arith.constant 36 : i32
      %get3A_1432 = arith.index_cast %get3A_1431 : i32 to index
      %get3A_1433 = arith.constant 0 : index
      %get3A_1434 = tpu.vector_load %arg7[%get3A_1432, %get3A_1433] {strides = array<i32>} : memref<64x16xf32, #tpu.memory_space<vmem>>, vector<16xf32>,
      %add3A_1435 = vector.broadcast %squeeze3A_1430 : f32 to vector<16xf32>
      %add3A_1436 = arith.addf %add3A_1435, %get3A_1434 : vector<16xf32>
      %lt3A_1437 = arith.cmpf olt, %add3A_1436, %min3A_1424 : vector<16xf32>
      %min3A_1438 = arith.minimumf %add3A_1436, %min3A_1424 : vector<16xf32>
      %add3A_1439 = arith.constant 36 : i32
      %add3A_1440 = arith.addi %mul3A_31, %add3A_1439 : i32
      %broadcast_in_dim3A_1441 = vector.broadcast %add3A_1440 : i32 to vector<16xi32>
      %select_n3A_1442 = arith.select %lt3A_1437, %broadcast_in_dim3A_1441, %select_n3A_1428 : vector<16xi1>, vector<16xi32>
      %slice3A_1443 = vector.extract_strided_slice %min3A_1363 {offsets = [5], sizes = [1], strides = [1]} : vector<16xf32> to vector<1xf32>
      %squeeze3A_1444 = vector.extract %slice3A_1443[0] : f32 from vector<1xf32>
      %get3A_1445 = arith.constant 37 : i32
      %get3A_1446 = arith.index_cast %get3A_1445 : i32 to index
      %get3A_1447 = arith.constant 0 : index
      %get3A_1448 = tpu.vector_load %arg7[%get3A_1446, %get3A_1447] {strides = array<i32>} : memref<64x16xf32, #tpu.memory_space<vmem>>, vector<16xf32>,
      %add3A_1449 = vector.broadcast %squeeze3A_1444 : f32 to vector<16xf32>
      %add3A_1450 = arith.addf %add3A_1449, %get3A_1448 : vector<16xf32>
      %lt3A_1451 = arith.cmpf olt, %add3A_1450, %min3A_1438 : vector<16xf32>
      %min3A_1452 = arith.minimumf %add3A_1450, %min3A_1438 : vector<16xf32>
      %add3A_1453 = arith.constant 37 : i32
      %add3A_1454 = arith.addi %mul3A_31, %add3A_1453 : i32
      %broadcast_in_dim3A_1455 = vector.broadcast %add3A_1454 : i32 to vector<16xi32>
      %select_n3A_1456 = arith.select %lt3A_1451, %broadcast_in_dim3A_1455, %select_n3A_1442 : vector<16xi1>, vector<16xi32>
      %slice3A_1457 = vector.extract_strided_slice %min3A_1363 {offsets = [6], sizes = [1], strides = [1]} : vector<16xf32> to vector<1xf32>
      %squeeze3A_1458 = vector.extract %slice3A_1457[0] : f32 from vector<1xf32>
      %get3A_1459 = arith.constant 38 : i32
      %get3A_1460 = arith.index_cast %get3A_1459 : i32 to index
      %get3A_1461 = arith.constant 0 : index
      %get3A_1462 = tpu.vector_load %arg7[%get3A_1460, %get3A_1461] {strides = array<i32>} : memref<64x16xf32, #tpu.memory_space<vmem>>, vector<16xf32>,
      %add3A_1463 = vector.broadcast %squeeze3A_1458 : f32 to vector<16xf32>
      %add3A_1464 = arith.addf %add3A_1463, %get3A_1462 : vector<16xf32>
      %lt3A_1465 = arith.cmpf olt, %add3A_1464, %min3A_1452 : vector<16xf32>
      %min3A_1466 = arith.minimumf %add3A_1464, %min3A_1452 : vector<16xf32>
      %add3A_1467 = arith.constant 38 : i32
      %add3A_1468 = arith.addi %mul3A_31, %add3A_1467 : i32
      %broadcast_in_dim3A_1469 = vector.broadcast %add3A_1468 : i32 to vector<16xi32>
      %select_n3A_1470 = arith.select %lt3A_1465, %broadcast_in_dim3A_1469, %select_n3A_1456 : vector<16xi1>, vector<16xi32>
      %slice3A_1471 = vector.extract_strided_slice %min3A_1363 {offsets = [7], sizes = [1], strides = [1]} : vector<16xf32> to vector<1xf32>
      %squeeze3A_1472 = vector.extract %slice3A_1471[0] : f32 from vector<1xf32>
      %get3A_1473 = arith.constant 39 : i32
      %get3A_1474 = arith.index_cast %get3A_1473 : i32 to index
      %get3A_1475 = arith.constant 0 : index
      %get3A_1476 = tpu.vector_load %arg7[%get3A_1474, %get3A_1475] {strides = array<i32>} : memref<64x16xf32, #tpu.memory_space<vmem>>, vector<16xf32>,
      %add3A_1477 = vector.broadcast %squeeze3A_1472 : f32 to vector<16xf32>
      %add3A_1478 = arith.addf %add3A_1477, %get3A_1476 : vector<16xf32>
      %lt3A_1479 = arith.cmpf olt, %add3A_1478, %min3A_1466 : vector<16xf32>
      %min3A_1480 = arith.minimumf %add3A_1478, %min3A_1466 : vector<16xf32>
      %add3A_1481 = arith.constant 39 : i32
      %add3A_1482 = arith.addi %mul3A_31, %add3A_1481 : i32
      %broadcast_in_dim3A_1483 = vector.broadcast %add3A_1482 : i32 to vector<16xi32>
      %select_n3A_1484 = arith.select %lt3A_1479, %broadcast_in_dim3A_1483, %select_n3A_1470 : vector<16xi1>, vector<16xi32>
      %slice3A_1485 = vector.extract_strided_slice %min3A_1363 {offsets = [8], sizes = [1], strides = [1]} : vector<16xf32> to vector<1xf32>
      %squeeze3A_1486 = vector.extract %slice3A_1485[0] : f32 from vector<1xf32>
      %get3A_1487 = arith.constant 40 : i32
      %get3A_1488 = arith.index_cast %get3A_1487 : i32 to index
      %get3A_1489 = arith.constant 0 : index
      %get3A_1490 = tpu.vector_load %arg7[%get3A_1488, %get3A_1489] {strides = array<i32>} : memref<64x16xf32, #tpu.memory_space<vmem>>, vector<16xf32>,
      %add3A_1491 = vector.broadcast %squeeze3A_1486 : f32 to vector<16xf32>
      %add3A_1492 = arith.addf %add3A_1491, %get3A_1490 : vector<16xf32>
      %lt3A_1493 = arith.cmpf olt, %add3A_1492, %min3A_1480 : vector<16xf32>
      %min3A_1494 = arith.minimumf %add3A_1492, %min3A_1480 : vector<16xf32>
      %add3A_1495 = arith.constant 40 : i32
      %add3A_1496 = arith.addi %mul3A_31, %add3A_1495 : i32
      %broadcast_in_dim3A_1497 = vector.broadcast %add3A_1496 : i32 to vector<16xi32>
      %select_n3A_1498 = arith.select %lt3A_1493, %broadcast_in_dim3A_1497, %select_n3A_1484 : vector<16xi1>, vector<16xi32>
      %slice3A_1499 = vector.extract_strided_slice %min3A_1363 {offsets = [9], sizes = [1], strides = [1]} : vector<16xf32> to vector<1xf32>
      %squeeze3A_1500 = vector.extract %slice3A_1499[0] : f32 from vector<1xf32>
      %get3A_1501 = arith.constant 41 : i32
      %get3A_1502 = arith.index_cast %get3A_1501 : i32 to index
      %get3A_1503 = arith.constant 0 : index
      %get3A_1504 = tpu.vector_load %arg7[%get3A_1502, %get3A_1503] {strides = array<i32>} : memref<64x16xf32, #tpu.memory_space<vmem>>, vector<16xf32>,
      %add3A_1505 = vector.broadcast %squeeze3A_1500 : f32 to vector<16xf32>
      %add3A_1506 = arith.addf %add3A_1505, %get3A_1504 : vector<16xf32>
      %lt3A_1507 = arith.cmpf olt, %add3A_1506, %min3A_1494 : vector<16xf32>
      %min3A_1508 = arith.minimumf %add3A_1506, %min3A_1494 : vector<16xf32>
      %add3A_1509 = arith.constant 41 : i32
      %add3A_1510 = arith.addi %mul3A_31, %add3A_1509 : i32
      %broadcast_in_dim3A_1511 = vector.broadcast %add3A_1510 : i32 to vector<16xi32>
      %select_n3A_1512 = arith.select %lt3A_1507, %broadcast_in_dim3A_1511, %select_n3A_1498 : vector<16xi1>, vector<16xi32>
      %slice3A_1513 = vector.extract_strided_slice %min3A_1363 {offsets = [10], sizes = [1], strides = [1]} : vector<16xf32> to vector<1xf32>
      %squeeze3A_1514 = vector.extract %slice3A_1513[0] : f32 from vector<1xf32>
      %get3A_1515 = arith.constant 42 : i32
      %get3A_1516 = arith.index_cast %get3A_1515 : i32 to index
      %get3A_1517 = arith.constant 0 : index
      %get3A_1518 = tpu.vector_load %arg7[%get3A_1516, %get3A_1517] {strides = array<i32>} : memref<64x16xf32, #tpu.memory_space<vmem>>, vector<16xf32>,
      %add3A_1519 = vector.broadcast %squeeze3A_1514 : f32 to vector<16xf32>
      %add3A_1520 = arith.addf %add3A_1519, %get3A_1518 : vector<16xf32>
      %lt3A_1521 = arith.cmpf olt, %add3A_1520, %min3A_1508 : vector<16xf32>
      %min3A_1522 = arith.minimumf %add3A_1520, %min3A_1508 : vector<16xf32>
      %add3A_1523 = arith.constant 42 : i32
      %add3A_1524 = arith.addi %mul3A_31, %add3A_1523 : i32
      %broadcast_in_dim3A_1525 = vector.broadcast %add3A_1524 : i32 to vector<16xi32>
      %select_n3A_1526 = arith.select %lt3A_1521, %broadcast_in_dim3A_1525, %select_n3A_1512 : vector<16xi1>, vector<16xi32>
      %slice3A_1527 = vector.extract_strided_slice %min3A_1363 {offsets = [11], sizes = [1], strides = [1]} : vector<16xf32> to vector<1xf32>
      %squeeze3A_1528 = vector.extract %slice3A_1527[0] : f32 from vector<1xf32>
      %get3A_1529 = arith.constant 43 : i32
      %get3A_1530 = arith.index_cast %get3A_1529 : i32 to index
      %get3A_1531 = arith.constant 0 : index
      %get3A_1532 = tpu.vector_load %arg7[%get3A_1530, %get3A_1531] {strides = array<i32>} : memref<64x16xf32, #tpu.memory_space<vmem>>, vector<16xf32>,
      %add3A_1533 = vector.broadcast %squeeze3A_1528 : f32 to vector<16xf32>
      %add3A_1534 = arith.addf %add3A_1533, %get3A_1532 : vector<16xf32>
      %lt3A_1535 = arith.cmpf olt, %add3A_1534, %min3A_1522 : vector<16xf32>
      %min3A_1536 = arith.minimumf %add3A_1534, %min3A_1522 : vector<16xf32>
      %add3A_1537 = arith.constant 43 : i32
      %add3A_1538 = arith.addi %mul3A_31, %add3A_1537 : i32
      %broadcast_in_dim3A_1539 = vector.broadcast %add3A_1538 : i32 to vector<16xi32>
      %select_n3A_1540 = arith.select %lt3A_1535, %broadcast_in_dim3A_1539, %select_n3A_1526 : vector<16xi1>, vector<16xi32>
      %slice3A_1541 = vector.extract_strided_slice %min3A_1363 {offsets = [12], sizes = [1], strides = [1]} : vector<16xf32> to vector<1xf32>
      %squeeze3A_1542 = vector.extract %slice3A_1541[0] : f32 from vector<1xf32>
      %get3A_1543 = arith.constant 44 : i32
      %get3A_1544 = arith.index_cast %get3A_1543 : i32 to index
      %get3A_1545 = arith.constant 0 : index
      %get3A_1546 = tpu.vector_load %arg7[%get3A_1544, %get3A_1545] {strides = array<i32>} : memref<64x16xf32, #tpu.memory_space<vmem>>, vector<16xf32>,
      %add3A_1547 = vector.broadcast %squeeze3A_1542 : f32 to vector<16xf32>
      %add3A_1548 = arith.addf %add3A_1547, %get3A_1546 : vector<16xf32>
      %lt3A_1549 = arith.cmpf olt, %add3A_1548, %min3A_1536 : vector<16xf32>
      %min3A_1550 = arith.minimumf %add3A_1548, %min3A_1536 : vector<16xf32>
      %add3A_1551 = arith.constant 44 : i32
      %add3A_1552 = arith.addi %mul3A_31, %add3A_1551 : i32
      %broadcast_in_dim3A_1553 = vector.broadcast %add3A_1552 : i32 to vector<16xi32>
      %select_n3A_1554 = arith.select %lt3A_1549, %broadcast_in_dim3A_1553, %select_n3A_1540 : vector<16xi1>, vector<16xi32>
      %slice3A_1555 = vector.extract_strided_slice %min3A_1363 {offsets = [13], sizes = [1], strides = [1]} : vector<16xf32> to vector<1xf32>
      %squeeze3A_1556 = vector.extract %slice3A_1555[0] : f32 from vector<1xf32>
      %get3A_1557 = arith.constant 45 : i32
      %get3A_1558 = arith.index_cast %get3A_1557 : i32 to index
      %get3A_1559 = arith.constant 0 : index
      %get3A_1560 = tpu.vector_load %arg7[%get3A_1558, %get3A_1559] {strides = array<i32>} : memref<64x16xf32, #tpu.memory_space<vmem>>, vector<16xf32>,
      %add3A_1561 = vector.broadcast %squeeze3A_1556 : f32 to vector<16xf32>
      %add3A_1562 = arith.addf %add3A_1561, %get3A_1560 : vector<16xf32>
      %lt3A_1563 = arith.cmpf olt, %add3A_1562, %min3A_1550 : vector<16xf32>
      %min3A_1564 = arith.minimumf %add3A_1562, %min3A_1550 : vector<16xf32>
      %add3A_1565 = arith.constant 45 : i32
      %add3A_1566 = arith.addi %mul3A_31, %add3A_1565 : i32
      %broadcast_in_dim3A_1567 = vector.broadcast %add3A_1566 : i32 to vector<16xi32>
      %select_n3A_1568 = arith.select %lt3A_1563, %broadcast_in_dim3A_1567, %select_n3A_1554 : vector<16xi1>, vector<16xi32>
      %slice3A_1569 = vector.extract_strided_slice %min3A_1363 {offsets = [14], sizes = [1], strides = [1]} : vector<16xf32> to vector<1xf32>
      %squeeze3A_1570 = vector.extract %slice3A_1569[0] : f32 from vector<1xf32>
      %get3A_1571 = arith.constant 46 : i32
      %get3A_1572 = arith.index_cast %get3A_1571 : i32 to index
      %get3A_1573 = arith.constant 0 : index
      %get3A_1574 = tpu.vector_load %arg7[%get3A_1572, %get3A_1573] {strides = array<i32>} : memref<64x16xf32, #tpu.memory_space<vmem>>, vector<16xf32>,
      %add3A_1575 = vector.broadcast %squeeze3A_1570 : f32 to vector<16xf32>
      %add3A_1576 = arith.addf %add3A_1575, %get3A_1574 : vector<16xf32>
      %lt3A_1577 = arith.cmpf olt, %add3A_1576, %min3A_1564 : vector<16xf32>
      %min3A_1578 = arith.minimumf %add3A_1576, %min3A_1564 : vector<16xf32>
      %add3A_1579 = arith.constant 46 : i32
      %add3A_1580 = arith.addi %mul3A_31, %add3A_1579 : i32
      %broadcast_in_dim3A_1581 = vector.broadcast %add3A_1580 : i32 to vector<16xi32>
      %select_n3A_1582 = arith.select %lt3A_1577, %broadcast_in_dim3A_1581, %select_n3A_1568 : vector<16xi1>, vector<16xi32>
      %slice3A_1583 = vector.extract_strided_slice %min3A_1363 {offsets = [15], sizes = [1], strides = [1]} : vector<16xf32> to vector<1xf32>
      %squeeze3A_1584 = vector.extract %slice3A_1583[0] : f32 from vector<1xf32>
      %get3A_1585 = arith.constant 47 : i32
      %get3A_1586 = arith.index_cast %get3A_1585 : i32 to index
      %get3A_1587 = arith.constant 0 : index
      %get3A_1588 = tpu.vector_load %arg7[%get3A_1586, %get3A_1587] {strides = array<i32>} : memref<64x16xf32, #tpu.memory_space<vmem>>, vector<16xf32>,
      %add3A_1589 = vector.broadcast %squeeze3A_1584 : f32 to vector<16xf32>
      %add3A_1590 = arith.addf %add3A_1589, %get3A_1588 : vector<16xf32>
      %lt3A_1591 = arith.cmpf olt, %add3A_1590, %min3A_1578 : vector<16xf32>
      %min3A_1592 = arith.minimumf %add3A_1590, %min3A_1578 : vector<16xf32>
      %add3A_1593 = arith.constant 47 : i32
      %add3A_1594 = arith.addi %mul3A_31, %add3A_1593 : i32
      %broadcast_in_dim3A_1595 = vector.broadcast %add3A_1594 : i32 to vector<16xi32>
      %select_n3A_1596 = arith.select %lt3A_1591, %broadcast_in_dim3A_1595, %select_n3A_1582 : vector<16xi1>, vector<16xi32>
      %slice3A_1597 = vector.extract_strided_slice %min3A_1372 {offsets = [0], sizes = [1], strides = [1]} : vector<16xf32> to vector<1xf32>
      %squeeze3A_1598 = vector.extract %slice3A_1597[0] : f32 from vector<1xf32>
      %get3A_1599 = arith.constant 48 : i32
      %get3A_1600 = arith.index_cast %get3A_1599 : i32 to index
      %get3A_1601 = arith.constant 0 : index
      %get3A_1602 = tpu.vector_load %arg7[%get3A_1600, %get3A_1601] {strides = array<i32>} : memref<64x16xf32, #tpu.memory_space<vmem>>, vector<16xf32>,
      %add3A_1603 = vector.broadcast %squeeze3A_1598 : f32 to vector<16xf32>
      %add3A_1604 = arith.addf %add3A_1603, %get3A_1602 : vector<16xf32>
      %lt3A_1605 = arith.cmpf olt, %add3A_1604, %min3A_1592 : vector<16xf32>
      %min3A_1606 = arith.minimumf %add3A_1604, %min3A_1592 : vector<16xf32>
      %add3A_1607 = arith.constant 48 : i32
      %add3A_1608 = arith.addi %mul3A_31, %add3A_1607 : i32
      %broadcast_in_dim3A_1609 = vector.broadcast %add3A_1608 : i32 to vector<16xi32>
      %select_n3A_1610 = arith.select %lt3A_1605, %broadcast_in_dim3A_1609, %select_n3A_1596 : vector<16xi1>, vector<16xi32>
      %slice3A_1611 = vector.extract_strided_slice %min3A_1372 {offsets = [1], sizes = [1], strides = [1]} : vector<16xf32> to vector<1xf32>
      %squeeze3A_1612 = vector.extract %slice3A_1611[0] : f32 from vector<1xf32>
      %get3A_1613 = arith.constant 49 : i32
      %get3A_1614 = arith.index_cast %get3A_1613 : i32 to index
      %get3A_1615 = arith.constant 0 : index
      %get3A_1616 = tpu.vector_load %arg7[%get3A_1614, %get3A_1615] {strides = array<i32>} : memref<64x16xf32, #tpu.memory_space<vmem>>, vector<16xf32>,
      %add3A_1617 = vector.broadcast %squeeze3A_1612 : f32 to vector<16xf32>
      %add3A_1618 = arith.addf %add3A_1617, %get3A_1616 : vector<16xf32>
      %lt3A_1619 = arith.cmpf olt, %add3A_1618, %min3A_1606 : vector<16xf32>
      %min3A_1620 = arith.minimumf %add3A_1618, %min3A_1606 : vector<16xf32>
      %add3A_1621 = arith.constant 49 : i32
      %add3A_1622 = arith.addi %mul3A_31, %add3A_1621 : i32
      %broadcast_in_dim3A_1623 = vector.broadcast %add3A_1622 : i32 to vector<16xi32>
      %select_n3A_1624 = arith.select %lt3A_1619, %broadcast_in_dim3A_1623, %select_n3A_1610 : vector<16xi1>, vector<16xi32>
      %slice3A_1625 = vector.extract_strided_slice %min3A_1372 {offsets = [2], sizes = [1], strides = [1]} : vector<16xf32> to vector<1xf32>
      %squeeze3A_1626 = vector.extract %slice3A_1625[0] : f32 from vector<1xf32>
      %get3A_1627 = arith.constant 50 : i32
      %get3A_1628 = arith.index_cast %get3A_1627 : i32 to index
      %get3A_1629 = arith.constant 0 : index
      %get3A_1630 = tpu.vector_load %arg7[%get3A_1628, %get3A_1629] {strides = array<i32>} : memref<64x16xf32, #tpu.memory_space<vmem>>, vector<16xf32>,
      %add3A_1631 = vector.broadcast %squeeze3A_1626 : f32 to vector<16xf32>
      %add3A_1632 = arith.addf %add3A_1631, %get3A_1630 : vector<16xf32>
      %lt3A_1633 = arith.cmpf olt, %add3A_1632, %min3A_1620 : vector<16xf32>
      %min3A_1634 = arith.minimumf %add3A_1632, %min3A_1620 : vector<16xf32>
      %add3A_1635 = arith.constant 50 : i32
      %add3A_1636 = arith.addi %mul3A_31, %add3A_1635 : i32
      %broadcast_in_dim3A_1637 = vector.broadcast %add3A_1636 : i32 to vector<16xi32>
      %select_n3A_1638 = arith.select %lt3A_1633, %broadcast_in_dim3A_1637, %select_n3A_1624 : vector<16xi1>, vector<16xi32>
      %slice3A_1639 = vector.extract_strided_slice %min3A_1372 {offsets = [3], sizes = [1], strides = [1]} : vector<16xf32> to vector<1xf32>
      %squeeze3A_1640 = vector.extract %slice3A_1639[0] : f32 from vector<1xf32>
      %get3A_1641 = arith.constant 51 : i32
      %get3A_1642 = arith.index_cast %get3A_1641 : i32 to index
      %get3A_1643 = arith.constant 0 : index
      %get3A_1644 = tpu.vector_load %arg7[%get3A_1642, %get3A_1643] {strides = array<i32>} : memref<64x16xf32, #tpu.memory_space<vmem>>, vector<16xf32>,
      %add3A_1645 = vector.broadcast %squeeze3A_1640 : f32 to vector<16xf32>
      %add3A_1646 = arith.addf %add3A_1645, %get3A_1644 : vector<16xf32>
      %lt3A_1647 = arith.cmpf olt, %add3A_1646, %min3A_1634 : vector<16xf32>
      %min3A_1648 = arith.minimumf %add3A_1646, %min3A_1634 : vector<16xf32>
      %add3A_1649 = arith.constant 51 : i32
      %add3A_1650 = arith.addi %mul3A_31, %add3A_1649 : i32
      %broadcast_in_dim3A_1651 = vector.broadcast %add3A_1650 : i32 to vector<16xi32>
      %select_n3A_1652 = arith.select %lt3A_1647, %broadcast_in_dim3A_1651, %select_n3A_1638 : vector<16xi1>, vector<16xi32>
      %slice3A_1653 = vector.extract_strided_slice %min3A_1372 {offsets = [4], sizes = [1], strides = [1]} : vector<16xf32> to vector<1xf32>
      %squeeze3A_1654 = vector.extract %slice3A_1653[0] : f32 from vector<1xf32>
      %get3A_1655 = arith.constant 52 : i32
      %get3A_1656 = arith.index_cast %get3A_1655 : i32 to index
      %get3A_1657 = arith.constant 0 : index
      %get3A_1658 = tpu.vector_load %arg7[%get3A_1656, %get3A_1657] {strides = array<i32>} : memref<64x16xf32, #tpu.memory_space<vmem>>, vector<16xf32>,
      %add3A_1659 = vector.broadcast %squeeze3A_1654 : f32 to vector<16xf32>
      %add3A_1660 = arith.addf %add3A_1659, %get3A_1658 : vector<16xf32>
      %lt3A_1661 = arith.cmpf olt, %add3A_1660, %min3A_1648 : vector<16xf32>
      %min3A_1662 = arith.minimumf %add3A_1660, %min3A_1648 : vector<16xf32>
      %add3A_1663 = arith.constant 52 : i32
      %add3A_1664 = arith.addi %mul3A_31, %add3A_1663 : i32
      %broadcast_in_dim3A_1665 = vector.broadcast %add3A_1664 : i32 to vector<16xi32>
      %select_n3A_1666 = arith.select %lt3A_1661, %broadcast_in_dim3A_1665, %select_n3A_1652 : vector<16xi1>, vector<16xi32>
      %slice3A_1667 = vector.extract_strided_slice %min3A_1372 {offsets = [5], sizes = [1], strides = [1]} : vector<16xf32> to vector<1xf32>
      %squeeze3A_1668 = vector.extract %slice3A_1667[0] : f32 from vector<1xf32>
      %get3A_1669 = arith.constant 53 : i32
      %get3A_1670 = arith.index_cast %get3A_1669 : i32 to index
      %get3A_1671 = arith.constant 0 : index
      %get3A_1672 = tpu.vector_load %arg7[%get3A_1670, %get3A_1671] {strides = array<i32>} : memref<64x16xf32, #tpu.memory_space<vmem>>, vector<16xf32>,
      %add3A_1673 = vector.broadcast %squeeze3A_1668 : f32 to vector<16xf32>
      %add3A_1674 = arith.addf %add3A_1673, %get3A_1672 : vector<16xf32>
      %lt3A_1675 = arith.cmpf olt, %add3A_1674, %min3A_1662 : vector<16xf32>
      %min3A_1676 = arith.minimumf %add3A_1674, %min3A_1662 : vector<16xf32>
      %add3A_1677 = arith.constant 53 : i32
      %add3A_1678 = arith.addi %mul3A_31, %add3A_1677 : i32
      %broadcast_in_dim3A_1679 = vector.broadcast %add3A_1678 : i32 to vector<16xi32>
      %select_n3A_1680 = arith.select %lt3A_1675, %broadcast_in_dim3A_1679, %select_n3A_1666 : vector<16xi1>, vector<16xi32>
      %slice3A_1681 = vector.extract_strided_slice %min3A_1372 {offsets = [6], sizes = [1], strides = [1]} : vector<16xf32> to vector<1xf32>
      %squeeze3A_1682 = vector.extract %slice3A_1681[0] : f32 from vector<1xf32>
      %get3A_1683 = arith.constant 54 : i32
      %get3A_1684 = arith.index_cast %get3A_1683 : i32 to index
      %get3A_1685 = arith.constant 0 : index
      %get3A_1686 = tpu.vector_load %arg7[%get3A_1684, %get3A_1685] {strides = array<i32>} : memref<64x16xf32, #tpu.memory_space<vmem>>, vector<16xf32>,
      %add3A_1687 = vector.broadcast %squeeze3A_1682 : f32 to vector<16xf32>
      %add3A_1688 = arith.addf %add3A_1687, %get3A_1686 : vector<16xf32>
      %lt3A_1689 = arith.cmpf olt, %add3A_1688, %min3A_1676 : vector<16xf32>
      %min3A_1690 = arith.minimumf %add3A_1688, %min3A_1676 : vector<16xf32>
      %add3A_1691 = arith.constant 54 : i32
      %add3A_1692 = arith.addi %mul3A_31, %add3A_1691 : i32
      %broadcast_in_dim3A_1693 = vector.broadcast %add3A_1692 : i32 to vector<16xi32>
      %select_n3A_1694 = arith.select %lt3A_1689, %broadcast_in_dim3A_1693, %select_n3A_1680 : vector<16xi1>, vector<16xi32>
      %slice3A_1695 = vector.extract_strided_slice %min3A_1372 {offsets = [7], sizes = [1], strides = [1]} : vector<16xf32> to vector<1xf32>
      %squeeze3A_1696 = vector.extract %slice3A_1695[0] : f32 from vector<1xf32>
      %get3A_1697 = arith.constant 55 : i32
      %get3A_1698 = arith.index_cast %get3A_1697 : i32 to index
      %get3A_1699 = arith.constant 0 : index
      %get3A_1700 = tpu.vector_load %arg7[%get3A_1698, %get3A_1699] {strides = array<i32>} : memref<64x16xf32, #tpu.memory_space<vmem>>, vector<16xf32>,
      %add3A_1701 = vector.broadcast %squeeze3A_1696 : f32 to vector<16xf32>
      %add3A_1702 = arith.addf %add3A_1701, %get3A_1700 : vector<16xf32>
      %lt3A_1703 = arith.cmpf olt, %add3A_1702, %min3A_1690 : vector<16xf32>
      %min3A_1704 = arith.minimumf %add3A_1702, %min3A_1690 : vector<16xf32>
      %add3A_1705 = arith.constant 55 : i32
      %add3A_1706 = arith.addi %mul3A_31, %add3A_1705 : i32
      %broadcast_in_dim3A_1707 = vector.broadcast %add3A_1706 : i32 to vector<16xi32>
      %select_n3A_1708 = arith.select %lt3A_1703, %broadcast_in_dim3A_1707, %select_n3A_1694 : vector<16xi1>, vector<16xi32>
      %slice3A_1709 = vector.extract_strided_slice %min3A_1372 {offsets = [8], sizes = [1], strides = [1]} : vector<16xf32> to vector<1xf32>
      %squeeze3A_1710 = vector.extract %slice3A_1709[0] : f32 from vector<1xf32>
      %get3A_1711 = arith.constant 56 : i32
      %get3A_1712 = arith.index_cast %get3A_1711 : i32 to index
      %get3A_1713 = arith.constant 0 : index
      %get3A_1714 = tpu.vector_load %arg7[%get3A_1712, %get3A_1713] {strides = array<i32>} : memref<64x16xf32, #tpu.memory_space<vmem>>, vector<16xf32>,
      %add3A_1715 = vector.broadcast %squeeze3A_1710 : f32 to vector<16xf32>
      %add3A_1716 = arith.addf %add3A_1715, %get3A_1714 : vector<16xf32>
      %lt3A_1717 = arith.cmpf olt, %add3A_1716, %min3A_1704 : vector<16xf32>
      %min3A_1718 = arith.minimumf %add3A_1716, %min3A_1704 : vector<16xf32>
      %add3A_1719 = arith.constant 56 : i32
      %add3A_1720 = arith.addi %mul3A_31, %add3A_1719 : i32
      %broadcast_in_dim3A_1721 = vector.broadcast %add3A_1720 : i32 to vector<16xi32>
      %select_n3A_1722 = arith.select %lt3A_1717, %broadcast_in_dim3A_1721, %select_n3A_1708 : vector<16xi1>, vector<16xi32>
      %slice3A_1723 = vector.extract_strided_slice %min3A_1372 {offsets = [9], sizes = [1], strides = [1]} : vector<16xf32> to vector<1xf32>
      %squeeze3A_1724 = vector.extract %slice3A_1723[0] : f32 from vector<1xf32>
      %get3A_1725 = arith.constant 57 : i32
      %get3A_1726 = arith.index_cast %get3A_1725 : i32 to index
      %get3A_1727 = arith.constant 0 : index
      %get3A_1728 = tpu.vector_load %arg7[%get3A_1726, %get3A_1727] {strides = array<i32>} : memref<64x16xf32, #tpu.memory_space<vmem>>, vector<16xf32>,
      %add3A_1729 = vector.broadcast %squeeze3A_1724 : f32 to vector<16xf32>
      %add3A_1730 = arith.addf %add3A_1729, %get3A_1728 : vector<16xf32>
      %lt3A_1731 = arith.cmpf olt, %add3A_1730, %min3A_1718 : vector<16xf32>
      %min3A_1732 = arith.minimumf %add3A_1730, %min3A_1718 : vector<16xf32>
      %add3A_1733 = arith.constant 57 : i32
      %add3A_1734 = arith.addi %mul3A_31, %add3A_1733 : i32
      %broadcast_in_dim3A_1735 = vector.broadcast %add3A_1734 : i32 to vector<16xi32>
      %select_n3A_1736 = arith.select %lt3A_1731, %broadcast_in_dim3A_1735, %select_n3A_1722 : vector<16xi1>, vector<16xi32>
      %slice3A_1737 = vector.extract_strided_slice %min3A_1372 {offsets = [10], sizes = [1], strides = [1]} : vector<16xf32> to vector<1xf32>
      %squeeze3A_1738 = vector.extract %slice3A_1737[0] : f32 from vector<1xf32>
      %get3A_1739 = arith.constant 58 : i32
      %get3A_1740 = arith.index_cast %get3A_1739 : i32 to index
      %get3A_1741 = arith.constant 0 : index
      %get3A_1742 = tpu.vector_load %arg7[%get3A_1740, %get3A_1741] {strides = array<i32>} : memref<64x16xf32, #tpu.memory_space<vmem>>, vector<16xf32>,
      %add3A_1743 = vector.broadcast %squeeze3A_1738 : f32 to vector<16xf32>
      %add3A_1744 = arith.addf %add3A_1743, %get3A_1742 : vector<16xf32>
      %lt3A_1745 = arith.cmpf olt, %add3A_1744, %min3A_1732 : vector<16xf32>
      %min3A_1746 = arith.minimumf %add3A_1744, %min3A_1732 : vector<16xf32>
      %add3A_1747 = arith.constant 58 : i32
      %add3A_1748 = arith.addi %mul3A_31, %add3A_1747 : i32
      %broadcast_in_dim3A_1749 = vector.broadcast %add3A_1748 : i32 to vector<16xi32>
      %select_n3A_1750 = arith.select %lt3A_1745, %broadcast_in_dim3A_1749, %select_n3A_1736 : vector<16xi1>, vector<16xi32>
      %slice3A_1751 = vector.extract_strided_slice %min3A_1372 {offsets = [11], sizes = [1], strides = [1]} : vector<16xf32> to vector<1xf32>
      %squeeze3A_1752 = vector.extract %slice3A_1751[0] : f32 from vector<1xf32>
      %get3A_1753 = arith.constant 59 : i32
      %get3A_1754 = arith.index_cast %get3A_1753 : i32 to index
      %get3A_1755 = arith.constant 0 : index
      %get3A_1756 = tpu.vector_load %arg7[%get3A_1754, %get3A_1755] {strides = array<i32>} : memref<64x16xf32, #tpu.memory_space<vmem>>, vector<16xf32>,
      %add3A_1757 = vector.broadcast %squeeze3A_1752 : f32 to vector<16xf32>
      %add3A_1758 = arith.addf %add3A_1757, %get3A_1756 : vector<16xf32>
      %lt3A_1759 = arith.cmpf olt, %add3A_1758, %min3A_1746 : vector<16xf32>
      %min3A_1760 = arith.minimumf %add3A_1758, %min3A_1746 : vector<16xf32>
      %add3A_1761 = arith.constant 59 : i32
      %add3A_1762 = arith.addi %mul3A_31, %add3A_1761 : i32
      %broadcast_in_dim3A_1763 = vector.broadcast %add3A_1762 : i32 to vector<16xi32>
      %select_n3A_1764 = arith.select %lt3A_1759, %broadcast_in_dim3A_1763, %select_n3A_1750 : vector<16xi1>, vector<16xi32>
      %slice3A_1765 = vector.extract_strided_slice %min3A_1372 {offsets = [12], sizes = [1], strides = [1]} : vector<16xf32> to vector<1xf32>
      %squeeze3A_1766 = vector.extract %slice3A_1765[0] : f32 from vector<1xf32>
      %get3A_1767 = arith.constant 60 : i32
      %get3A_1768 = arith.index_cast %get3A_1767 : i32 to index
      %get3A_1769 = arith.constant 0 : index
      %get3A_1770 = tpu.vector_load %arg7[%get3A_1768, %get3A_1769] {strides = array<i32>} : memref<64x16xf32, #tpu.memory_space<vmem>>, vector<16xf32>,
      %add3A_1771 = vector.broadcast %squeeze3A_1766 : f32 to vector<16xf32>
      %add3A_1772 = arith.addf %add3A_1771, %get3A_1770 : vector<16xf32>
      %lt3A_1773 = arith.cmpf olt, %add3A_1772, %min3A_1760 : vector<16xf32>
      %min3A_1774 = arith.minimumf %add3A_1772, %min3A_1760 : vector<16xf32>
      %add3A_1775 = arith.constant 60 : i32
      %add3A_1776 = arith.addi %mul3A_31, %add3A_1775 : i32
      %broadcast_in_dim3A_1777 = vector.broadcast %add3A_1776 : i32 to vector<16xi32>
      %select_n3A_1778 = arith.select %lt3A_1773, %broadcast_in_dim3A_1777, %select_n3A_1764 : vector<16xi1>, vector<16xi32>
      %slice3A_1779 = vector.extract_strided_slice %min3A_1372 {offsets = [13], sizes = [1], strides = [1]} : vector<16xf32> to vector<1xf32>
      %squeeze3A_1780 = vector.extract %slice3A_1779[0] : f32 from vector<1xf32>
      %get3A_1781 = arith.constant 61 : i32
      %get3A_1782 = arith.index_cast %get3A_1781 : i32 to index
      %get3A_1783 = arith.constant 0 : index
      %get3A_1784 = tpu.vector_load %arg7[%get3A_1782, %get3A_1783] {strides = array<i32>} : memref<64x16xf32, #tpu.memory_space<vmem>>, vector<16xf32>,
      %add3A_1785 = vector.broadcast %squeeze3A_1780 : f32 to vector<16xf32>
      %add3A_1786 = arith.addf %add3A_1785, %get3A_1784 : vector<16xf32>
      %lt3A_1787 = arith.cmpf olt, %add3A_1786, %min3A_1774 : vector<16xf32>
      %min3A_1788 = arith.minimumf %add3A_1786, %min3A_1774 : vector<16xf32>
      %add3A_1789 = arith.constant 61 : i32
      %add3A_1790 = arith.addi %mul3A_31, %add3A_1789 : i32
      %broadcast_in_dim3A_1791 = vector.broadcast %add3A_1790 : i32 to vector<16xi32>
      %select_n3A_1792 = arith.select %lt3A_1787, %broadcast_in_dim3A_1791, %select_n3A_1778 : vector<16xi1>, vector<16xi32>
      %slice3A_1793 = vector.extract_strided_slice %min3A_1372 {offsets = [14], sizes = [1], strides = [1]} : vector<16xf32> to vector<1xf32>
      %squeeze3A_1794 = vector.extract %slice3A_1793[0] : f32 from vector<1xf32>
      %get3A_1795 = arith.constant 62 : i32
      %get3A_1796 = arith.index_cast %get3A_1795 : i32 to index
      %get3A_1797 = arith.constant 0 : index
      %get3A_1798 = tpu.vector_load %arg7[%get3A_1796, %get3A_1797] {strides = array<i32>} : memref<64x16xf32, #tpu.memory_space<vmem>>, vector<16xf32>,
      %add3A_1799 = vector.broadcast %squeeze3A_1794 : f32 to vector<16xf32>
      %add3A_1800 = arith.addf %add3A_1799, %get3A_1798 : vector<16xf32>
      %lt3A_1801 = arith.cmpf olt, %add3A_1800, %min3A_1788 : vector<16xf32>
      %min3A_1802 = arith.minimumf %add3A_1800, %min3A_1788 : vector<16xf32>
      %add3A_1803 = arith.constant 62 : i32
      %add3A_1804 = arith.addi %mul3A_31, %add3A_1803 : i32
      %broadcast_in_dim3A_1805 = vector.broadcast %add3A_1804 : i32 to vector<16xi32>
      %select_n3A_1806 = arith.select %lt3A_1801, %broadcast_in_dim3A_1805, %select_n3A_1792 : vector<16xi1>, vector<16xi32>
      %slice3A_1807 = vector.extract_strided_slice %min3A_1372 {offsets = [15], sizes = [1], strides = [1]} : vector<16xf32> to vector<1xf32>
      %squeeze3A_1808 = vector.extract %slice3A_1807[0] : f32 from vector<1xf32>
      %get3A_1809 = arith.constant 63 : i32
      %get3A_1810 = arith.index_cast %get3A_1809 : i32 to index
      %get3A_1811 = arith.constant 0 : index
      %get3A_1812 = tpu.vector_load %arg7[%get3A_1810, %get3A_1811] {strides = array<i32>} : memref<64x16xf32, #tpu.memory_space<vmem>>, vector<16xf32>,
      %add3A_1813 = vector.broadcast %squeeze3A_1808 : f32 to vector<16xf32>
      %add3A_1814 = arith.addf %add3A_1813, %get3A_1812 : vector<16xf32>
      %lt3A_1815 = arith.cmpf olt, %add3A_1814, %min3A_1802 : vector<16xf32>
      %min3A_1816 = arith.minimumf %add3A_1814, %min3A_1802 : vector<16xf32>
      %add3A_1817 = arith.constant 63 : i32
      %add3A_1818 = arith.addi %mul3A_31, %add3A_1817 : i32
      %broadcast_in_dim3A_1819 = vector.broadcast %add3A_1818 : i32 to vector<16xi32>
      %select_n3A_1820 = arith.select %lt3A_1815, %broadcast_in_dim3A_1819, %select_n3A_1806 : vector<16xi1>, vector<16xi32>
      %lt3A_1821 = arith.cmpf olt, %min3A_1816, %min3A_1317 : vector<16xf32>
      %min3A_1822 = arith.minimumf %min3A_1816, %min3A_1317 : vector<16xf32>
      %select_n3A_1823 = arith.select %lt3A_1821, %select_n3A_1820, %select_n3A_1321 : vector<16xi1>, vector<16xi32>
      %swap3A_1824 = arith.constant 0 : i32
      %swap3A_1825 = arith.index_cast %swap3A_1824 : i32 to index
      %swap3A_1826 = arith.constant 0 : index
      %swap3A_1827 = tpu.vector_load %arg10[%swap3A_1825, %swap3A_1826] {strides = array<i32>} : memref<2x16xf32, #tpu.memory_space<vmem>>, vector<16xf32>,
      tpu.vector_store %arg10[%swap3A_1825, %swap3A_1826], %min3A_1822 {strides = array<i32>} : memref<2x16xf32, #tpu.memory_space<vmem>>, vector<16xf32>,
      %bitcast3A = vector.bitcast %select_n3A_1823 : vector<16xi32> to vector<16xf32>
      %swap3A_1828 = arith.constant 1 : i32
      %swap3A_1829 = arith.index_cast %swap3A_1828 : i32 to index
      %swap3A_1830 = arith.constant 0 : index
      %swap3A_1831 = tpu.vector_load %arg10[%swap3A_1829, %swap3A_1830] {strides = array<i32>} : memref<2x16xf32, #tpu.memory_space<vmem>>, vector<16xf32>,
      tpu.vector_store %arg10[%swap3A_1829, %swap3A_1830], %bitcast3A {strides = array<i32>} : memref<2x16xf32, #tpu.memory_space<vmem>>, vector<16xf32>,
      %jit3A_1832 = arith.constant 2 : i32
      %eq3A_1833 = arith.constant 0 : i32
      %eq3A_1834 = arith.cmpi eq, %jit3A_1832, %eq3A_1833 : i32
      %jit3A_1835 = arith.constant 1 : i32
      %select_n3A_1836 = arith.select %eq3A_1834, %jit3A_1835, %jit3A_1832 : i32
      %rem3A_1837 = arith.remsi %scan3A_816, %select_n3A_1836 : i32
      %ne3A_1838 = arith.constant 0 : i32
      %ne3A_1839 = arith.cmpi ne, %rem3A_1837, %ne3A_1838 : i32
      %lt3A_1840 = arith.constant 0 : i32
      %lt3A_1841 = arith.cmpi slt, %rem3A_1837, %lt3A_1840 : i32
      %lt3A_1842 = arith.constant 0 : i32
      %lt3A_1843 = arith.cmpi slt, %select_n3A_1836, %lt3A_1842 : i32
      %ne3A_1844 = arith.xori %lt3A_1841, %lt3A_1843 : i1
      %and3A_1845 = arith.andi %ne3A_1844, %ne3A_1839 : i1
      %add3A_1846 = arith.addi %rem3A_1837, %select_n3A_1836 : i32
      %select_n3A_1847 = arith.select %and3A_1845, %add3A_1846, %rem3A_1837 : i32
      %dma_start3A_1848 = arith.constant 0 : i32
      %dma_start3A_1849 = tpu.memref_slice %arg16[%select_n3A_1847, %select_n3A, %dma_start3A_1848, %mul3A_29] : memref<2x2x2x128xf32, #tpu.memory_space<vmem_shared>> -> memref<1x1x2x16xf32, #tpu.memory_space<vmem_shared>>
      %dma_start3A_1850 = tpu.memref_squeeze %dma_start3A_1849 : memref<1x1x2x16xf32, #tpu.memory_space<vmem_shared>> -> memref<2x16xf32, #tpu.memory_space<vmem_shared>>
      %dma_start3A_1851 = arith.constant 0 : i32
      %dma_start3A_1852 = tpu.memref_slice %arg16[%select_n3A_1847, %select_n3A, %dma_start3A_1851, %mul3A_29] : memref<2x2x2x128xf32, #tpu.memory_space<vmem_shared>> -> memref<1x1x2x16xf32, #tpu.memory_space<vmem_shared>>
      %dma_start3A_1853 = tpu.memref_squeeze %dma_start3A_1852 : memref<1x1x2x16xf32, #tpu.memory_space<vmem_shared>> -> memref<2x16xf32, #tpu.memory_space<vmem_shared>>
      tpu.enqueue_dma source(%arg10 : memref<2x16xf32, #tpu.memory_space<vmem>>) target(%dma_start3A_1853 : memref<2x16xf32, #tpu.memory_space<vmem_shared>>) target_semaphore(%arg21 : memref<!tpu.dma_semaphore, #tpu.memory_space<semaphore_mem>>)
      %eq3A_1854 = arith.constant 0 : i32
      %eq3A_1855 = arith.cmpi eq, %select_n3A, %eq3A_1854 : i32
      %convert_element_type3A_1856 = arith.extui %eq3A_1855 : i1 to i32
      %cond3A_1857 = arith.constant 0 : i32
      %cond3A_1858 = arith.cmpi ne, %convert_element_type3A_1856, %cond3A_1857 : i32
      scf.if %cond3A_1858 {
        %sub3A_1915 = arith.constant 1 : i32
        %sub3A_1916 = arith.subi %scan3A_816, %sub3A_1915 : i32
        %jit3A_1917 = arith.constant 2 : i32
        %eq3A_1918 = arith.constant 0 : i32
        %eq3A_1919 = arith.cmpi eq, %jit3A_1917, %eq3A_1918 : i32
        %jit3A_1920 = arith.constant 1 : i32
        %select_n3A_1921 = arith.select %eq3A_1919, %jit3A_1920, %jit3A_1917 : i32
        %rem3A_1922 = arith.remsi %sub3A_1916, %select_n3A_1921 : i32
        %ne3A_1923 = arith.constant 0 : i32
        %ne3A_1924 = arith.cmpi ne, %rem3A_1922, %ne3A_1923 : i32
        %lt3A_1925 = arith.constant 0 : i32
        %lt3A_1926 = arith.cmpi slt, %rem3A_1922, %lt3A_1925 : i32
        %lt3A_1927 = arith.constant 0 : i32
        %lt3A_1928 = arith.cmpi slt, %select_n3A_1921, %lt3A_1927 : i32
        %ne3A_1929 = arith.xori %lt3A_1926, %lt3A_1928 : i1
        %and3A_1930 = arith.andi %ne3A_1929, %ne3A_1924 : i1
        %add3A_1931 = arith.addi %rem3A_1922, %select_n3A_1921 : i32
        %select_n3A_1932 = arith.select %and3A_1930, %add3A_1931, %rem3A_1922 : i32
        %dma_wait3A_1933 = arith.constant 0 : i32
        %dma_wait3A_1934 = arith.constant 0 : i32
        %dma_wait3A_1935 = tpu.memref_slice %arg16[%select_n3A_1932, %dma_wait3A_1933, %dma_wait3A_1934, %mul3A_29] : memref<2x2x2x128xf32, #tpu.memory_space<vmem_shared>> -> memref<1x2x2x16xf32, #tpu.memory_space<vmem_shared>>
        %dma_wait3A_1936 = tpu.memref_squeeze %dma_wait3A_1935 : memref<1x2x2x16xf32, #tpu.memory_space<vmem_shared>> -> memref<2x2x16xf32, #tpu.memory_space<vmem_shared>>
        %dma_wait3A_1937 = arith.constant 0 : i32
        %dma_wait3A_1938 = arith.constant 0 : i32
        %dma_wait3A_1939 = tpu.memref_slice %arg16[%select_n3A_1932, %dma_wait3A_1937, %dma_wait3A_1938, %mul3A_29] : memref<2x2x2x128xf32, #tpu.memory_space<vmem_shared>> -> memref<1x2x2x16xf32, #tpu.memory_space<vmem_shared>>
        %dma_wait3A_1940 = tpu.memref_squeeze %dma_wait3A_1939 : memref<1x2x2x16xf32, #tpu.memory_space<vmem_shared>> -> memref<2x2x16xf32, #tpu.memory_space<vmem_shared>>
        tpu.wait_dma2 semaphore(%arg20 : memref<!tpu.dma_semaphore, #tpu.memory_space<semaphore_mem>>) src(%dma_wait3A_1940 : memref<2x2x16xf32, #tpu.memory_space<vmem_shared>>) dst(%arg9 : memref<2x2x16xf32, #tpu.memory_space<vmem>>)
        %get3A_1941 = arith.constant 0 : i32
        %get3A_1942 = arith.constant 0 : i32
        %get3A_1943 = arith.index_cast %get3A_1941 : i32 to index
        %get3A_1944 = arith.index_cast %get3A_1942 : i32 to index
        %get3A_1945 = arith.constant 0 : index
        %get3A_1946 = tpu.vector_load %arg9[%get3A_1943, %get3A_1944, %get3A_1945] {strides = array<i32>} : memref<2x2x16xf32, #tpu.memory_space<vmem>>, vector<16xf32>,
        %get3A_1947 = arith.constant 1 : i32
        %get3A_1948 = arith.constant 0 : i32
        %get3A_1949 = arith.index_cast %get3A_1947 : i32 to index
        %get3A_1950 = arith.index_cast %get3A_1948 : i32 to index
        %get3A_1951 = arith.constant 0 : index
        %get3A_1952 = tpu.vector_load %arg9[%get3A_1949, %get3A_1950, %get3A_1951] {strides = array<i32>} : memref<2x2x16xf32, #tpu.memory_space<vmem>>, vector<16xf32>,
        %get3A_1953 = arith.constant 0 : i32
        %get3A_1954 = arith.constant 1 : i32
        %get3A_1955 = arith.index_cast %get3A_1953 : i32 to index
        %get3A_1956 = arith.index_cast %get3A_1954 : i32 to index
        %get3A_1957 = arith.constant 0 : index
        %get3A_1958 = tpu.vector_load %arg9[%get3A_1955, %get3A_1956, %get3A_1957] {strides = array<i32>} : memref<2x2x16xf32, #tpu.memory_space<vmem>>, vector<16xf32>,
        %bitcast3A_1959 = vector.bitcast %get3A_1958 : vector<16xf32> to vector<16xi32>
        %get3A_1960 = arith.constant 1 : i32
        %get3A_1961 = arith.constant 1 : i32
        %get3A_1962 = arith.index_cast %get3A_1960 : i32 to index
        %get3A_1963 = arith.index_cast %get3A_1961 : i32 to index
        %get3A_1964 = arith.constant 0 : index
        %get3A_1965 = tpu.vector_load %arg9[%get3A_1962, %get3A_1963, %get3A_1964] {strides = array<i32>} : memref<2x2x16xf32, #tpu.memory_space<vmem>>, vector<16xf32>,
        %bitcast3A_1966 = vector.bitcast %get3A_1965 : vector<16xf32> to vector<16xi32>
        %lt3A_1967 = arith.cmpf olt, %get3A_1952, %get3A_1946 : vector<16xf32>
        %min3A_1968 = arith.minimumf %get3A_1952, %get3A_1946 : vector<16xf32>
        %select_n3A_1969 = arith.select %lt3A_1967, %bitcast3A_1966, %bitcast3A_1959 : vector<16xi1>, vector<16xi32>
        %sub3A_1970 = arith.constant 1 : i32
        %sub3A_1971 = arith.subi %scan3A_816, %sub3A_1970 : i32
        %swap3A_1972 = arith.index_cast %sub3A_1971 : i32 to index
        %swap3A_1973 = arith.constant 0 : index
        %swap3A_1974 = tpu.vector_load %arg11[%swap3A_1972, %swap3A_1973] {strides = array<i32>} : memref<128x16xf32, #tpu.memory_space<vmem>>, vector<16xf32>,
        tpu.vector_store %arg11[%swap3A_1972, %swap3A_1973], %min3A_1968 {strides = array<i32>} : memref<128x16xf32, #tpu.memory_space<vmem>>, vector<16xf32>,
        %sub3A_1975 = arith.constant 1 : i32
        %sub3A_1976 = arith.subi %scan3A_816, %sub3A_1975 : i32
        %swap3A_1977 = arith.index_cast %sub3A_1976 : i32 to index
        %swap3A_1978 = arith.constant 0 : index
        %swap3A_1979 = tpu.vector_load %arg12[%swap3A_1977, %swap3A_1978] {strides = array<i32>} : memref<128x16xi32, #tpu.memory_space<vmem>>, vector<16xi32>,
        tpu.vector_store %arg12[%swap3A_1977, %swap3A_1978], %select_n3A_1969 {strides = array<i32>} : memref<128x16xi32, #tpu.memory_space<vmem>>, vector<16xi32>,
      } else {
      }
      %dma_wait3A_1859 = arith.constant 0 : i32
      %dma_wait3A_1860 = tpu.memref_slice %arg16[%select_n3A_1847, %select_n3A, %dma_wait3A_1859, %mul3A_29] : memref<2x2x2x128xf32, #tpu.memory_space<vmem_shared>> -> memref<1x1x2x16xf32, #tpu.memory_space<vmem_shared>>
      %dma_wait3A_1861 = tpu.memref_squeeze %dma_wait3A_1860 : memref<1x1x2x16xf32, #tpu.memory_space<vmem_shared>> -> memref<2x16xf32, #tpu.memory_space<vmem_shared>>
      %dma_wait3A_1862 = arith.constant 0 : i32
      %dma_wait3A_1863 = tpu.memref_slice %arg16[%select_n3A_1847, %select_n3A, %dma_wait3A_1862, %mul3A_29] : memref<2x2x2x128xf32, #tpu.memory_space<vmem_shared>> -> memref<1x1x2x16xf32, #tpu.memory_space<vmem_shared>>
      %dma_wait3A_1864 = tpu.memref_squeeze %dma_wait3A_1863 : memref<1x1x2x16xf32, #tpu.memory_space<vmem_shared>> -> memref<2x16xf32, #tpu.memory_space<vmem_shared>>
      tpu.wait_dma2 semaphore(%arg21 : memref<!tpu.dma_semaphore, #tpu.memory_space<semaphore_mem>>) src(%arg10 : memref<2x16xf32, #tpu.memory_space<vmem>>) dst(%dma_wait3A_1864 : memref<2x16xf32, #tpu.memory_space<vmem_shared>>)
      %barrier3A_1865 = arith.constant 0 : index
      tpu.barrier barrier_id(%barrier3A_1865)
      %jit3A_1866 = arith.constant 2 : i32
      %eq3A_1867 = arith.constant 0 : i32
      %eq3A_1868 = arith.cmpi eq, %jit3A_1866, %eq3A_1867 : i32
      %jit3A_1869 = arith.constant 1 : i32
      %select_n3A_1870 = arith.select %eq3A_1868, %jit3A_1869, %jit3A_1866 : i32
      %rem3A_1871 = arith.remsi %scan3A_816, %select_n3A_1870 : i32
      %ne3A_1872 = arith.constant 0 : i32
      %ne3A_1873 = arith.cmpi ne, %rem3A_1871, %ne3A_1872 : i32
      %lt3A_1874 = arith.constant 0 : i32
      %lt3A_1875 = arith.cmpi slt, %rem3A_1871, %lt3A_1874 : i32
      %lt3A_1876 = arith.constant 0 : i32
      %lt3A_1877 = arith.cmpi slt, %select_n3A_1870, %lt3A_1876 : i32
      %ne3A_1878 = arith.xori %lt3A_1875, %lt3A_1877 : i1
      %and3A_1879 = arith.andi %ne3A_1878, %ne3A_1873 : i1
      %add3A_1880 = arith.addi %rem3A_1871, %select_n3A_1870 : i32
      %select_n3A_1881 = arith.select %and3A_1879, %add3A_1880, %rem3A_1871 : i32
      %dma_start3A_1882 = arith.constant 0 : i32
      %dma_start3A_1883 = arith.constant 0 : i32
      %dma_start3A_1884 = arith.constant 0 : i32
      %dma_start3A_1885 = tpu.memref_slice %arg8[%dma_start3A_1883, %dma_start3A_1884] : memref<2x64xf32, #tpu.memory_space<vmem>> -> memref<2x32xf32, #tpu.memory_space<vmem>>
      %dma_start3A_1886 = arith.constant 0 : i32
      %dma_start3A_1887 = tpu.memref_slice %arg16[%select_n3A_1881, %dma_start3A_1886, %dma_start3A_1882, %mul3A_31] : memref<2x2x2x128xf32, #tpu.memory_space<vmem_shared>> -> memref<1x2x1x32xf32, #tpu.memory_space<vmem_shared>>
      %dma_start3A_1888 = tpu.memref_squeeze %dma_start3A_1887 : memref<1x2x1x32xf32, #tpu.memory_space<vmem_shared>> -> memref<2x32xf32, #tpu.memory_space<vmem_shared>>
      %dma_start3A_1889 = arith.constant 0 : i32
      %dma_start3A_1890 = arith.constant 0 : i32
      %dma_start3A_1891 = tpu.memref_slice %arg8[%dma_start3A_1889, %dma_start3A_1890] : memref<2x64xf32, #tpu.memory_space<vmem>> -> memref<2x32xf32, #tpu.memory_space<vmem>>
      %dma_start3A_1892 = arith.constant 0 : i32
      %dma_start3A_1893 = tpu.memref_slice %arg16[%select_n3A_1881, %dma_start3A_1892, %dma_start3A_1882, %mul3A_31] : memref<2x2x2x128xf32, #tpu.memory_space<vmem_shared>> -> memref<1x2x1x32xf32, #tpu.memory_space<vmem_shared>>
      %dma_start3A_1894 = tpu.memref_squeeze %dma_start3A_1893 : memref<1x2x1x32xf32, #tpu.memory_space<vmem_shared>> -> memref<2x32xf32, #tpu.memory_space<vmem_shared>>
      tpu.enqueue_dma source(%dma_start3A_1894 : memref<2x32xf32, #tpu.memory_space<vmem_shared>>) target(%dma_start3A_1891 : memref<2x32xf32, #tpu.memory_space<vmem>>) target_semaphore(%arg18 : memref<!tpu.dma_semaphore, #tpu.memory_space<semaphore_mem>>)
      %add3A_1895 = arith.constant 32 : i32
      %add3A_1896 = arith.addi %mul3A_31, %add3A_1895 : i32
      %dma_start3A_1897 = arith.constant 0 : i32
      %dma_start3A_1898 = arith.constant 0 : i32
      %dma_start3A_1899 = arith.constant 32 : i32
      %dma_start3A_1900 = tpu.memref_slice %arg8[%dma_start3A_1898, %dma_start3A_1899] : memref<2x64xf32, #tpu.memory_space<vmem>> -> memref<2x32xf32, #tpu.memory_space<vmem>>
      %dma_start3A_1901 = arith.constant 0 : i32
      %dma_start3A_1902 = tpu.memref_slice %arg16[%select_n3A_1881, %dma_start3A_1901, %dma_start3A_1897, %add3A_1896] : memref<2x2x2x128xf32, #tpu.memory_space<vmem_shared>> -> memref<1x2x1x32xf32, #tpu.memory_space<vmem_shared>>
      %dma_start3A_1903 = tpu.memref_squeeze %dma_start3A_1902 : memref<1x2x1x32xf32, #tpu.memory_space<vmem_shared>> -> memref<2x32xf32, #tpu.memory_space<vmem_shared>>
      %dma_start3A_1904 = arith.constant 0 : i32
      %dma_start3A_1905 = arith.constant 32 : i32
      %dma_start3A_1906 = tpu.memref_slice %arg8[%dma_start3A_1904, %dma_start3A_1905] : memref<2x64xf32, #tpu.memory_space<vmem>> -> memref<2x32xf32, #tpu.memory_space<vmem>>
      %dma_start3A_1907 = arith.constant 0 : i32
      %dma_start3A_1908 = tpu.memref_slice %arg16[%select_n3A_1881, %dma_start3A_1907, %dma_start3A_1897, %add3A_1896] : memref<2x2x2x128xf32, #tpu.memory_space<vmem_shared>> -> memref<1x2x1x32xf32, #tpu.memory_space<vmem_shared>>
      %dma_start3A_1909 = tpu.memref_squeeze %dma_start3A_1908 : memref<1x2x1x32xf32, #tpu.memory_space<vmem_shared>> -> memref<2x32xf32, #tpu.memory_space<vmem_shared>>
      tpu.enqueue_dma source(%dma_start3A_1909 : memref<2x32xf32, #tpu.memory_space<vmem_shared>>) target(%dma_start3A_1906 : memref<2x32xf32, #tpu.memory_space<vmem>>) target_semaphore(%arg19 : memref<!tpu.dma_semaphore, #tpu.memory_space<semaphore_mem>>)
      %eq3A_1910 = arith.constant 0 : i32
      %eq3A_1911 = arith.cmpi eq, %select_n3A, %eq3A_1910 : i32
      %convert_element_type3A_1912 = arith.extui %eq3A_1911 : i1 to i32
      %cond3A_1913 = arith.constant 0 : i32
      %cond3A_1914 = arith.cmpi ne, %convert_element_type3A_1912, %cond3A_1913 : i32
      scf.if %cond3A_1914 {
        %dma_start3A_1915 = arith.constant 0 : i32
        %dma_start3A_1916 = arith.constant 0 : i32
        %dma_start3A_1917 = tpu.memref_slice %arg16[%select_n3A_1881, %dma_start3A_1915, %dma_start3A_1916, %mul3A_29] : memref<2x2x2x128xf32, #tpu.memory_space<vmem_shared>> -> memref<1x2x2x16xf32, #tpu.memory_space<vmem_shared>>
        %dma_start3A_1918 = tpu.memref_squeeze %dma_start3A_1917 : memref<1x2x2x16xf32, #tpu.memory_space<vmem_shared>> -> memref<2x2x16xf32, #tpu.memory_space<vmem_shared>>
        %dma_start3A_1919 = arith.constant 0 : i32
        %dma_start3A_1920 = arith.constant 0 : i32
        %dma_start3A_1921 = tpu.memref_slice %arg16[%select_n3A_1881, %dma_start3A_1919, %dma_start3A_1920, %mul3A_29] : memref<2x2x2x128xf32, #tpu.memory_space<vmem_shared>> -> memref<1x2x2x16xf32, #tpu.memory_space<vmem_shared>>
        %dma_start3A_1922 = tpu.memref_squeeze %dma_start3A_1921 : memref<1x2x2x16xf32, #tpu.memory_space<vmem_shared>> -> memref<2x2x16xf32, #tpu.memory_space<vmem_shared>>
        tpu.enqueue_dma source(%dma_start3A_1922 : memref<2x2x16xf32, #tpu.memory_space<vmem_shared>>) target(%arg9 : memref<2x2x16xf32, #tpu.memory_space<vmem>>) target_semaphore(%arg20 : memref<!tpu.dma_semaphore, #tpu.memory_space<semaphore_mem>>)
      } else {
      }
    }
    %scan3A_76 = arith.constant 127 : i32
    %dma_wait3A = arith.constant 1 : i32
    %dma_wait3A_77 = arith.constant 0 : i32
    %dma_wait3A_78 = arith.constant 0 : i32
    %dma_wait3A_79 = arith.constant 0 : i32
    %dma_wait3A_80 = tpu.memref_slice %arg8[%dma_wait3A_78, %dma_wait3A_79] : memref<2x64xf32, #tpu.memory_space<vmem>> -> memref<2x32xf32, #tpu.memory_space<vmem>>
    %dma_wait3A_81 = arith.constant 0 : i32
    %dma_wait3A_82 = tpu.memref_slice %arg16[%dma_wait3A, %dma_wait3A_81, %dma_wait3A_77, %mul3A_31] : memref<2x2x2x128xf32, #tpu.memory_space<vmem_shared>> -> memref<1x2x1x32xf32, #tpu.memory_space<vmem_shared>>
    %dma_wait3A_83 = tpu.memref_squeeze %dma_wait3A_82 : memref<1x2x1x32xf32, #tpu.memory_space<vmem_shared>> -> memref<2x32xf32, #tpu.memory_space<vmem_shared>>
    %dma_wait3A_84 = arith.constant 0 : i32
    %dma_wait3A_85 = arith.constant 0 : i32
    %dma_wait3A_86 = tpu.memref_slice %arg8[%dma_wait3A_84, %dma_wait3A_85] : memref<2x64xf32, #tpu.memory_space<vmem>> -> memref<2x32xf32, #tpu.memory_space<vmem>>
    %dma_wait3A_87 = arith.constant 0 : i32
    %dma_wait3A_88 = tpu.memref_slice %arg16[%dma_wait3A, %dma_wait3A_87, %dma_wait3A_77, %mul3A_31] : memref<2x2x2x128xf32, #tpu.memory_space<vmem_shared>> -> memref<1x2x1x32xf32, #tpu.memory_space<vmem_shared>>
    %dma_wait3A_89 = tpu.memref_squeeze %dma_wait3A_88 : memref<1x2x1x32xf32, #tpu.memory_space<vmem_shared>> -> memref<2x32xf32, #tpu.memory_space<vmem_shared>>
    tpu.wait_dma2 semaphore(%arg18 : memref<!tpu.dma_semaphore, #tpu.memory_space<semaphore_mem>>) src(%dma_wait3A_89 : memref<2x32xf32, #tpu.memory_space<vmem_shared>>) dst(%dma_wait3A_86 : memref<2x32xf32, #tpu.memory_space<vmem>>)
    %add3A_90 = arith.constant 32 : i32
    %add3A_91 = arith.addi %mul3A_31, %add3A_90 : i32
    %dma_wait3A_92 = arith.constant 1 : i32
    %dma_wait3A_93 = arith.constant 0 : i32
    %dma_wait3A_94 = arith.constant 0 : i32
    %dma_wait3A_95 = arith.constant 32 : i32
    %dma_wait3A_96 = tpu.memref_slice %arg8[%dma_wait3A_94, %dma_wait3A_95] : memref<2x64xf32, #tpu.memory_space<vmem>> -> memref<2x32xf32, #tpu.memory_space<vmem>>
    %dma_wait3A_97 = arith.constant 0 : i32
    %dma_wait3A_98 = tpu.memref_slice %arg16[%dma_wait3A_92, %dma_wait3A_97, %dma_wait3A_93, %add3A_91] : memref<2x2x2x128xf32, #tpu.memory_space<vmem_shared>> -> memref<1x2x1x32xf32, #tpu.memory_space<vmem_shared>>
    %dma_wait3A_99 = tpu.memref_squeeze %dma_wait3A_98 : memref<1x2x1x32xf32, #tpu.memory_space<vmem_shared>> -> memref<2x32xf32, #tpu.memory_space<vmem_shared>>
    %dma_wait3A_100 = arith.constant 0 : i32
    %dma_wait3A_101 = arith.constant 32 : i32
    %dma_wait3A_102 = tpu.memref_slice %arg8[%dma_wait3A_100, %dma_wait3A_101] : memref<2x64xf32, #tpu.memory_space<vmem>> -> memref<2x32xf32, #tpu.memory_space<vmem>>
    %dma_wait3A_103 = arith.constant 0 : i32
    %dma_wait3A_104 = tpu.memref_slice %arg16[%dma_wait3A_92, %dma_wait3A_103, %dma_wait3A_93, %add3A_91] : memref<2x2x2x128xf32, #tpu.memory_space<vmem_shared>> -> memref<1x2x1x32xf32, #tpu.memory_space<vmem_shared>>
    %dma_wait3A_105 = tpu.memref_squeeze %dma_wait3A_104 : memref<1x2x1x32xf32, #tpu.memory_space<vmem_shared>> -> memref<2x32xf32, #tpu.memory_space<vmem_shared>>
    tpu.wait_dma2 semaphore(%arg19 : memref<!tpu.dma_semaphore, #tpu.memory_space<semaphore_mem>>) src(%dma_wait3A_105 : memref<2x32xf32, #tpu.memory_space<vmem_shared>>) dst(%dma_wait3A_102 : memref<2x32xf32, #tpu.memory_space<vmem>>)
    %get3A = arith.constant 0 : i32
    %get3A_106 = arith.index_cast %get3A : i32 to index
    %get3A_107 = arith.constant 0 : index
    %get3A_108 = tpu.vector_load %arg8[%get3A_106, %get3A_107] {strides = array<i32>} : memref<2x64xf32, #tpu.memory_space<vmem>>, vector<16xf32>,
    %get3A_109 = arith.constant 1 : i32
    %get3A_110 = arith.index_cast %get3A_109 : i32 to index
    %get3A_111 = arith.constant 0 : index
    %get3A_112 = tpu.vector_load %arg8[%get3A_110, %get3A_111] {strides = array<i32>} : memref<2x64xf32, #tpu.memory_space<vmem>>, vector<16xf32>,
    %min3A = arith.minimumf %get3A_108, %get3A_112 : vector<16xf32>
    %get3A_113 = arith.constant 0 : i32
    %get3A_114 = arith.index_cast %get3A_113 : i32 to index
    %get3A_115 = arith.constant 16 : index
    %get3A_116 = tpu.vector_load %arg8[%get3A_114, %get3A_115] {strides = array<i32>} : memref<2x64xf32, #tpu.memory_space<vmem>>, vector<16xf32>,
    %get3A_117 = arith.constant 1 : i32
    %get3A_118 = arith.index_cast %get3A_117 : i32 to index
    %get3A_119 = arith.constant 16 : index
    %get3A_120 = tpu.vector_load %arg8[%get3A_118, %get3A_119] {strides = array<i32>} : memref<2x64xf32, #tpu.memory_space<vmem>>, vector<16xf32>,
    %min3A_121 = arith.minimumf %get3A_116, %get3A_120 : vector<16xf32>
    %get3A_122 = arith.constant 0 : i32
    %get3A_123 = arith.index_cast %get3A_122 : i32 to index
    %get3A_124 = arith.constant 32 : index
    %get3A_125 = tpu.vector_load %arg8[%get3A_123, %get3A_124] {strides = array<i32>} : memref<2x64xf32, #tpu.memory_space<vmem>>, vector<16xf32>,
    %get3A_126 = arith.constant 1 : i32
    %get3A_127 = arith.index_cast %get3A_126 : i32 to index
    %get3A_128 = arith.constant 32 : index
    %get3A_129 = tpu.vector_load %arg8[%get3A_127, %get3A_128] {strides = array<i32>} : memref<2x64xf32, #tpu.memory_space<vmem>>, vector<16xf32>,
    %min3A_130 = arith.minimumf %get3A_125, %get3A_129 : vector<16xf32>
    %get3A_131 = arith.constant 0 : i32
    %get3A_132 = arith.index_cast %get3A_131 : i32 to index
    %get3A_133 = arith.constant 48 : index
    %get3A_134 = tpu.vector_load %arg8[%get3A_132, %get3A_133] {strides = array<i32>} : memref<2x64xf32, #tpu.memory_space<vmem>>, vector<16xf32>,
    %get3A_135 = arith.constant 1 : i32
    %get3A_136 = arith.index_cast %get3A_135 : i32 to index
    %get3A_137 = arith.constant 48 : index
    %get3A_138 = tpu.vector_load %arg8[%get3A_136, %get3A_137] {strides = array<i32>} : memref<2x64xf32, #tpu.memory_space<vmem>>, vector<16xf32>,
    %min3A_139 = arith.minimumf %get3A_134, %get3A_138 : vector<16xf32>
    %eq3A_140 = arith.constant 0 : i32
    %eq3A_141 = arith.cmpi eq, %select_n3A, %eq3A_140 : i32
    %convert_element_type3A_142 = arith.extui %eq3A_141 : i1 to i32
    %cond3A_143 = arith.constant 0 : i32
    %cond3A_144 = arith.cmpi ne, %convert_element_type3A_142, %cond3A_143 : i32
    scf.if %cond3A_144 {
      %dma_wait3A_816 = arith.constant 1 : i32
      %dma_wait3A_817 = arith.constant 0 : i32
      %dma_wait3A_818 = arith.constant 0 : i32
      %dma_wait3A_819 = tpu.memref_slice %arg16[%dma_wait3A_816, %dma_wait3A_817, %dma_wait3A_818, %mul3A_29] : memref<2x2x2x128xf32, #tpu.memory_space<vmem_shared>> -> memref<1x2x2x16xf32, #tpu.memory_space<vmem_shared>>
      %dma_wait3A_820 = tpu.memref_squeeze %dma_wait3A_819 : memref<1x2x2x16xf32, #tpu.memory_space<vmem_shared>> -> memref<2x2x16xf32, #tpu.memory_space<vmem_shared>>
      %dma_wait3A_821 = arith.constant 0 : i32
      %dma_wait3A_822 = arith.constant 0 : i32
      %dma_wait3A_823 = tpu.memref_slice %arg16[%dma_wait3A_816, %dma_wait3A_821, %dma_wait3A_822, %mul3A_29] : memref<2x2x2x128xf32, #tpu.memory_space<vmem_shared>> -> memref<1x2x2x16xf32, #tpu.memory_space<vmem_shared>>
      %dma_wait3A_824 = tpu.memref_squeeze %dma_wait3A_823 : memref<1x2x2x16xf32, #tpu.memory_space<vmem_shared>> -> memref<2x2x16xf32, #tpu.memory_space<vmem_shared>>
      tpu.wait_dma2 semaphore(%arg20 : memref<!tpu.dma_semaphore, #tpu.memory_space<semaphore_mem>>) src(%dma_wait3A_824 : memref<2x2x16xf32, #tpu.memory_space<vmem_shared>>) dst(%arg9 : memref<2x2x16xf32, #tpu.memory_space<vmem>>)
      %get3A_825 = arith.constant 0 : i32
      %get3A_826 = arith.constant 0 : i32
      %get3A_827 = arith.index_cast %get3A_825 : i32 to index
      %get3A_828 = arith.index_cast %get3A_826 : i32 to index
      %get3A_829 = arith.constant 0 : index
      %get3A_830 = tpu.vector_load %arg9[%get3A_827, %get3A_828, %get3A_829] {strides = array<i32>} : memref<2x2x16xf32, #tpu.memory_space<vmem>>, vector<16xf32>,
      %get3A_831 = arith.constant 1 : i32
      %get3A_832 = arith.constant 0 : i32
      %get3A_833 = arith.index_cast %get3A_831 : i32 to index
      %get3A_834 = arith.index_cast %get3A_832 : i32 to index
      %get3A_835 = arith.constant 0 : index
      %get3A_836 = tpu.vector_load %arg9[%get3A_833, %get3A_834, %get3A_835] {strides = array<i32>} : memref<2x2x16xf32, #tpu.memory_space<vmem>>, vector<16xf32>,
      %get3A_837 = arith.constant 0 : i32
      %get3A_838 = arith.constant 1 : i32
      %get3A_839 = arith.index_cast %get3A_837 : i32 to index
      %get3A_840 = arith.index_cast %get3A_838 : i32 to index
      %get3A_841 = arith.constant 0 : index
      %get3A_842 = tpu.vector_load %arg9[%get3A_839, %get3A_840, %get3A_841] {strides = array<i32>} : memref<2x2x16xf32, #tpu.memory_space<vmem>>, vector<16xf32>,
      %bitcast3A = vector.bitcast %get3A_842 : vector<16xf32> to vector<16xi32>
      %get3A_843 = arith.constant 1 : i32
      %get3A_844 = arith.constant 1 : i32
      %get3A_845 = arith.index_cast %get3A_843 : i32 to index
      %get3A_846 = arith.index_cast %get3A_844 : i32 to index
      %get3A_847 = arith.constant 0 : index
      %get3A_848 = tpu.vector_load %arg9[%get3A_845, %get3A_846, %get3A_847] {strides = array<i32>} : memref<2x2x16xf32, #tpu.memory_space<vmem>>, vector<16xf32>,
      %bitcast3A_849 = vector.bitcast %get3A_848 : vector<16xf32> to vector<16xi32>
      %lt3A_850 = arith.cmpf olt, %get3A_836, %get3A_830 : vector<16xf32>
      %min3A_851 = arith.minimumf %get3A_836, %get3A_830 : vector<16xf32>
      %select_n3A_852 = arith.select %lt3A_850, %bitcast3A_849, %bitcast3A : vector<16xi1>, vector<16xi32>
      %swap3A_853 = arith.constant 127 : i32
      %swap3A_854 = arith.index_cast %swap3A_853 : i32 to index
      %swap3A_855 = arith.constant 0 : index
      %swap3A_856 = tpu.vector_load %arg11[%swap3A_854, %swap3A_855] {strides = array<i32>} : memref<128x16xf32, #tpu.memory_space<vmem>>, vector<16xf32>,
      tpu.vector_store %arg11[%swap3A_854, %swap3A_855], %min3A_851 {strides = array<i32>} : memref<128x16xf32, #tpu.memory_space<vmem>>, vector<16xf32>,
      %swap3A_857 = arith.constant 127 : i32
      %swap3A_858 = arith.index_cast %swap3A_857 : i32 to index
      %swap3A_859 = arith.constant 0 : index
      %swap3A_860 = tpu.vector_load %arg12[%swap3A_858, %swap3A_859] {strides = array<i32>} : memref<128x16xi32, #tpu.memory_space<vmem>>, vector<16xi32>,
      tpu.vector_store %arg12[%swap3A_858, %swap3A_859], %select_n3A_852 {strides = array<i32>} : memref<128x16xi32, #tpu.memory_space<vmem>>, vector<16xi32>,
    } else {
    }
    %eq3A_145 = arith.constant 1 : i32
    %eq3A_146 = arith.cmpi eq, %select_n3A, %eq3A_145 : i32
    %convert_element_type3A_147 = arith.extui %eq3A_146 : i1 to i32
    %cond3A_148 = arith.constant 0 : i32
    %cond3A_149 = arith.cmpi ne, %convert_element_type3A_147, %cond3A_148 : i32
    scf.if %cond3A_149 {
      %run_scoped3A_816 = arith.constant 1 : i32
      "tpu.region"() ({
        %run_scoped3A_817 = tpu.sem_alloc : memref<!tpu.dma_semaphore, #tpu.memory_space<semaphore_mem>>
        %dma_start3A_818 = arith.constant 0 : i32
        %dma_start3A_819 = arith.constant 0 : i32
        %dma_start3A_820 = tpu.memref_slice %arg16[%run_scoped3A_816, %dma_start3A_818, %dma_start3A_819, %mul3A_29] : memref<2x2x2x128xf32, #tpu.memory_space<vmem_shared>> -> memref<1x2x2x16xf32, #tpu.memory_space<vmem_shared>>
        %dma_start3A_821 = tpu.memref_squeeze %dma_start3A_820 : memref<1x2x2x16xf32, #tpu.memory_space<vmem_shared>> -> memref<2x2x16xf32, #tpu.memory_space<vmem_shared>>
        %dma_start3A_822 = arith.constant 0 : i32
        %dma_start3A_823 = arith.constant 0 : i32
        %dma_start3A_824 = tpu.memref_slice %arg16[%run_scoped3A_816, %dma_start3A_822, %dma_start3A_823, %mul3A_29] : memref<2x2x2x128xf32, #tpu.memory_space<vmem_shared>> -> memref<1x2x2x16xf32, #tpu.memory_space<vmem_shared>>
        %dma_start3A_825 = tpu.memref_squeeze %dma_start3A_824 : memref<1x2x2x16xf32, #tpu.memory_space<vmem_shared>> -> memref<2x2x16xf32, #tpu.memory_space<vmem_shared>>
        tpu.enqueue_dma source(%dma_start3A_825 : memref<2x2x16xf32, #tpu.memory_space<vmem_shared>>) target(%arg9 : memref<2x2x16xf32, #tpu.memory_space<vmem>>) target_semaphore(%run_scoped3A_817 : memref<!tpu.dma_semaphore, #tpu.memory_space<semaphore_mem>>)
        %dma_wait3A_826 = arith.constant 0 : i32
        %dma_wait3A_827 = arith.constant 0 : i32
        %dma_wait3A_828 = tpu.memref_slice %arg16[%run_scoped3A_816, %dma_wait3A_826, %dma_wait3A_827, %mul3A_29] : memref<2x2x2x128xf32, #tpu.memory_space<vmem_shared>> -> memref<1x2x2x16xf32, #tpu.memory_space<vmem_shared>>
        %dma_wait3A_829 = tpu.memref_squeeze %dma_wait3A_828 : memref<1x2x2x16xf32, #tpu.memory_space<vmem_shared>> -> memref<2x2x16xf32, #tpu.memory_space<vmem_shared>>
        %dma_wait3A_830 = arith.constant 0 : i32
        %dma_wait3A_831 = arith.constant 0 : i32
        %dma_wait3A_832 = tpu.memref_slice %arg16[%run_scoped3A_816, %dma_wait3A_830, %dma_wait3A_831, %mul3A_29] : memref<2x2x2x128xf32, #tpu.memory_space<vmem_shared>> -> memref<1x2x2x16xf32, #tpu.memory_space<vmem_shared>>
        %dma_wait3A_833 = tpu.memref_squeeze %dma_wait3A_832 : memref<1x2x2x16xf32, #tpu.memory_space<vmem_shared>> -> memref<2x2x16xf32, #tpu.memory_space<vmem_shared>>
        tpu.wait_dma2 semaphore(%run_scoped3A_817 : memref<!tpu.dma_semaphore, #tpu.memory_space<semaphore_mem>>) src(%dma_wait3A_833 : memref<2x2x16xf32, #tpu.memory_space<vmem_shared>>) dst(%arg9 : memref<2x2x16xf32, #tpu.memory_space<vmem>>)
        tpu.yield
      }) : () -> ()
    } else {
    }
    %get3A_150 = arith.constant 0 : i32
    %get3A_151 = arith.constant 0 : i32
    %get3A_152 = arith.index_cast %get3A_150 : i32 to index
    %get3A_153 = arith.index_cast %get3A_151 : i32 to index
    %get3A_154 = arith.constant 0 : index
    %get3A_155 = tpu.vector_load %arg9[%get3A_152, %get3A_153, %get3A_154] {strides = array<i32>} : memref<2x2x16xf32, #tpu.memory_space<vmem>>, vector<16xf32>,
    %get3A_156 = arith.constant 1 : i32
    %get3A_157 = arith.constant 0 : i32
    %get3A_158 = arith.index_cast %get3A_156 : i32 to index
    %get3A_159 = arith.index_cast %get3A_157 : i32 to index
    %get3A_160 = arith.constant 0 : index
    %get3A_161 = tpu.vector_load %arg9[%get3A_158, %get3A_159, %get3A_160] {strides = array<i32>} : memref<2x2x16xf32, #tpu.memory_space<vmem>>, vector<16xf32>,
    %min3A_162 = arith.minimumf %get3A_155, %get3A_161 : vector<16xf32>
    %broadcast_in_dim3A_163 = arith.constant false
    %broadcast_in_dim3A_164 = vector.broadcast %broadcast_in_dim3A_163 : i1 to vector<16xi1>
    %slice3A = vector.extract_strided_slice %min3A {offsets = [0], sizes = [1], strides = [1]} : vector<16xf32> to vector<1xf32>
    %squeeze3A = vector.extract %slice3A[0] : f32 from vector<1xf32>
    %get3A_165 = arith.constant 0 : i32
    %get3A_166 = arith.index_cast %get3A_165 : i32 to index
    %get3A_167 = arith.constant 0 : index
    %get3A_168 = tpu.vector_load %arg7[%get3A_166, %get3A_167] {strides = array<i32>} : memref<64x16xf32, #tpu.memory_space<vmem>>, vector<16xf32>,
    %add3A_169 = vector.broadcast %squeeze3A : f32 to vector<16xf32>
    %add3A_170 = arith.addf %add3A_169, %get3A_168 : vector<16xf32>
    %lt3A_171 = arith.cmpf olt, %add3A_170, %min3A_162 : vector<16xf32>
    %or3A = arith.ori %broadcast_in_dim3A_164, %lt3A_171 : vector<16xi1>
    %slice3A_172 = vector.extract_strided_slice %min3A {offsets = [1], sizes = [1], strides = [1]} : vector<16xf32> to vector<1xf32>
    %squeeze3A_173 = vector.extract %slice3A_172[0] : f32 from vector<1xf32>
    %get3A_174 = arith.constant 1 : i32
    %get3A_175 = arith.index_cast %get3A_174 : i32 to index
    %get3A_176 = arith.constant 0 : index
    %get3A_177 = tpu.vector_load %arg7[%get3A_175, %get3A_176] {strides = array<i32>} : memref<64x16xf32, #tpu.memory_space<vmem>>, vector<16xf32>,
    %add3A_178 = vector.broadcast %squeeze3A_173 : f32 to vector<16xf32>
    %add3A_179 = arith.addf %add3A_178, %get3A_177 : vector<16xf32>
    %lt3A_180 = arith.cmpf olt, %add3A_179, %min3A_162 : vector<16xf32>
    %or3A_181 = arith.ori %or3A, %lt3A_180 : vector<16xi1>
    %slice3A_182 = vector.extract_strided_slice %min3A {offsets = [2], sizes = [1], strides = [1]} : vector<16xf32> to vector<1xf32>
    %squeeze3A_183 = vector.extract %slice3A_182[0] : f32 from vector<1xf32>
    %get3A_184 = arith.constant 2 : i32
    %get3A_185 = arith.index_cast %get3A_184 : i32 to index
    %get3A_186 = arith.constant 0 : index
    %get3A_187 = tpu.vector_load %arg7[%get3A_185, %get3A_186] {strides = array<i32>} : memref<64x16xf32, #tpu.memory_space<vmem>>, vector<16xf32>,
    %add3A_188 = vector.broadcast %squeeze3A_183 : f32 to vector<16xf32>
    %add3A_189 = arith.addf %add3A_188, %get3A_187 : vector<16xf32>
    %lt3A_190 = arith.cmpf olt, %add3A_189, %min3A_162 : vector<16xf32>
    %or3A_191 = arith.ori %or3A_181, %lt3A_190 : vector<16xi1>
    %slice3A_192 = vector.extract_strided_slice %min3A {offsets = [3], sizes = [1], strides = [1]} : vector<16xf32> to vector<1xf32>
    %squeeze3A_193 = vector.extract %slice3A_192[0] : f32 from vector<1xf32>
    %get3A_194 = arith.constant 3 : i32
    %get3A_195 = arith.index_cast %get3A_194 : i32 to index
    %get3A_196 = arith.constant 0 : index
    %get3A_197 = tpu.vector_load %arg7[%get3A_195, %get3A_196] {strides = array<i32>} : memref<64x16xf32, #tpu.memory_space<vmem>>, vector<16xf32>,
    %add3A_198 = vector.broadcast %squeeze3A_193 : f32 to vector<16xf32>
    %add3A_199 = arith.addf %add3A_198, %get3A_197 : vector<16xf32>
    %lt3A_200 = arith.cmpf olt, %add3A_199, %min3A_162 : vector<16xf32>
    %or3A_201 = arith.ori %or3A_191, %lt3A_200 : vector<16xi1>
    %slice3A_202 = vector.extract_strided_slice %min3A {offsets = [4], sizes = [1], strides = [1]} : vector<16xf32> to vector<1xf32>
    %squeeze3A_203 = vector.extract %slice3A_202[0] : f32 from vector<1xf32>
    %get3A_204 = arith.constant 4 : i32
    %get3A_205 = arith.index_cast %get3A_204 : i32 to index
    %get3A_206 = arith.constant 0 : index
    %get3A_207 = tpu.vector_load %arg7[%get3A_205, %get3A_206] {strides = array<i32>} : memref<64x16xf32, #tpu.memory_space<vmem>>, vector<16xf32>,
    %add3A_208 = vector.broadcast %squeeze3A_203 : f32 to vector<16xf32>
    %add3A_209 = arith.addf %add3A_208, %get3A_207 : vector<16xf32>
    %lt3A_210 = arith.cmpf olt, %add3A_209, %min3A_162 : vector<16xf32>
    %or3A_211 = arith.ori %or3A_201, %lt3A_210 : vector<16xi1>
    %slice3A_212 = vector.extract_strided_slice %min3A {offsets = [5], sizes = [1], strides = [1]} : vector<16xf32> to vector<1xf32>
    %squeeze3A_213 = vector.extract %slice3A_212[0] : f32 from vector<1xf32>
    %get3A_214 = arith.constant 5 : i32
    %get3A_215 = arith.index_cast %get3A_214 : i32 to index
    %get3A_216 = arith.constant 0 : index
    %get3A_217 = tpu.vector_load %arg7[%get3A_215, %get3A_216] {strides = array<i32>} : memref<64x16xf32, #tpu.memory_space<vmem>>, vector<16xf32>,
    %add3A_218 = vector.broadcast %squeeze3A_213 : f32 to vector<16xf32>
    %add3A_219 = arith.addf %add3A_218, %get3A_217 : vector<16xf32>
    %lt3A_220 = arith.cmpf olt, %add3A_219, %min3A_162 : vector<16xf32>
    %or3A_221 = arith.ori %or3A_211, %lt3A_220 : vector<16xi1>
    %slice3A_222 = vector.extract_strided_slice %min3A {offsets = [6], sizes = [1], strides = [1]} : vector<16xf32> to vector<1xf32>
    %squeeze3A_223 = vector.extract %slice3A_222[0] : f32 from vector<1xf32>
    %get3A_224 = arith.constant 6 : i32
    %get3A_225 = arith.index_cast %get3A_224 : i32 to index
    %get3A_226 = arith.constant 0 : index
    %get3A_227 = tpu.vector_load %arg7[%get3A_225, %get3A_226] {strides = array<i32>} : memref<64x16xf32, #tpu.memory_space<vmem>>, vector<16xf32>,
    %add3A_228 = vector.broadcast %squeeze3A_223 : f32 to vector<16xf32>
    %add3A_229 = arith.addf %add3A_228, %get3A_227 : vector<16xf32>
    %lt3A_230 = arith.cmpf olt, %add3A_229, %min3A_162 : vector<16xf32>
    %or3A_231 = arith.ori %or3A_221, %lt3A_230 : vector<16xi1>
    %slice3A_232 = vector.extract_strided_slice %min3A {offsets = [7], sizes = [1], strides = [1]} : vector<16xf32> to vector<1xf32>
    %squeeze3A_233 = vector.extract %slice3A_232[0] : f32 from vector<1xf32>
    %get3A_234 = arith.constant 7 : i32
    %get3A_235 = arith.index_cast %get3A_234 : i32 to index
    %get3A_236 = arith.constant 0 : index
    %get3A_237 = tpu.vector_load %arg7[%get3A_235, %get3A_236] {strides = array<i32>} : memref<64x16xf32, #tpu.memory_space<vmem>>, vector<16xf32>,
    %add3A_238 = vector.broadcast %squeeze3A_233 : f32 to vector<16xf32>
    %add3A_239 = arith.addf %add3A_238, %get3A_237 : vector<16xf32>
    %lt3A_240 = arith.cmpf olt, %add3A_239, %min3A_162 : vector<16xf32>
    %or3A_241 = arith.ori %or3A_231, %lt3A_240 : vector<16xi1>
    %slice3A_242 = vector.extract_strided_slice %min3A {offsets = [8], sizes = [1], strides = [1]} : vector<16xf32> to vector<1xf32>
    %squeeze3A_243 = vector.extract %slice3A_242[0] : f32 from vector<1xf32>
    %get3A_244 = arith.constant 8 : i32
    %get3A_245 = arith.index_cast %get3A_244 : i32 to index
    %get3A_246 = arith.constant 0 : index
    %get3A_247 = tpu.vector_load %arg7[%get3A_245, %get3A_246] {strides = array<i32>} : memref<64x16xf32, #tpu.memory_space<vmem>>, vector<16xf32>,
    %add3A_248 = vector.broadcast %squeeze3A_243 : f32 to vector<16xf32>
    %add3A_249 = arith.addf %add3A_248, %get3A_247 : vector<16xf32>
    %lt3A_250 = arith.cmpf olt, %add3A_249, %min3A_162 : vector<16xf32>
    %or3A_251 = arith.ori %or3A_241, %lt3A_250 : vector<16xi1>
    %slice3A_252 = vector.extract_strided_slice %min3A {offsets = [9], sizes = [1], strides = [1]} : vector<16xf32> to vector<1xf32>
    %squeeze3A_253 = vector.extract %slice3A_252[0] : f32 from vector<1xf32>
    %get3A_254 = arith.constant 9 : i32
    %get3A_255 = arith.index_cast %get3A_254 : i32 to index
    %get3A_256 = arith.constant 0 : index
    %get3A_257 = tpu.vector_load %arg7[%get3A_255, %get3A_256] {strides = array<i32>} : memref<64x16xf32, #tpu.memory_space<vmem>>, vector<16xf32>,
    %add3A_258 = vector.broadcast %squeeze3A_253 : f32 to vector<16xf32>
    %add3A_259 = arith.addf %add3A_258, %get3A_257 : vector<16xf32>
    %lt3A_260 = arith.cmpf olt, %add3A_259, %min3A_162 : vector<16xf32>
    %or3A_261 = arith.ori %or3A_251, %lt3A_260 : vector<16xi1>
    %slice3A_262 = vector.extract_strided_slice %min3A {offsets = [10], sizes = [1], strides = [1]} : vector<16xf32> to vector<1xf32>
    %squeeze3A_263 = vector.extract %slice3A_262[0] : f32 from vector<1xf32>
    %get3A_264 = arith.constant 10 : i32
    %get3A_265 = arith.index_cast %get3A_264 : i32 to index
    %get3A_266 = arith.constant 0 : index
    %get3A_267 = tpu.vector_load %arg7[%get3A_265, %get3A_266] {strides = array<i32>} : memref<64x16xf32, #tpu.memory_space<vmem>>, vector<16xf32>,
    %add3A_268 = vector.broadcast %squeeze3A_263 : f32 to vector<16xf32>
    %add3A_269 = arith.addf %add3A_268, %get3A_267 : vector<16xf32>
    %lt3A_270 = arith.cmpf olt, %add3A_269, %min3A_162 : vector<16xf32>
    %or3A_271 = arith.ori %or3A_261, %lt3A_270 : vector<16xi1>
    %slice3A_272 = vector.extract_strided_slice %min3A {offsets = [11], sizes = [1], strides = [1]} : vector<16xf32> to vector<1xf32>
    %squeeze3A_273 = vector.extract %slice3A_272[0] : f32 from vector<1xf32>
    %get3A_274 = arith.constant 11 : i32
    %get3A_275 = arith.index_cast %get3A_274 : i32 to index
    %get3A_276 = arith.constant 0 : index
    %get3A_277 = tpu.vector_load %arg7[%get3A_275, %get3A_276] {strides = array<i32>} : memref<64x16xf32, #tpu.memory_space<vmem>>, vector<16xf32>,
    %add3A_278 = vector.broadcast %squeeze3A_273 : f32 to vector<16xf32>
    %add3A_279 = arith.addf %add3A_278, %get3A_277 : vector<16xf32>
    %lt3A_280 = arith.cmpf olt, %add3A_279, %min3A_162 : vector<16xf32>
    %or3A_281 = arith.ori %or3A_271, %lt3A_280 : vector<16xi1>
    %slice3A_282 = vector.extract_strided_slice %min3A {offsets = [12], sizes = [1], strides = [1]} : vector<16xf32> to vector<1xf32>
    %squeeze3A_283 = vector.extract %slice3A_282[0] : f32 from vector<1xf32>
    %get3A_284 = arith.constant 12 : i32
    %get3A_285 = arith.index_cast %get3A_284 : i32 to index
    %get3A_286 = arith.constant 0 : index
    %get3A_287 = tpu.vector_load %arg7[%get3A_285, %get3A_286] {strides = array<i32>} : memref<64x16xf32, #tpu.memory_space<vmem>>, vector<16xf32>,
    %add3A_288 = vector.broadcast %squeeze3A_283 : f32 to vector<16xf32>
    %add3A_289 = arith.addf %add3A_288, %get3A_287 : vector<16xf32>
    %lt3A_290 = arith.cmpf olt, %add3A_289, %min3A_162 : vector<16xf32>
    %or3A_291 = arith.ori %or3A_281, %lt3A_290 : vector<16xi1>
    %slice3A_292 = vector.extract_strided_slice %min3A {offsets = [13], sizes = [1], strides = [1]} : vector<16xf32> to vector<1xf32>
    %squeeze3A_293 = vector.extract %slice3A_292[0] : f32 from vector<1xf32>
    %get3A_294 = arith.constant 13 : i32
    %get3A_295 = arith.index_cast %get3A_294 : i32 to index
    %get3A_296 = arith.constant 0 : index
    %get3A_297 = tpu.vector_load %arg7[%get3A_295, %get3A_296] {strides = array<i32>} : memref<64x16xf32, #tpu.memory_space<vmem>>, vector<16xf32>,
    %add3A_298 = vector.broadcast %squeeze3A_293 : f32 to vector<16xf32>
    %add3A_299 = arith.addf %add3A_298, %get3A_297 : vector<16xf32>
    %lt3A_300 = arith.cmpf olt, %add3A_299, %min3A_162 : vector<16xf32>
    %or3A_301 = arith.ori %or3A_291, %lt3A_300 : vector<16xi1>
    %slice3A_302 = vector.extract_strided_slice %min3A {offsets = [14], sizes = [1], strides = [1]} : vector<16xf32> to vector<1xf32>
    %squeeze3A_303 = vector.extract %slice3A_302[0] : f32 from vector<1xf32>
    %get3A_304 = arith.constant 14 : i32
    %get3A_305 = arith.index_cast %get3A_304 : i32 to index
    %get3A_306 = arith.constant 0 : index
    %get3A_307 = tpu.vector_load %arg7[%get3A_305, %get3A_306] {strides = array<i32>} : memref<64x16xf32, #tpu.memory_space<vmem>>, vector<16xf32>,
    %add3A_308 = vector.broadcast %squeeze3A_303 : f32 to vector<16xf32>
    %add3A_309 = arith.addf %add3A_308, %get3A_307 : vector<16xf32>
    %lt3A_310 = arith.cmpf olt, %add3A_309, %min3A_162 : vector<16xf32>
    %or3A_311 = arith.ori %or3A_301, %lt3A_310 : vector<16xi1>
    %slice3A_312 = vector.extract_strided_slice %min3A {offsets = [15], sizes = [1], strides = [1]} : vector<16xf32> to vector<1xf32>
    %squeeze3A_313 = vector.extract %slice3A_312[0] : f32 from vector<1xf32>
    %get3A_314 = arith.constant 15 : i32
    %get3A_315 = arith.index_cast %get3A_314 : i32 to index
    %get3A_316 = arith.constant 0 : index
    %get3A_317 = tpu.vector_load %arg7[%get3A_315, %get3A_316] {strides = array<i32>} : memref<64x16xf32, #tpu.memory_space<vmem>>, vector<16xf32>,
    %add3A_318 = vector.broadcast %squeeze3A_313 : f32 to vector<16xf32>
    %add3A_319 = arith.addf %add3A_318, %get3A_317 : vector<16xf32>
    %lt3A_320 = arith.cmpf olt, %add3A_319, %min3A_162 : vector<16xf32>
    %or3A_321 = arith.ori %or3A_311, %lt3A_320 : vector<16xi1>
    %slice3A_322 = vector.extract_strided_slice %min3A_121 {offsets = [0], sizes = [1], strides = [1]} : vector<16xf32> to vector<1xf32>
    %squeeze3A_323 = vector.extract %slice3A_322[0] : f32 from vector<1xf32>
    %get3A_324 = arith.constant 16 : i32
    %get3A_325 = arith.index_cast %get3A_324 : i32 to index
    %get3A_326 = arith.constant 0 : index
    %get3A_327 = tpu.vector_load %arg7[%get3A_325, %get3A_326] {strides = array<i32>} : memref<64x16xf32, #tpu.memory_space<vmem>>, vector<16xf32>,
    %add3A_328 = vector.broadcast %squeeze3A_323 : f32 to vector<16xf32>
    %add3A_329 = arith.addf %add3A_328, %get3A_327 : vector<16xf32>
    %lt3A_330 = arith.cmpf olt, %add3A_329, %min3A_162 : vector<16xf32>
    %or3A_331 = arith.ori %or3A_321, %lt3A_330 : vector<16xi1>
    %slice3A_332 = vector.extract_strided_slice %min3A_121 {offsets = [1], sizes = [1], strides = [1]} : vector<16xf32> to vector<1xf32>
    %squeeze3A_333 = vector.extract %slice3A_332[0] : f32 from vector<1xf32>
    %get3A_334 = arith.constant 17 : i32
    %get3A_335 = arith.index_cast %get3A_334 : i32 to index
    %get3A_336 = arith.constant 0 : index
    %get3A_337 = tpu.vector_load %arg7[%get3A_335, %get3A_336] {strides = array<i32>} : memref<64x16xf32, #tpu.memory_space<vmem>>, vector<16xf32>,
    %add3A_338 = vector.broadcast %squeeze3A_333 : f32 to vector<16xf32>
    %add3A_339 = arith.addf %add3A_338, %get3A_337 : vector<16xf32>
    %lt3A_340 = arith.cmpf olt, %add3A_339, %min3A_162 : vector<16xf32>
    %or3A_341 = arith.ori %or3A_331, %lt3A_340 : vector<16xi1>
    %slice3A_342 = vector.extract_strided_slice %min3A_121 {offsets = [2], sizes = [1], strides = [1]} : vector<16xf32> to vector<1xf32>
    %squeeze3A_343 = vector.extract %slice3A_342[0] : f32 from vector<1xf32>
    %get3A_344 = arith.constant 18 : i32
    %get3A_345 = arith.index_cast %get3A_344 : i32 to index
    %get3A_346 = arith.constant 0 : index
    %get3A_347 = tpu.vector_load %arg7[%get3A_345, %get3A_346] {strides = array<i32>} : memref<64x16xf32, #tpu.memory_space<vmem>>, vector<16xf32>,
    %add3A_348 = vector.broadcast %squeeze3A_343 : f32 to vector<16xf32>
    %add3A_349 = arith.addf %add3A_348, %get3A_347 : vector<16xf32>
    %lt3A_350 = arith.cmpf olt, %add3A_349, %min3A_162 : vector<16xf32>
    %or3A_351 = arith.ori %or3A_341, %lt3A_350 : vector<16xi1>
    %slice3A_352 = vector.extract_strided_slice %min3A_121 {offsets = [3], sizes = [1], strides = [1]} : vector<16xf32> to vector<1xf32>
    %squeeze3A_353 = vector.extract %slice3A_352[0] : f32 from vector<1xf32>
    %get3A_354 = arith.constant 19 : i32
    %get3A_355 = arith.index_cast %get3A_354 : i32 to index
    %get3A_356 = arith.constant 0 : index
    %get3A_357 = tpu.vector_load %arg7[%get3A_355, %get3A_356] {strides = array<i32>} : memref<64x16xf32, #tpu.memory_space<vmem>>, vector<16xf32>,
    %add3A_358 = vector.broadcast %squeeze3A_353 : f32 to vector<16xf32>
    %add3A_359 = arith.addf %add3A_358, %get3A_357 : vector<16xf32>
    %lt3A_360 = arith.cmpf olt, %add3A_359, %min3A_162 : vector<16xf32>
    %or3A_361 = arith.ori %or3A_351, %lt3A_360 : vector<16xi1>
    %slice3A_362 = vector.extract_strided_slice %min3A_121 {offsets = [4], sizes = [1], strides = [1]} : vector<16xf32> to vector<1xf32>
    %squeeze3A_363 = vector.extract %slice3A_362[0] : f32 from vector<1xf32>
    %get3A_364 = arith.constant 20 : i32
    %get3A_365 = arith.index_cast %get3A_364 : i32 to index
    %get3A_366 = arith.constant 0 : index
    %get3A_367 = tpu.vector_load %arg7[%get3A_365, %get3A_366] {strides = array<i32>} : memref<64x16xf32, #tpu.memory_space<vmem>>, vector<16xf32>,
    %add3A_368 = vector.broadcast %squeeze3A_363 : f32 to vector<16xf32>
    %add3A_369 = arith.addf %add3A_368, %get3A_367 : vector<16xf32>
    %lt3A_370 = arith.cmpf olt, %add3A_369, %min3A_162 : vector<16xf32>
    %or3A_371 = arith.ori %or3A_361, %lt3A_370 : vector<16xi1>
    %slice3A_372 = vector.extract_strided_slice %min3A_121 {offsets = [5], sizes = [1], strides = [1]} : vector<16xf32> to vector<1xf32>
    %squeeze3A_373 = vector.extract %slice3A_372[0] : f32 from vector<1xf32>
    %get3A_374 = arith.constant 21 : i32
    %get3A_375 = arith.index_cast %get3A_374 : i32 to index
    %get3A_376 = arith.constant 0 : index
    %get3A_377 = tpu.vector_load %arg7[%get3A_375, %get3A_376] {strides = array<i32>} : memref<64x16xf32, #tpu.memory_space<vmem>>, vector<16xf32>,
    %add3A_378 = vector.broadcast %squeeze3A_373 : f32 to vector<16xf32>
    %add3A_379 = arith.addf %add3A_378, %get3A_377 : vector<16xf32>
    %lt3A_380 = arith.cmpf olt, %add3A_379, %min3A_162 : vector<16xf32>
    %or3A_381 = arith.ori %or3A_371, %lt3A_380 : vector<16xi1>
    %slice3A_382 = vector.extract_strided_slice %min3A_121 {offsets = [6], sizes = [1], strides = [1]} : vector<16xf32> to vector<1xf32>
    %squeeze3A_383 = vector.extract %slice3A_382[0] : f32 from vector<1xf32>
    %get3A_384 = arith.constant 22 : i32
    %get3A_385 = arith.index_cast %get3A_384 : i32 to index
    %get3A_386 = arith.constant 0 : index
    %get3A_387 = tpu.vector_load %arg7[%get3A_385, %get3A_386] {strides = array<i32>} : memref<64x16xf32, #tpu.memory_space<vmem>>, vector<16xf32>,
    %add3A_388 = vector.broadcast %squeeze3A_383 : f32 to vector<16xf32>
    %add3A_389 = arith.addf %add3A_388, %get3A_387 : vector<16xf32>
    %lt3A_390 = arith.cmpf olt, %add3A_389, %min3A_162 : vector<16xf32>
    %or3A_391 = arith.ori %or3A_381, %lt3A_390 : vector<16xi1>
    %slice3A_392 = vector.extract_strided_slice %min3A_121 {offsets = [7], sizes = [1], strides = [1]} : vector<16xf32> to vector<1xf32>
    %squeeze3A_393 = vector.extract %slice3A_392[0] : f32 from vector<1xf32>
    %get3A_394 = arith.constant 23 : i32
    %get3A_395 = arith.index_cast %get3A_394 : i32 to index
    %get3A_396 = arith.constant 0 : index
    %get3A_397 = tpu.vector_load %arg7[%get3A_395, %get3A_396] {strides = array<i32>} : memref<64x16xf32, #tpu.memory_space<vmem>>, vector<16xf32>,
    %add3A_398 = vector.broadcast %squeeze3A_393 : f32 to vector<16xf32>
    %add3A_399 = arith.addf %add3A_398, %get3A_397 : vector<16xf32>
    %lt3A_400 = arith.cmpf olt, %add3A_399, %min3A_162 : vector<16xf32>
    %or3A_401 = arith.ori %or3A_391, %lt3A_400 : vector<16xi1>
    %slice3A_402 = vector.extract_strided_slice %min3A_121 {offsets = [8], sizes = [1], strides = [1]} : vector<16xf32> to vector<1xf32>
    %squeeze3A_403 = vector.extract %slice3A_402[0] : f32 from vector<1xf32>
    %get3A_404 = arith.constant 24 : i32
    %get3A_405 = arith.index_cast %get3A_404 : i32 to index
    %get3A_406 = arith.constant 0 : index
    %get3A_407 = tpu.vector_load %arg7[%get3A_405, %get3A_406] {strides = array<i32>} : memref<64x16xf32, #tpu.memory_space<vmem>>, vector<16xf32>,
    %add3A_408 = vector.broadcast %squeeze3A_403 : f32 to vector<16xf32>
    %add3A_409 = arith.addf %add3A_408, %get3A_407 : vector<16xf32>
    %lt3A_410 = arith.cmpf olt, %add3A_409, %min3A_162 : vector<16xf32>
    %or3A_411 = arith.ori %or3A_401, %lt3A_410 : vector<16xi1>
    %slice3A_412 = vector.extract_strided_slice %min3A_121 {offsets = [9], sizes = [1], strides = [1]} : vector<16xf32> to vector<1xf32>
    %squeeze3A_413 = vector.extract %slice3A_412[0] : f32 from vector<1xf32>
    %get3A_414 = arith.constant 25 : i32
    %get3A_415 = arith.index_cast %get3A_414 : i32 to index
    %get3A_416 = arith.constant 0 : index
    %get3A_417 = tpu.vector_load %arg7[%get3A_415, %get3A_416] {strides = array<i32>} : memref<64x16xf32, #tpu.memory_space<vmem>>, vector<16xf32>,
    %add3A_418 = vector.broadcast %squeeze3A_413 : f32 to vector<16xf32>
    %add3A_419 = arith.addf %add3A_418, %get3A_417 : vector<16xf32>
    %lt3A_420 = arith.cmpf olt, %add3A_419, %min3A_162 : vector<16xf32>
    %or3A_421 = arith.ori %or3A_411, %lt3A_420 : vector<16xi1>
    %slice3A_422 = vector.extract_strided_slice %min3A_121 {offsets = [10], sizes = [1], strides = [1]} : vector<16xf32> to vector<1xf32>
    %squeeze3A_423 = vector.extract %slice3A_422[0] : f32 from vector<1xf32>
    %get3A_424 = arith.constant 26 : i32
    %get3A_425 = arith.index_cast %get3A_424 : i32 to index
    %get3A_426 = arith.constant 0 : index
    %get3A_427 = tpu.vector_load %arg7[%get3A_425, %get3A_426] {strides = array<i32>} : memref<64x16xf32, #tpu.memory_space<vmem>>, vector<16xf32>,
    %add3A_428 = vector.broadcast %squeeze3A_423 : f32 to vector<16xf32>
    %add3A_429 = arith.addf %add3A_428, %get3A_427 : vector<16xf32>
    %lt3A_430 = arith.cmpf olt, %add3A_429, %min3A_162 : vector<16xf32>
    %or3A_431 = arith.ori %or3A_421, %lt3A_430 : vector<16xi1>
    %slice3A_432 = vector.extract_strided_slice %min3A_121 {offsets = [11], sizes = [1], strides = [1]} : vector<16xf32> to vector<1xf32>
    %squeeze3A_433 = vector.extract %slice3A_432[0] : f32 from vector<1xf32>
    %get3A_434 = arith.constant 27 : i32
    %get3A_435 = arith.index_cast %get3A_434 : i32 to index
    %get3A_436 = arith.constant 0 : index
    %get3A_437 = tpu.vector_load %arg7[%get3A_435, %get3A_436] {strides = array<i32>} : memref<64x16xf32, #tpu.memory_space<vmem>>, vector<16xf32>,
    %add3A_438 = vector.broadcast %squeeze3A_433 : f32 to vector<16xf32>
    %add3A_439 = arith.addf %add3A_438, %get3A_437 : vector<16xf32>
    %lt3A_440 = arith.cmpf olt, %add3A_439, %min3A_162 : vector<16xf32>
    %or3A_441 = arith.ori %or3A_431, %lt3A_440 : vector<16xi1>
    %slice3A_442 = vector.extract_strided_slice %min3A_121 {offsets = [12], sizes = [1], strides = [1]} : vector<16xf32> to vector<1xf32>
    %squeeze3A_443 = vector.extract %slice3A_442[0] : f32 from vector<1xf32>
    %get3A_444 = arith.constant 28 : i32
    %get3A_445 = arith.index_cast %get3A_444 : i32 to index
    %get3A_446 = arith.constant 0 : index
    %get3A_447 = tpu.vector_load %arg7[%get3A_445, %get3A_446] {strides = array<i32>} : memref<64x16xf32, #tpu.memory_space<vmem>>, vector<16xf32>,
    %add3A_448 = vector.broadcast %squeeze3A_443 : f32 to vector<16xf32>
    %add3A_449 = arith.addf %add3A_448, %get3A_447 : vector<16xf32>
    %lt3A_450 = arith.cmpf olt, %add3A_449, %min3A_162 : vector<16xf32>
    %or3A_451 = arith.ori %or3A_441, %lt3A_450 : vector<16xi1>
    %slice3A_452 = vector.extract_strided_slice %min3A_121 {offsets = [13], sizes = [1], strides = [1]} : vector<16xf32> to vector<1xf32>
    %squeeze3A_453 = vector.extract %slice3A_452[0] : f32 from vector<1xf32>
    %get3A_454 = arith.constant 29 : i32
    %get3A_455 = arith.index_cast %get3A_454 : i32 to index
    %get3A_456 = arith.constant 0 : index
    %get3A_457 = tpu.vector_load %arg7[%get3A_455, %get3A_456] {strides = array<i32>} : memref<64x16xf32, #tpu.memory_space<vmem>>, vector<16xf32>,
    %add3A_458 = vector.broadcast %squeeze3A_453 : f32 to vector<16xf32>
    %add3A_459 = arith.addf %add3A_458, %get3A_457 : vector<16xf32>
    %lt3A_460 = arith.cmpf olt, %add3A_459, %min3A_162 : vector<16xf32>
    %or3A_461 = arith.ori %or3A_451, %lt3A_460 : vector<16xi1>
    %slice3A_462 = vector.extract_strided_slice %min3A_121 {offsets = [14], sizes = [1], strides = [1]} : vector<16xf32> to vector<1xf32>
    %squeeze3A_463 = vector.extract %slice3A_462[0] : f32 from vector<1xf32>
    %get3A_464 = arith.constant 30 : i32
    %get3A_465 = arith.index_cast %get3A_464 : i32 to index
    %get3A_466 = arith.constant 0 : index
    %get3A_467 = tpu.vector_load %arg7[%get3A_465, %get3A_466] {strides = array<i32>} : memref<64x16xf32, #tpu.memory_space<vmem>>, vector<16xf32>,
    %add3A_468 = vector.broadcast %squeeze3A_463 : f32 to vector<16xf32>
    %add3A_469 = arith.addf %add3A_468, %get3A_467 : vector<16xf32>
    %lt3A_470 = arith.cmpf olt, %add3A_469, %min3A_162 : vector<16xf32>
    %or3A_471 = arith.ori %or3A_461, %lt3A_470 : vector<16xi1>
    %slice3A_472 = vector.extract_strided_slice %min3A_121 {offsets = [15], sizes = [1], strides = [1]} : vector<16xf32> to vector<1xf32>
    %squeeze3A_473 = vector.extract %slice3A_472[0] : f32 from vector<1xf32>
    %get3A_474 = arith.constant 31 : i32
    %get3A_475 = arith.index_cast %get3A_474 : i32 to index
    %get3A_476 = arith.constant 0 : index
    %get3A_477 = tpu.vector_load %arg7[%get3A_475, %get3A_476] {strides = array<i32>} : memref<64x16xf32, #tpu.memory_space<vmem>>, vector<16xf32>,
    %add3A_478 = vector.broadcast %squeeze3A_473 : f32 to vector<16xf32>
    %add3A_479 = arith.addf %add3A_478, %get3A_477 : vector<16xf32>
    %lt3A_480 = arith.cmpf olt, %add3A_479, %min3A_162 : vector<16xf32>
    %or3A_481 = arith.ori %or3A_471, %lt3A_480 : vector<16xi1>
    %slice3A_482 = vector.extract_strided_slice %min3A_130 {offsets = [0], sizes = [1], strides = [1]} : vector<16xf32> to vector<1xf32>
    %squeeze3A_483 = vector.extract %slice3A_482[0] : f32 from vector<1xf32>
    %get3A_484 = arith.constant 32 : i32
    %get3A_485 = arith.index_cast %get3A_484 : i32 to index
    %get3A_486 = arith.constant 0 : index
    %get3A_487 = tpu.vector_load %arg7[%get3A_485, %get3A_486] {strides = array<i32>} : memref<64x16xf32, #tpu.memory_space<vmem>>, vector<16xf32>,
    %add3A_488 = vector.broadcast %squeeze3A_483 : f32 to vector<16xf32>
    %add3A_489 = arith.addf %add3A_488, %get3A_487 : vector<16xf32>
    %lt3A_490 = arith.cmpf olt, %add3A_489, %min3A_162 : vector<16xf32>
    %or3A_491 = arith.ori %or3A_481, %lt3A_490 : vector<16xi1>
    %slice3A_492 = vector.extract_strided_slice %min3A_130 {offsets = [1], sizes = [1], strides = [1]} : vector<16xf32> to vector<1xf32>
    %squeeze3A_493 = vector.extract %slice3A_492[0] : f32 from vector<1xf32>
    %get3A_494 = arith.constant 33 : i32
    %get3A_495 = arith.index_cast %get3A_494 : i32 to index
    %get3A_496 = arith.constant 0 : index
    %get3A_497 = tpu.vector_load %arg7[%get3A_495, %get3A_496] {strides = array<i32>} : memref<64x16xf32, #tpu.memory_space<vmem>>, vector<16xf32>,
    %add3A_498 = vector.broadcast %squeeze3A_493 : f32 to vector<16xf32>
    %add3A_499 = arith.addf %add3A_498, %get3A_497 : vector<16xf32>
    %lt3A_500 = arith.cmpf olt, %add3A_499, %min3A_162 : vector<16xf32>
    %or3A_501 = arith.ori %or3A_491, %lt3A_500 : vector<16xi1>
    %slice3A_502 = vector.extract_strided_slice %min3A_130 {offsets = [2], sizes = [1], strides = [1]} : vector<16xf32> to vector<1xf32>
    %squeeze3A_503 = vector.extract %slice3A_502[0] : f32 from vector<1xf32>
    %get3A_504 = arith.constant 34 : i32
    %get3A_505 = arith.index_cast %get3A_504 : i32 to index
    %get3A_506 = arith.constant 0 : index
    %get3A_507 = tpu.vector_load %arg7[%get3A_505, %get3A_506] {strides = array<i32>} : memref<64x16xf32, #tpu.memory_space<vmem>>, vector<16xf32>,
    %add3A_508 = vector.broadcast %squeeze3A_503 : f32 to vector<16xf32>
    %add3A_509 = arith.addf %add3A_508, %get3A_507 : vector<16xf32>
    %lt3A_510 = arith.cmpf olt, %add3A_509, %min3A_162 : vector<16xf32>
    %or3A_511 = arith.ori %or3A_501, %lt3A_510 : vector<16xi1>
    %slice3A_512 = vector.extract_strided_slice %min3A_130 {offsets = [3], sizes = [1], strides = [1]} : vector<16xf32> to vector<1xf32>
    %squeeze3A_513 = vector.extract %slice3A_512[0] : f32 from vector<1xf32>
    %get3A_514 = arith.constant 35 : i32
    %get3A_515 = arith.index_cast %get3A_514 : i32 to index
    %get3A_516 = arith.constant 0 : index
    %get3A_517 = tpu.vector_load %arg7[%get3A_515, %get3A_516] {strides = array<i32>} : memref<64x16xf32, #tpu.memory_space<vmem>>, vector<16xf32>,
    %add3A_518 = vector.broadcast %squeeze3A_513 : f32 to vector<16xf32>
    %add3A_519 = arith.addf %add3A_518, %get3A_517 : vector<16xf32>
    %lt3A_520 = arith.cmpf olt, %add3A_519, %min3A_162 : vector<16xf32>
    %or3A_521 = arith.ori %or3A_511, %lt3A_520 : vector<16xi1>
    %slice3A_522 = vector.extract_strided_slice %min3A_130 {offsets = [4], sizes = [1], strides = [1]} : vector<16xf32> to vector<1xf32>
    %squeeze3A_523 = vector.extract %slice3A_522[0] : f32 from vector<1xf32>
    %get3A_524 = arith.constant 36 : i32
    %get3A_525 = arith.index_cast %get3A_524 : i32 to index
    %get3A_526 = arith.constant 0 : index
    %get3A_527 = tpu.vector_load %arg7[%get3A_525, %get3A_526] {strides = array<i32>} : memref<64x16xf32, #tpu.memory_space<vmem>>, vector<16xf32>,
    %add3A_528 = vector.broadcast %squeeze3A_523 : f32 to vector<16xf32>
    %add3A_529 = arith.addf %add3A_528, %get3A_527 : vector<16xf32>
    %lt3A_530 = arith.cmpf olt, %add3A_529, %min3A_162 : vector<16xf32>
    %or3A_531 = arith.ori %or3A_521, %lt3A_530 : vector<16xi1>
    %slice3A_532 = vector.extract_strided_slice %min3A_130 {offsets = [5], sizes = [1], strides = [1]} : vector<16xf32> to vector<1xf32>
    %squeeze3A_533 = vector.extract %slice3A_532[0] : f32 from vector<1xf32>
    %get3A_534 = arith.constant 37 : i32
    %get3A_535 = arith.index_cast %get3A_534 : i32 to index
    %get3A_536 = arith.constant 0 : index
    %get3A_537 = tpu.vector_load %arg7[%get3A_535, %get3A_536] {strides = array<i32>} : memref<64x16xf32, #tpu.memory_space<vmem>>, vector<16xf32>,
    %add3A_538 = vector.broadcast %squeeze3A_533 : f32 to vector<16xf32>
    %add3A_539 = arith.addf %add3A_538, %get3A_537 : vector<16xf32>
    %lt3A_540 = arith.cmpf olt, %add3A_539, %min3A_162 : vector<16xf32>
    %or3A_541 = arith.ori %or3A_531, %lt3A_540 : vector<16xi1>
    %slice3A_542 = vector.extract_strided_slice %min3A_130 {offsets = [6], sizes = [1], strides = [1]} : vector<16xf32> to vector<1xf32>
    %squeeze3A_543 = vector.extract %slice3A_542[0] : f32 from vector<1xf32>
    %get3A_544 = arith.constant 38 : i32
    %get3A_545 = arith.index_cast %get3A_544 : i32 to index
    %get3A_546 = arith.constant 0 : index
    %get3A_547 = tpu.vector_load %arg7[%get3A_545, %get3A_546] {strides = array<i32>} : memref<64x16xf32, #tpu.memory_space<vmem>>, vector<16xf32>,
    %add3A_548 = vector.broadcast %squeeze3A_543 : f32 to vector<16xf32>
    %add3A_549 = arith.addf %add3A_548, %get3A_547 : vector<16xf32>
    %lt3A_550 = arith.cmpf olt, %add3A_549, %min3A_162 : vector<16xf32>
    %or3A_551 = arith.ori %or3A_541, %lt3A_550 : vector<16xi1>
    %slice3A_552 = vector.extract_strided_slice %min3A_130 {offsets = [7], sizes = [1], strides = [1]} : vector<16xf32> to vector<1xf32>
    %squeeze3A_553 = vector.extract %slice3A_552[0] : f32 from vector<1xf32>
    %get3A_554 = arith.constant 39 : i32
    %get3A_555 = arith.index_cast %get3A_554 : i32 to index
    %get3A_556 = arith.constant 0 : index
    %get3A_557 = tpu.vector_load %arg7[%get3A_555, %get3A_556] {strides = array<i32>} : memref<64x16xf32, #tpu.memory_space<vmem>>, vector<16xf32>,
    %add3A_558 = vector.broadcast %squeeze3A_553 : f32 to vector<16xf32>
    %add3A_559 = arith.addf %add3A_558, %get3A_557 : vector<16xf32>
    %lt3A_560 = arith.cmpf olt, %add3A_559, %min3A_162 : vector<16xf32>
    %or3A_561 = arith.ori %or3A_551, %lt3A_560 : vector<16xi1>
    %slice3A_562 = vector.extract_strided_slice %min3A_130 {offsets = [8], sizes = [1], strides = [1]} : vector<16xf32> to vector<1xf32>
    %squeeze3A_563 = vector.extract %slice3A_562[0] : f32 from vector<1xf32>
    %get3A_564 = arith.constant 40 : i32
    %get3A_565 = arith.index_cast %get3A_564 : i32 to index
    %get3A_566 = arith.constant 0 : index
    %get3A_567 = tpu.vector_load %arg7[%get3A_565, %get3A_566] {strides = array<i32>} : memref<64x16xf32, #tpu.memory_space<vmem>>, vector<16xf32>,
    %add3A_568 = vector.broadcast %squeeze3A_563 : f32 to vector<16xf32>
    %add3A_569 = arith.addf %add3A_568, %get3A_567 : vector<16xf32>
    %lt3A_570 = arith.cmpf olt, %add3A_569, %min3A_162 : vector<16xf32>
    %or3A_571 = arith.ori %or3A_561, %lt3A_570 : vector<16xi1>
    %slice3A_572 = vector.extract_strided_slice %min3A_130 {offsets = [9], sizes = [1], strides = [1]} : vector<16xf32> to vector<1xf32>
    %squeeze3A_573 = vector.extract %slice3A_572[0] : f32 from vector<1xf32>
    %get3A_574 = arith.constant 41 : i32
    %get3A_575 = arith.index_cast %get3A_574 : i32 to index
    %get3A_576 = arith.constant 0 : index
    %get3A_577 = tpu.vector_load %arg7[%get3A_575, %get3A_576] {strides = array<i32>} : memref<64x16xf32, #tpu.memory_space<vmem>>, vector<16xf32>,
    %add3A_578 = vector.broadcast %squeeze3A_573 : f32 to vector<16xf32>
    %add3A_579 = arith.addf %add3A_578, %get3A_577 : vector<16xf32>
    %lt3A_580 = arith.cmpf olt, %add3A_579, %min3A_162 : vector<16xf32>
    %or3A_581 = arith.ori %or3A_571, %lt3A_580 : vector<16xi1>
    %slice3A_582 = vector.extract_strided_slice %min3A_130 {offsets = [10], sizes = [1], strides = [1]} : vector<16xf32> to vector<1xf32>
    %squeeze3A_583 = vector.extract %slice3A_582[0] : f32 from vector<1xf32>
    %get3A_584 = arith.constant 42 : i32
    %get3A_585 = arith.index_cast %get3A_584 : i32 to index
    %get3A_586 = arith.constant 0 : index
    %get3A_587 = tpu.vector_load %arg7[%get3A_585, %get3A_586] {strides = array<i32>} : memref<64x16xf32, #tpu.memory_space<vmem>>, vector<16xf32>,
    %add3A_588 = vector.broadcast %squeeze3A_583 : f32 to vector<16xf32>
    %add3A_589 = arith.addf %add3A_588, %get3A_587 : vector<16xf32>
    %lt3A_590 = arith.cmpf olt, %add3A_589, %min3A_162 : vector<16xf32>
    %or3A_591 = arith.ori %or3A_581, %lt3A_590 : vector<16xi1>
    %slice3A_592 = vector.extract_strided_slice %min3A_130 {offsets = [11], sizes = [1], strides = [1]} : vector<16xf32> to vector<1xf32>
    %squeeze3A_593 = vector.extract %slice3A_592[0] : f32 from vector<1xf32>
    %get3A_594 = arith.constant 43 : i32
    %get3A_595 = arith.index_cast %get3A_594 : i32 to index
    %get3A_596 = arith.constant 0 : index
    %get3A_597 = tpu.vector_load %arg7[%get3A_595, %get3A_596] {strides = array<i32>} : memref<64x16xf32, #tpu.memory_space<vmem>>, vector<16xf32>,
    %add3A_598 = vector.broadcast %squeeze3A_593 : f32 to vector<16xf32>
    %add3A_599 = arith.addf %add3A_598, %get3A_597 : vector<16xf32>
    %lt3A_600 = arith.cmpf olt, %add3A_599, %min3A_162 : vector<16xf32>
    %or3A_601 = arith.ori %or3A_591, %lt3A_600 : vector<16xi1>
    %slice3A_602 = vector.extract_strided_slice %min3A_130 {offsets = [12], sizes = [1], strides = [1]} : vector<16xf32> to vector<1xf32>
    %squeeze3A_603 = vector.extract %slice3A_602[0] : f32 from vector<1xf32>
    %get3A_604 = arith.constant 44 : i32
    %get3A_605 = arith.index_cast %get3A_604 : i32 to index
    %get3A_606 = arith.constant 0 : index
    %get3A_607 = tpu.vector_load %arg7[%get3A_605, %get3A_606] {strides = array<i32>} : memref<64x16xf32, #tpu.memory_space<vmem>>, vector<16xf32>,
    %add3A_608 = vector.broadcast %squeeze3A_603 : f32 to vector<16xf32>
    %add3A_609 = arith.addf %add3A_608, %get3A_607 : vector<16xf32>
    %lt3A_610 = arith.cmpf olt, %add3A_609, %min3A_162 : vector<16xf32>
    %or3A_611 = arith.ori %or3A_601, %lt3A_610 : vector<16xi1>
    %slice3A_612 = vector.extract_strided_slice %min3A_130 {offsets = [13], sizes = [1], strides = [1]} : vector<16xf32> to vector<1xf32>
    %squeeze3A_613 = vector.extract %slice3A_612[0] : f32 from vector<1xf32>
    %get3A_614 = arith.constant 45 : i32
    %get3A_615 = arith.index_cast %get3A_614 : i32 to index
    %get3A_616 = arith.constant 0 : index
    %get3A_617 = tpu.vector_load %arg7[%get3A_615, %get3A_616] {strides = array<i32>} : memref<64x16xf32, #tpu.memory_space<vmem>>, vector<16xf32>,
    %add3A_618 = vector.broadcast %squeeze3A_613 : f32 to vector<16xf32>
    %add3A_619 = arith.addf %add3A_618, %get3A_617 : vector<16xf32>
    %lt3A_620 = arith.cmpf olt, %add3A_619, %min3A_162 : vector<16xf32>
    %or3A_621 = arith.ori %or3A_611, %lt3A_620 : vector<16xi1>
    %slice3A_622 = vector.extract_strided_slice %min3A_130 {offsets = [14], sizes = [1], strides = [1]} : vector<16xf32> to vector<1xf32>
    %squeeze3A_623 = vector.extract %slice3A_622[0] : f32 from vector<1xf32>
    %get3A_624 = arith.constant 46 : i32
    %get3A_625 = arith.index_cast %get3A_624 : i32 to index
    %get3A_626 = arith.constant 0 : index
    %get3A_627 = tpu.vector_load %arg7[%get3A_625, %get3A_626] {strides = array<i32>} : memref<64x16xf32, #tpu.memory_space<vmem>>, vector<16xf32>,
    %add3A_628 = vector.broadcast %squeeze3A_623 : f32 to vector<16xf32>
    %add3A_629 = arith.addf %add3A_628, %get3A_627 : vector<16xf32>
    %lt3A_630 = arith.cmpf olt, %add3A_629, %min3A_162 : vector<16xf32>
    %or3A_631 = arith.ori %or3A_621, %lt3A_630 : vector<16xi1>
    %slice3A_632 = vector.extract_strided_slice %min3A_130 {offsets = [15], sizes = [1], strides = [1]} : vector<16xf32> to vector<1xf32>
    %squeeze3A_633 = vector.extract %slice3A_632[0] : f32 from vector<1xf32>
    %get3A_634 = arith.constant 47 : i32
    %get3A_635 = arith.index_cast %get3A_634 : i32 to index
    %get3A_636 = arith.constant 0 : index
    %get3A_637 = tpu.vector_load %arg7[%get3A_635, %get3A_636] {strides = array<i32>} : memref<64x16xf32, #tpu.memory_space<vmem>>, vector<16xf32>,
    %add3A_638 = vector.broadcast %squeeze3A_633 : f32 to vector<16xf32>
    %add3A_639 = arith.addf %add3A_638, %get3A_637 : vector<16xf32>
    %lt3A_640 = arith.cmpf olt, %add3A_639, %min3A_162 : vector<16xf32>
    %or3A_641 = arith.ori %or3A_631, %lt3A_640 : vector<16xi1>
    %slice3A_642 = vector.extract_strided_slice %min3A_139 {offsets = [0], sizes = [1], strides = [1]} : vector<16xf32> to vector<1xf32>
    %squeeze3A_643 = vector.extract %slice3A_642[0] : f32 from vector<1xf32>
    %get3A_644 = arith.constant 48 : i32
    %get3A_645 = arith.index_cast %get3A_644 : i32 to index
    %get3A_646 = arith.constant 0 : index
    %get3A_647 = tpu.vector_load %arg7[%get3A_645, %get3A_646] {strides = array<i32>} : memref<64x16xf32, #tpu.memory_space<vmem>>, vector<16xf32>,
    %add3A_648 = vector.broadcast %squeeze3A_643 : f32 to vector<16xf32>
    %add3A_649 = arith.addf %add3A_648, %get3A_647 : vector<16xf32>
    %lt3A_650 = arith.cmpf olt, %add3A_649, %min3A_162 : vector<16xf32>
    %or3A_651 = arith.ori %or3A_641, %lt3A_650 : vector<16xi1>
    %slice3A_652 = vector.extract_strided_slice %min3A_139 {offsets = [1], sizes = [1], strides = [1]} : vector<16xf32> to vector<1xf32>
    %squeeze3A_653 = vector.extract %slice3A_652[0] : f32 from vector<1xf32>
    %get3A_654 = arith.constant 49 : i32
    %get3A_655 = arith.index_cast %get3A_654 : i32 to index
    %get3A_656 = arith.constant 0 : index
    %get3A_657 = tpu.vector_load %arg7[%get3A_655, %get3A_656] {strides = array<i32>} : memref<64x16xf32, #tpu.memory_space<vmem>>, vector<16xf32>,
    %add3A_658 = vector.broadcast %squeeze3A_653 : f32 to vector<16xf32>
    %add3A_659 = arith.addf %add3A_658, %get3A_657 : vector<16xf32>
    %lt3A_660 = arith.cmpf olt, %add3A_659, %min3A_162 : vector<16xf32>
    %or3A_661 = arith.ori %or3A_651, %lt3A_660 : vector<16xi1>
    %slice3A_662 = vector.extract_strided_slice %min3A_139 {offsets = [2], sizes = [1], strides = [1]} : vector<16xf32> to vector<1xf32>
    %squeeze3A_663 = vector.extract %slice3A_662[0] : f32 from vector<1xf32>
    %get3A_664 = arith.constant 50 : i32
    %get3A_665 = arith.index_cast %get3A_664 : i32 to index
    %get3A_666 = arith.constant 0 : index
    %get3A_667 = tpu.vector_load %arg7[%get3A_665, %get3A_666] {strides = array<i32>} : memref<64x16xf32, #tpu.memory_space<vmem>>, vector<16xf32>,
    %add3A_668 = vector.broadcast %squeeze3A_663 : f32 to vector<16xf32>
    %add3A_669 = arith.addf %add3A_668, %get3A_667 : vector<16xf32>
    %lt3A_670 = arith.cmpf olt, %add3A_669, %min3A_162 : vector<16xf32>
    %or3A_671 = arith.ori %or3A_661, %lt3A_670 : vector<16xi1>
    %slice3A_672 = vector.extract_strided_slice %min3A_139 {offsets = [3], sizes = [1], strides = [1]} : vector<16xf32> to vector<1xf32>
    %squeeze3A_673 = vector.extract %slice3A_672[0] : f32 from vector<1xf32>
    %get3A_674 = arith.constant 51 : i32
    %get3A_675 = arith.index_cast %get3A_674 : i32 to index
    %get3A_676 = arith.constant 0 : index
    %get3A_677 = tpu.vector_load %arg7[%get3A_675, %get3A_676] {strides = array<i32>} : memref<64x16xf32, #tpu.memory_space<vmem>>, vector<16xf32>,
    %add3A_678 = vector.broadcast %squeeze3A_673 : f32 to vector<16xf32>
    %add3A_679 = arith.addf %add3A_678, %get3A_677 : vector<16xf32>
    %lt3A_680 = arith.cmpf olt, %add3A_679, %min3A_162 : vector<16xf32>
    %or3A_681 = arith.ori %or3A_671, %lt3A_680 : vector<16xi1>
    %slice3A_682 = vector.extract_strided_slice %min3A_139 {offsets = [4], sizes = [1], strides = [1]} : vector<16xf32> to vector<1xf32>
    %squeeze3A_683 = vector.extract %slice3A_682[0] : f32 from vector<1xf32>
    %get3A_684 = arith.constant 52 : i32
    %get3A_685 = arith.index_cast %get3A_684 : i32 to index
    %get3A_686 = arith.constant 0 : index
    %get3A_687 = tpu.vector_load %arg7[%get3A_685, %get3A_686] {strides = array<i32>} : memref<64x16xf32, #tpu.memory_space<vmem>>, vector<16xf32>,
    %add3A_688 = vector.broadcast %squeeze3A_683 : f32 to vector<16xf32>
    %add3A_689 = arith.addf %add3A_688, %get3A_687 : vector<16xf32>
    %lt3A_690 = arith.cmpf olt, %add3A_689, %min3A_162 : vector<16xf32>
    %or3A_691 = arith.ori %or3A_681, %lt3A_690 : vector<16xi1>
    %slice3A_692 = vector.extract_strided_slice %min3A_139 {offsets = [5], sizes = [1], strides = [1]} : vector<16xf32> to vector<1xf32>
    %squeeze3A_693 = vector.extract %slice3A_692[0] : f32 from vector<1xf32>
    %get3A_694 = arith.constant 53 : i32
    %get3A_695 = arith.index_cast %get3A_694 : i32 to index
    %get3A_696 = arith.constant 0 : index
    %get3A_697 = tpu.vector_load %arg7[%get3A_695, %get3A_696] {strides = array<i32>} : memref<64x16xf32, #tpu.memory_space<vmem>>, vector<16xf32>,
    %add3A_698 = vector.broadcast %squeeze3A_693 : f32 to vector<16xf32>
    %add3A_699 = arith.addf %add3A_698, %get3A_697 : vector<16xf32>
    %lt3A_700 = arith.cmpf olt, %add3A_699, %min3A_162 : vector<16xf32>
    %or3A_701 = arith.ori %or3A_691, %lt3A_700 : vector<16xi1>
    %slice3A_702 = vector.extract_strided_slice %min3A_139 {offsets = [6], sizes = [1], strides = [1]} : vector<16xf32> to vector<1xf32>
    %squeeze3A_703 = vector.extract %slice3A_702[0] : f32 from vector<1xf32>
    %get3A_704 = arith.constant 54 : i32
    %get3A_705 = arith.index_cast %get3A_704 : i32 to index
    %get3A_706 = arith.constant 0 : index
    %get3A_707 = tpu.vector_load %arg7[%get3A_705, %get3A_706] {strides = array<i32>} : memref<64x16xf32, #tpu.memory_space<vmem>>, vector<16xf32>,
    %add3A_708 = vector.broadcast %squeeze3A_703 : f32 to vector<16xf32>
    %add3A_709 = arith.addf %add3A_708, %get3A_707 : vector<16xf32>
    %lt3A_710 = arith.cmpf olt, %add3A_709, %min3A_162 : vector<16xf32>
    %or3A_711 = arith.ori %or3A_701, %lt3A_710 : vector<16xi1>
    %slice3A_712 = vector.extract_strided_slice %min3A_139 {offsets = [7], sizes = [1], strides = [1]} : vector<16xf32> to vector<1xf32>
    %squeeze3A_713 = vector.extract %slice3A_712[0] : f32 from vector<1xf32>
    %get3A_714 = arith.constant 55 : i32
    %get3A_715 = arith.index_cast %get3A_714 : i32 to index
    %get3A_716 = arith.constant 0 : index
    %get3A_717 = tpu.vector_load %arg7[%get3A_715, %get3A_716] {strides = array<i32>} : memref<64x16xf32, #tpu.memory_space<vmem>>, vector<16xf32>,
    %add3A_718 = vector.broadcast %squeeze3A_713 : f32 to vector<16xf32>
    %add3A_719 = arith.addf %add3A_718, %get3A_717 : vector<16xf32>
    %lt3A_720 = arith.cmpf olt, %add3A_719, %min3A_162 : vector<16xf32>
    %or3A_721 = arith.ori %or3A_711, %lt3A_720 : vector<16xi1>
    %slice3A_722 = vector.extract_strided_slice %min3A_139 {offsets = [8], sizes = [1], strides = [1]} : vector<16xf32> to vector<1xf32>
    %squeeze3A_723 = vector.extract %slice3A_722[0] : f32 from vector<1xf32>
    %get3A_724 = arith.constant 56 : i32
    %get3A_725 = arith.index_cast %get3A_724 : i32 to index
    %get3A_726 = arith.constant 0 : index
    %get3A_727 = tpu.vector_load %arg7[%get3A_725, %get3A_726] {strides = array<i32>} : memref<64x16xf32, #tpu.memory_space<vmem>>, vector<16xf32>,
    %add3A_728 = vector.broadcast %squeeze3A_723 : f32 to vector<16xf32>
    %add3A_729 = arith.addf %add3A_728, %get3A_727 : vector<16xf32>
    %lt3A_730 = arith.cmpf olt, %add3A_729, %min3A_162 : vector<16xf32>
    %or3A_731 = arith.ori %or3A_721, %lt3A_730 : vector<16xi1>
    %slice3A_732 = vector.extract_strided_slice %min3A_139 {offsets = [9], sizes = [1], strides = [1]} : vector<16xf32> to vector<1xf32>
    %squeeze3A_733 = vector.extract %slice3A_732[0] : f32 from vector<1xf32>
    %get3A_734 = arith.constant 57 : i32
    %get3A_735 = arith.index_cast %get3A_734 : i32 to index
    %get3A_736 = arith.constant 0 : index
    %get3A_737 = tpu.vector_load %arg7[%get3A_735, %get3A_736] {strides = array<i32>} : memref<64x16xf32, #tpu.memory_space<vmem>>, vector<16xf32>,
    %add3A_738 = vector.broadcast %squeeze3A_733 : f32 to vector<16xf32>
    %add3A_739 = arith.addf %add3A_738, %get3A_737 : vector<16xf32>
    %lt3A_740 = arith.cmpf olt, %add3A_739, %min3A_162 : vector<16xf32>
    %or3A_741 = arith.ori %or3A_731, %lt3A_740 : vector<16xi1>
    %slice3A_742 = vector.extract_strided_slice %min3A_139 {offsets = [10], sizes = [1], strides = [1]} : vector<16xf32> to vector<1xf32>
    %squeeze3A_743 = vector.extract %slice3A_742[0] : f32 from vector<1xf32>
    %get3A_744 = arith.constant 58 : i32
    %get3A_745 = arith.index_cast %get3A_744 : i32 to index
    %get3A_746 = arith.constant 0 : index
    %get3A_747 = tpu.vector_load %arg7[%get3A_745, %get3A_746] {strides = array<i32>} : memref<64x16xf32, #tpu.memory_space<vmem>>, vector<16xf32>,
    %add3A_748 = vector.broadcast %squeeze3A_743 : f32 to vector<16xf32>
    %add3A_749 = arith.addf %add3A_748, %get3A_747 : vector<16xf32>
    %lt3A_750 = arith.cmpf olt, %add3A_749, %min3A_162 : vector<16xf32>
    %or3A_751 = arith.ori %or3A_741, %lt3A_750 : vector<16xi1>
    %slice3A_752 = vector.extract_strided_slice %min3A_139 {offsets = [11], sizes = [1], strides = [1]} : vector<16xf32> to vector<1xf32>
    %squeeze3A_753 = vector.extract %slice3A_752[0] : f32 from vector<1xf32>
    %get3A_754 = arith.constant 59 : i32
    %get3A_755 = arith.index_cast %get3A_754 : i32 to index
    %get3A_756 = arith.constant 0 : index
    %get3A_757 = tpu.vector_load %arg7[%get3A_755, %get3A_756] {strides = array<i32>} : memref<64x16xf32, #tpu.memory_space<vmem>>, vector<16xf32>,
    %add3A_758 = vector.broadcast %squeeze3A_753 : f32 to vector<16xf32>
    %add3A_759 = arith.addf %add3A_758, %get3A_757 : vector<16xf32>
    %lt3A_760 = arith.cmpf olt, %add3A_759, %min3A_162 : vector<16xf32>
    %or3A_761 = arith.ori %or3A_751, %lt3A_760 : vector<16xi1>
    %slice3A_762 = vector.extract_strided_slice %min3A_139 {offsets = [12], sizes = [1], strides = [1]} : vector<16xf32> to vector<1xf32>
    %squeeze3A_763 = vector.extract %slice3A_762[0] : f32 from vector<1xf32>
    %get3A_764 = arith.constant 60 : i32
    %get3A_765 = arith.index_cast %get3A_764 : i32 to index
    %get3A_766 = arith.constant 0 : index
    %get3A_767 = tpu.vector_load %arg7[%get3A_765, %get3A_766] {strides = array<i32>} : memref<64x16xf32, #tpu.memory_space<vmem>>, vector<16xf32>,
    %add3A_768 = vector.broadcast %squeeze3A_763 : f32 to vector<16xf32>
    %add3A_769 = arith.addf %add3A_768, %get3A_767 : vector<16xf32>
    %lt3A_770 = arith.cmpf olt, %add3A_769, %min3A_162 : vector<16xf32>
    %or3A_771 = arith.ori %or3A_761, %lt3A_770 : vector<16xi1>
    %slice3A_772 = vector.extract_strided_slice %min3A_139 {offsets = [13], sizes = [1], strides = [1]} : vector<16xf32> to vector<1xf32>
    %squeeze3A_773 = vector.extract %slice3A_772[0] : f32 from vector<1xf32>
    %get3A_774 = arith.constant 61 : i32
    %get3A_775 = arith.index_cast %get3A_774 : i32 to index
    %get3A_776 = arith.constant 0 : index
    %get3A_777 = tpu.vector_load %arg7[%get3A_775, %get3A_776] {strides = array<i32>} : memref<64x16xf32, #tpu.memory_space<vmem>>, vector<16xf32>,
    %add3A_778 = vector.broadcast %squeeze3A_773 : f32 to vector<16xf32>
    %add3A_779 = arith.addf %add3A_778, %get3A_777 : vector<16xf32>
    %lt3A_780 = arith.cmpf olt, %add3A_779, %min3A_162 : vector<16xf32>
    %or3A_781 = arith.ori %or3A_771, %lt3A_780 : vector<16xi1>
    %slice3A_782 = vector.extract_strided_slice %min3A_139 {offsets = [14], sizes = [1], strides = [1]} : vector<16xf32> to vector<1xf32>
    %squeeze3A_783 = vector.extract %slice3A_782[0] : f32 from vector<1xf32>
    %get3A_784 = arith.constant 62 : i32
    %get3A_785 = arith.index_cast %get3A_784 : i32 to index
    %get3A_786 = arith.constant 0 : index
    %get3A_787 = tpu.vector_load %arg7[%get3A_785, %get3A_786] {strides = array<i32>} : memref<64x16xf32, #tpu.memory_space<vmem>>, vector<16xf32>,
    %add3A_788 = vector.broadcast %squeeze3A_783 : f32 to vector<16xf32>
    %add3A_789 = arith.addf %add3A_788, %get3A_787 : vector<16xf32>
    %lt3A_790 = arith.cmpf olt, %add3A_789, %min3A_162 : vector<16xf32>
    %or3A_791 = arith.ori %or3A_781, %lt3A_790 : vector<16xi1>
    %slice3A_792 = vector.extract_strided_slice %min3A_139 {offsets = [15], sizes = [1], strides = [1]} : vector<16xf32> to vector<1xf32>
    %squeeze3A_793 = vector.extract %slice3A_792[0] : f32 from vector<1xf32>
    %get3A_794 = arith.constant 63 : i32
    %get3A_795 = arith.index_cast %get3A_794 : i32 to index
    %get3A_796 = arith.constant 0 : index
    %get3A_797 = tpu.vector_load %arg7[%get3A_795, %get3A_796] {strides = array<i32>} : memref<64x16xf32, #tpu.memory_space<vmem>>, vector<16xf32>,
    %add3A_798 = vector.broadcast %squeeze3A_793 : f32 to vector<16xf32>
    %add3A_799 = arith.addf %add3A_798, %get3A_797 : vector<16xf32>
    %lt3A_800 = arith.cmpf olt, %add3A_799, %min3A_162 : vector<16xf32>
    %or3A_801 = arith.ori %or3A_791, %lt3A_800 : vector<16xi1>
    %convert_element_type3A_802 = arith.extui %or3A_801 : vector<16xi1> to vector<16xi32>
    %swap3A_803 = arith.constant 0 : index
    %swap3A_804 = tpu.vector_load %arg13[%swap3A_803] {strides = array<i32>} : memref<16xi32, #tpu.memory_space<vmem>>, vector<16xi32>,
    tpu.vector_store %arg13[%swap3A_803], %convert_element_type3A_802 {strides = array<i32>} : memref<16xi32, #tpu.memory_space<vmem>>, vector<16xi32>,
    "tpu.region"() ({
      %run_scoped3A_816 = tpu.sem_alloc : memref<!tpu.dma_semaphore, #tpu.memory_space<semaphore_mem>>
      %dma_start3A_817 = arith.constant 0 : i32
      %dma_start3A_818 = tpu.memref_slice %arg17[%arg1, %dma_start3A_817] : memref<16x16xi32, #tpu.memory_space<vmem_shared>> -> memref<1x16xi32, #tpu.memory_space<vmem_shared>>
      %dma_start3A_819 = tpu.memref_squeeze %dma_start3A_818 : memref<1x16xi32, #tpu.memory_space<vmem_shared>> -> memref<16xi32, #tpu.memory_space<vmem_shared>>
      %dma_start3A_820 = arith.constant 0 : i32
      %dma_start3A_821 = tpu.memref_slice %arg17[%arg1, %dma_start3A_820] : memref<16x16xi32, #tpu.memory_space<vmem_shared>> -> memref<1x16xi32, #tpu.memory_space<vmem_shared>>
      %dma_start3A_822 = tpu.memref_squeeze %dma_start3A_821 : memref<1x16xi32, #tpu.memory_space<vmem_shared>> -> memref<16xi32, #tpu.memory_space<vmem_shared>>
      tpu.enqueue_dma source(%arg13 : memref<16xi32, #tpu.memory_space<vmem>>) target(%dma_start3A_822 : memref<16xi32, #tpu.memory_space<vmem_shared>>) target_semaphore(%run_scoped3A_816 : memref<!tpu.dma_semaphore, #tpu.memory_space<semaphore_mem>>)
      %dma_wait3A_823 = arith.constant 0 : i32
      %dma_wait3A_824 = tpu.memref_slice %arg17[%arg1, %dma_wait3A_823] : memref<16x16xi32, #tpu.memory_space<vmem_shared>> -> memref<1x16xi32, #tpu.memory_space<vmem_shared>>
      %dma_wait3A_825 = tpu.memref_squeeze %dma_wait3A_824 : memref<1x16xi32, #tpu.memory_space<vmem_shared>> -> memref<16xi32, #tpu.memory_space<vmem_shared>>
      %dma_wait3A_826 = arith.constant 0 : i32
      %dma_wait3A_827 = tpu.memref_slice %arg17[%arg1, %dma_wait3A_826] : memref<16x16xi32, #tpu.memory_space<vmem_shared>> -> memref<1x16xi32, #tpu.memory_space<vmem_shared>>
      %dma_wait3A_828 = tpu.memref_squeeze %dma_wait3A_827 : memref<1x16xi32, #tpu.memory_space<vmem_shared>> -> memref<16xi32, #tpu.memory_space<vmem_shared>>
      tpu.wait_dma2 semaphore(%run_scoped3A_816 : memref<!tpu.dma_semaphore, #tpu.memory_space<semaphore_mem>>) src(%arg13 : memref<16xi32, #tpu.memory_space<vmem>>) dst(%dma_wait3A_828 : memref<16xi32, #tpu.memory_space<vmem_shared>>)
      tpu.yield
    }) : () -> ()
    %eq3A_805 = arith.constant 0 : i32
    %eq3A_806 = arith.cmpi eq, %select_n3A, %eq3A_805 : i32
    %convert_element_type3A_807 = arith.extui %eq3A_806 : i1 to i32
    %cond3A_808 = arith.constant 0 : i32
    %cond3A_809 = arith.cmpi ne, %convert_element_type3A_807, %cond3A_808 : i32
    scf.if %cond3A_809 {
      "tpu.region"() ({
        %run_scoped3A_816 = tpu.sem_alloc : memref<!tpu.dma_semaphore, #tpu.memory_space<semaphore_mem>>
        %dma_start3A_817 = arith.constant 0 : i32
        %dma_start3A_818 = tpu.memref_slice %arg4[%dma_start3A_817, %mul3A_29] : memref<128x128xf32, #tpu.memory_space<hbm>> -> memref<128x16xf32, #tpu.memory_space<hbm>>
        %dma_start3A_819 = arith.constant 0 : i32
        %dma_start3A_820 = tpu.memref_slice %arg4[%dma_start3A_819, %mul3A_29] : memref<128x128xf32, #tpu.memory_space<hbm>> -> memref<128x16xf32, #tpu.memory_space<hbm>>
        tpu.enqueue_dma source(%arg11 : memref<128x16xf32, #tpu.memory_space<vmem>>) target(%dma_start3A_820 : memref<128x16xf32, #tpu.memory_space<hbm>>) target_semaphore(%run_scoped3A_816 : memref<!tpu.dma_semaphore, #tpu.memory_space<semaphore_mem>>)
        %dma_wait3A_821 = arith.constant 0 : i32
        %dma_wait3A_822 = tpu.memref_slice %arg4[%dma_wait3A_821, %mul3A_29] : memref<128x128xf32, #tpu.memory_space<hbm>> -> memref<128x16xf32, #tpu.memory_space<hbm>>
        %dma_wait3A_823 = arith.constant 0 : i32
        %dma_wait3A_824 = tpu.memref_slice %arg4[%dma_wait3A_823, %mul3A_29] : memref<128x128xf32, #tpu.memory_space<hbm>> -> memref<128x16xf32, #tpu.memory_space<hbm>>
        tpu.wait_dma2 semaphore(%run_scoped3A_816 : memref<!tpu.dma_semaphore, #tpu.memory_space<semaphore_mem>>) src(%arg11 : memref<128x16xf32, #tpu.memory_space<vmem>>) dst(%dma_wait3A_824 : memref<128x16xf32, #tpu.memory_space<hbm>>)
        tpu.yield
      }) : () -> ()
      "tpu.region"() ({
        %run_scoped3A_816 = tpu.sem_alloc : memref<!tpu.dma_semaphore, #tpu.memory_space<semaphore_mem>>
        %dma_start3A_817 = arith.constant 0 : i32
        %dma_start3A_818 = tpu.memref_slice %arg5[%dma_start3A_817, %mul3A_29] : memref<128x128xi32, #tpu.memory_space<hbm>> -> memref<128x16xi32, #tpu.memory_space<hbm>>
        %dma_start3A_819 = arith.constant 0 : i32
        %dma_start3A_820 = tpu.memref_slice %arg5[%dma_start3A_819, %mul3A_29] : memref<128x128xi32, #tpu.memory_space<hbm>> -> memref<128x16xi32, #tpu.memory_space<hbm>>
        tpu.enqueue_dma source(%arg12 : memref<128x16xi32, #tpu.memory_space<vmem>>) target(%dma_start3A_820 : memref<128x16xi32, #tpu.memory_space<hbm>>) target_semaphore(%run_scoped3A_816 : memref<!tpu.dma_semaphore, #tpu.memory_space<semaphore_mem>>)
        %dma_wait3A_821 = arith.constant 0 : i32
        %dma_wait3A_822 = tpu.memref_slice %arg5[%dma_wait3A_821, %mul3A_29] : memref<128x128xi32, #tpu.memory_space<hbm>> -> memref<128x16xi32, #tpu.memory_space<hbm>>
        %dma_wait3A_823 = arith.constant 0 : i32
        %dma_wait3A_824 = tpu.memref_slice %arg5[%dma_wait3A_823, %mul3A_29] : memref<128x128xi32, #tpu.memory_space<hbm>> -> memref<128x16xi32, #tpu.memory_space<hbm>>
        tpu.wait_dma2 semaphore(%run_scoped3A_816 : memref<!tpu.dma_semaphore, #tpu.memory_space<semaphore_mem>>) src(%arg12 : memref<128x16xi32, #tpu.memory_space<vmem>>) dst(%dma_wait3A_824 : memref<128x16xi32, #tpu.memory_space<hbm>>)
        tpu.yield
      }) : () -> ()
    } else {
    }
    %barrier3A_810 = arith.constant 0 : index
    tpu.barrier barrier_id(%barrier3A_810)
    %eq3A_811 = arith.constant 0 : i32
    %eq3A_812 = arith.cmpi eq, %arg1, %eq3A_811 : i32
    %convert_element_type3A_813 = arith.extui %eq3A_812 : i1 to i32
    %cond3A_814 = arith.constant 0 : i32
    %cond3A_815 = arith.cmpi ne, %convert_element_type3A_813, %cond3A_814 : i32
    scf.if %cond3A_815 {
      "tpu.region"() ({
        %run_scoped3A_920 = tpu.sem_alloc : memref<!tpu.dma_semaphore, #tpu.memory_space<semaphore_mem>>
        tpu.enqueue_dma source(%arg17 : memref<16x16xi32, #tpu.memory_space<vmem_shared>>) target(%arg14 : memref<16x16xi32, #tpu.memory_space<vmem>>) target_semaphore(%run_scoped3A_920 : memref<!tpu.dma_semaphore, #tpu.memory_space<semaphore_mem>>)
        tpu.wait_dma2 semaphore(%run_scoped3A_920 : memref<!tpu.dma_semaphore, #tpu.memory_space<semaphore_mem>>) src(%arg17 : memref<16x16xi32, #tpu.memory_space<vmem_shared>>) dst(%arg14 : memref<16x16xi32, #tpu.memory_space<vmem>>)
        tpu.yield
      }) : () -> ()
      %broadcast_in_dim3A_816 = arith.constant 0 : i32
      %broadcast_in_dim3A_817 = vector.broadcast %broadcast_in_dim3A_816 : i32 to vector<16xi32>
      %get3A_818 = arith.constant 0 : i32
      %get3A_819 = arith.index_cast %get3A_818 : i32 to index
      %get3A_820 = arith.constant 0 : index
      %get3A_821 = tpu.vector_load %arg14[%get3A_819, %get3A_820] {strides = array<i32>} : memref<16x16xi32, #tpu.memory_space<vmem>>, vector<16xi32>,
      %or3A_822 = arith.ori %broadcast_in_dim3A_817, %get3A_821 : vector<16xi32>
      %get3A_823 = arith.constant 1 : i32
      %get3A_824 = arith.index_cast %get3A_823 : i32 to index
      %get3A_825 = arith.constant 0 : index
      %get3A_826 = tpu.vector_load %arg14[%get3A_824, %get3A_825] {strides = array<i32>} : memref<16x16xi32, #tpu.memory_space<vmem>>, vector<16xi32>,
      %or3A_827 = arith.ori %or3A_822, %get3A_826 : vector<16xi32>
      %get3A_828 = arith.constant 2 : i32
      %get3A_829 = arith.index_cast %get3A_828 : i32 to index
      %get3A_830 = arith.constant 0 : index
      %get3A_831 = tpu.vector_load %arg14[%get3A_829, %get3A_830] {strides = array<i32>} : memref<16x16xi32, #tpu.memory_space<vmem>>, vector<16xi32>,
      %or3A_832 = arith.ori %or3A_827, %get3A_831 : vector<16xi32>
      %get3A_833 = arith.constant 3 : i32
      %get3A_834 = arith.index_cast %get3A_833 : i32 to index
      %get3A_835 = arith.constant 0 : index
      %get3A_836 = tpu.vector_load %arg14[%get3A_834, %get3A_835] {strides = array<i32>} : memref<16x16xi32, #tpu.memory_space<vmem>>, vector<16xi32>,
      %or3A_837 = arith.ori %or3A_832, %get3A_836 : vector<16xi32>
      %get3A_838 = arith.constant 4 : i32
      %get3A_839 = arith.index_cast %get3A_838 : i32 to index
      %get3A_840 = arith.constant 0 : index
      %get3A_841 = tpu.vector_load %arg14[%get3A_839, %get3A_840] {strides = array<i32>} : memref<16x16xi32, #tpu.memory_space<vmem>>, vector<16xi32>,
      %or3A_842 = arith.ori %or3A_837, %get3A_841 : vector<16xi32>
      %get3A_843 = arith.constant 5 : i32
      %get3A_844 = arith.index_cast %get3A_843 : i32 to index
      %get3A_845 = arith.constant 0 : index
      %get3A_846 = tpu.vector_load %arg14[%get3A_844, %get3A_845] {strides = array<i32>} : memref<16x16xi32, #tpu.memory_space<vmem>>, vector<16xi32>,
      %or3A_847 = arith.ori %or3A_842, %get3A_846 : vector<16xi32>
      %get3A_848 = arith.constant 6 : i32
      %get3A_849 = arith.index_cast %get3A_848 : i32 to index
      %get3A_850 = arith.constant 0 : index
      %get3A_851 = tpu.vector_load %arg14[%get3A_849, %get3A_850] {strides = array<i32>} : memref<16x16xi32, #tpu.memory_space<vmem>>, vector<16xi32>,
      %or3A_852 = arith.ori %or3A_847, %get3A_851 : vector<16xi32>
      %get3A_853 = arith.constant 7 : i32
      %get3A_854 = arith.index_cast %get3A_853 : i32 to index
      %get3A_855 = arith.constant 0 : index
      %get3A_856 = tpu.vector_load %arg14[%get3A_854, %get3A_855] {strides = array<i32>} : memref<16x16xi32, #tpu.memory_space<vmem>>, vector<16xi32>,
      %or3A_857 = arith.ori %or3A_852, %get3A_856 : vector<16xi32>
      %get3A_858 = arith.constant 8 : i32
      %get3A_859 = arith.index_cast %get3A_858 : i32 to index
      %get3A_860 = arith.constant 0 : index
      %get3A_861 = tpu.vector_load %arg14[%get3A_859, %get3A_860] {strides = array<i32>} : memref<16x16xi32, #tpu.memory_space<vmem>>, vector<16xi32>,
      %or3A_862 = arith.ori %or3A_857, %get3A_861 : vector<16xi32>
      %get3A_863 = arith.constant 9 : i32
      %get3A_864 = arith.index_cast %get3A_863 : i32 to index
      %get3A_865 = arith.constant 0 : index
      %get3A_866 = tpu.vector_load %arg14[%get3A_864, %get3A_865] {strides = array<i32>} : memref<16x16xi32, #tpu.memory_space<vmem>>, vector<16xi32>,
      %or3A_867 = arith.ori %or3A_862, %get3A_866 : vector<16xi32>
      %get3A_868 = arith.constant 10 : i32
      %get3A_869 = arith.index_cast %get3A_868 : i32 to index
      %get3A_870 = arith.constant 0 : index
      %get3A_871 = tpu.vector_load %arg14[%get3A_869, %get3A_870] {strides = array<i32>} : memref<16x16xi32, #tpu.memory_space<vmem>>, vector<16xi32>,
      %or3A_872 = arith.ori %or3A_867, %get3A_871 : vector<16xi32>
      %get3A_873 = arith.constant 11 : i32
      %get3A_874 = arith.index_cast %get3A_873 : i32 to index
      %get3A_875 = arith.constant 0 : index
      %get3A_876 = tpu.vector_load %arg14[%get3A_874, %get3A_875] {strides = array<i32>} : memref<16x16xi32, #tpu.memory_space<vmem>>, vector<16xi32>,
      %or3A_877 = arith.ori %or3A_872, %get3A_876 : vector<16xi32>
      %get3A_878 = arith.constant 12 : i32
      %get3A_879 = arith.index_cast %get3A_878 : i32 to index
      %get3A_880 = arith.constant 0 : index
      %get3A_881 = tpu.vector_load %arg14[%get3A_879, %get3A_880] {strides = array<i32>} : memref<16x16xi32, #tpu.memory_space<vmem>>, vector<16xi32>,
      %or3A_882 = arith.ori %or3A_877, %get3A_881 : vector<16xi32>
      %get3A_883 = arith.constant 13 : i32
      %get3A_884 = arith.index_cast %get3A_883 : i32 to index
      %get3A_885 = arith.constant 0 : index
      %get3A_886 = tpu.vector_load %arg14[%get3A_884, %get3A_885] {strides = array<i32>} : memref<16x16xi32, #tpu.memory_space<vmem>>, vector<16xi32>,
      %or3A_887 = arith.ori %or3A_882, %get3A_886 : vector<16xi32>
      %get3A_888 = arith.constant 14 : i32
      %get3A_889 = arith.index_cast %get3A_888 : i32 to index
      %get3A_890 = arith.constant 0 : index
      %get3A_891 = tpu.vector_load %arg14[%get3A_889, %get3A_890] {strides = array<i32>} : memref<16x16xi32, #tpu.memory_space<vmem>>, vector<16xi32>,
      %or3A_892 = arith.ori %or3A_887, %get3A_891 : vector<16xi32>
      %get3A_893 = arith.constant 15 : i32
      %get3A_894 = arith.index_cast %get3A_893 : i32 to index
      %get3A_895 = arith.constant 0 : index
      %get3A_896 = tpu.vector_load %arg14[%get3A_894, %get3A_895] {strides = array<i32>} : memref<16x16xi32, #tpu.memory_space<vmem>>, vector<16xi32>,
      %or3A_897 = arith.ori %or3A_892, %get3A_896 : vector<16xi32>
      %ne3A_898 = arith.constant 0 : i32
      %ne3A_899 = vector.broadcast %ne3A_898 : i32 to vector<16xi32>
      %ne3A_900 = arith.cmpi ne, %or3A_897, %ne3A_899 : vector<16xi32>
      %reduce_or3A = arith.constant 1.000000e+00 : f32
      %reduce_or3A_901 = arith.constant 0.000000e+00 : f32
      %reduce_or3A_902 = vector.broadcast %reduce_or3A : f32 to vector<16xf32>
      %reduce_or3A_903 = vector.broadcast %reduce_or3A_901 : f32 to vector<16xf32>
      %reduce_or3A_904 = arith.select %ne3A_900, %reduce_or3A_902, %reduce_or3A_903 : vector<16xi1>, vector<16xf32>
      %reduce_or3A_905 = arith.constant true
      %reduce_or3A_906 = vector.broadcast %reduce_or3A_905 : i1 to vector<16xi1>
      %reduce_or3A_907 = tpu.scan <max>, %reduce_or3A_904 masked %reduce_or3A_906 : vector<16xf32>, vector<16xi1> -> vector<16xf32>
      %reduce_or3A_908 = vector.extract %reduce_or3A_907[15] : f32 from vector<16xf32>
      %reduce_or3A_909 = arith.constant 0.000000e+00 : f32
      %reduce_or3A_910 = arith.cmpf ogt, %reduce_or3A_908, %reduce_or3A_909 : f32
      %jit3A_911 = arith.constant 1 : i32
      %jit3A_912 = arith.constant 0 : i32
      %select_n3A_913 = arith.select %reduce_or3A_910, %jit3A_911, %jit3A_912 : i32
      %broadcast_in_dim3A_914 = arith.constant 1 : i32
      %broadcast_in_dim3A_915 = vector.broadcast %broadcast_in_dim3A_914 : i32 to vector<16xi32>
      %mul3A_916 = vector.broadcast %select_n3A_913 : i32 to vector<16xi32>
      %mul3A_917 = arith.muli %mul3A_916, %broadcast_in_dim3A_915 : vector<16xi32>
      %swap3A_918 = arith.constant 0 : index
      %swap3A_919 = tpu.vector_load %arg15[%swap3A_918] {strides = array<i32>} : memref<16xi32, #tpu.memory_space<vmem>>, vector<16xi32>,
      tpu.vector_store %arg15[%swap3A_918], %mul3A_917 {strides = array<i32>} : memref<16xi32, #tpu.memory_space<vmem>>, vector<16xi32>,
      "tpu.region"() ({
        %run_scoped3A_920 = tpu.sem_alloc : memref<!tpu.dma_semaphore, #tpu.memory_space<semaphore_mem>>
        tpu.enqueue_dma source(%arg15 : memref<16xi32, #tpu.memory_space<vmem>>) target(%arg6 : memref<16xi32, #tpu.memory_space<hbm>>) target_semaphore(%run_scoped3A_920 : memref<!tpu.dma_semaphore, #tpu.memory_space<semaphore_mem>>)
        tpu.wait_dma2 semaphore(%run_scoped3A_920 : memref<!tpu.dma_semaphore, #tpu.memory_space<semaphore_mem>>) src(%arg15 : memref<16xi32, #tpu.memory_space<vmem>>) dst(%arg6 : memref<16xi32, #tpu.memory_space<hbm>>)
        tpu.yield
      }) : () -> ()
    } else {
    }
    return
  }
}

</mosaic_0001>

<sc_bundles>
// kernel: kernel.3.cloned.1.call-start
scs
__scs_entry_jumppad:
0x0: {  	(pc) =	sbr.rel $0x88, $3  }
0x1: {  	(tag) =	ssettag $0x0;
	lr =	simm.s32 $0x1  }
0x2: {  	[smem:$0x3F9F] =	sst lr;
	_ =	strace $0xD0000000  }
0x3: {  	_ = 	snop  }
0x4: {  	_ = 	snop  }
0x5: {  	_ = 	snop  }
0x6: {  	_ = 	snop  }
0x7: {  	_ = 	snop  }
__scs_overlays_trampoline_lowered:
0x8: {  	[smem:$0x3FAE] =	sst s0  }
0x9: {  	[smem:$0x3FAF] =	sst s1  }
0xa: {  	[smem:$0x3FB0] =	sst s2  }
0xb: {  	[smem:$0x3FB1] =	sst s3  }
0xc: {  	[smem:$0x3FB2] =	sst s4  }
0xd: {  	[smem:$0x3FB3] =	sst s5  }
0xe: {  	[smem:$0x3FB4] =	sst s6  }
0xf: {  	[smem:$0x3FB5] =	sst s7  }
0x10: {  	[smem:$0x3FB6] =	sst s8  }
0x11: {  	[smem:$0x3FB7] =	sst s9;
	s0 =	simm.s32 @!p0 $0x0  }
0x12: {  	s1 =	sld [smem:$0x3F9D];
	s0 =	simm.s32 @p0 $0x1  }
0x13: {  	[smem:$0x3FB8] =	sst s0;
	s0 =	simm.s32 @!p1 $0x0  }
0x14: {  	s2 =	sld [smem:$0x3F9C];
	s0 =	simm.s32 @p1 $0x1  }
0x15: {  	[smem:$0x3FB9] =	sst s0;
	s0 =	simm.s32 @!p2 $0x0  }
0x16: {  	s3 =	sld [smem:$0x3FDB];
	s0 =	simm.s32 @p2 $0x1  }
0x17: {  	s4 =	simm.s32 $0x1BF5;
	[smem:$0x3FBB] =	sst s0  }
0x18: {  	s0 =	sld [smem:$0x3F9E];
	_ =	swait.ge [sflag:s4], $0x0  }
0x19: {  	s7 =	sld [smem:$0x3F9F]  }
0x1a: {  	s8 =	sadd.s32 $0xFFFFE003, lr  }
0x1b: {  	s9 =	sadd.s32 $0xFFFFFEF7, lr;
	s5 =	simm.s32 $0xFFFFFFFF;
	p2 =	slt.u32 s8, $0xFFFFF086  }
0x1c: {  	p1 =	slt.u32 s9, $0xF7A;
	s5 =	simm.s32 @!p2 $0x0  }
0x1d: {  	s5 =	simm.s32 @p1 $0x1;
	p0 =	seq.s32 s7, s2  }
0x1e: {  	s7 =	smul.u32 @!p0 $0xF7A, s2;
	p2 =	seq.s32 @!p0 s5, $0x0  }
0x1f: {  	s9 =	smul.u32 $0xF7A, s1;
	s8 =	simm.s32 @!p0 $0x1BF5;
	p2 =	por !p2, p0  }
0x20: {  	[sflag:s8] =	ssyncset.s32 @!p0 $0xFFFFF086;
	s6 =	sadd.s32 @!p0 s3, s7;
	s7 =	simm.s32 @!p0 $0x108  }
0x21: {  	s3 =	sadd.s32 s3, s9;
	s6 =	sadd.s32 @!p0 $0x88, s6;
	s7 =	simm.s32 @p2 $0x1082  }
0x22: {  	[simem:s7], [sflag:s8] =	dma.local @!p0 [hbm:s6], $0xF7A  }
0x23: {  	s9 =	sor.u32 $0xD0000000, s2;
	s6 =	simm.s32 $0x108;
	_ =	swait.ge @!p0 [sflag:s8], $0x0  }
0x24: {  	s3 =	sadd.s32 $0x88, s3;
	s6 =	simm.s32 @!p1 $0x1082;
	[sflag:s4] =	ssyncset.s32 $0xFFFFF086  }
0x25: {  	[simem:s6], [sflag:s4] =	dma.local [hbm:s3], $0xF7A  }
0x26: {  	[smem:$0x3F9F] =	sst s1;
	(tag) =	ssettag s2;
	_ =	strace s9  }
0x27: {  	s1 =	sld [smem:$0x3FAF]  }
0x28: {  	s2 =	sld [smem:$0x3FB0]  }
0x29: {  	s4 =	sld [smem:$0x3FB2]  }
0x2a: {  	p0 =	seq.s32 s5, $0x0;
	s5 =	sld [smem:$0x3FB3]  }
0x2b: {  	s6 =	sld [smem:$0x3FB4]  }
0x2c: {  	s7 =	sld [smem:$0x3FB5]  }
0x2d: {  	s3 =	simm.s32 $0x108;
	s8 =	sld [smem:$0x3FB6]  }
0x2e: {  	s3 =	simm.s32 @!p0 $0x1082;
	s9 =	sld [smem:$0x3FB7]  }
0x2f: {  	lr =	sadd.s32 s0, s3;
	s0 =	sld [smem:$0x3FAE]  }
0x30: {  	s3 =	sld [smem:$0x3FB1]  }
0x31: {  	[smem:$0x3FBA] =	sst s10  }
0x32: {  	s10 =	sld [smem:$0x3FB8];
	_ =	sdelay $0x3  }
0x33: {  	p0 =	seq.s32 s10, $0x1;
	s10 =	sld [smem:$0x3FBA];
	_ =	sdelay $0x3  }
0x34: {  	[smem:$0x3FBA] =	sst s10  }
0x35: {  	s10 =	sld [smem:$0x3FB9];
	_ =	sdelay $0x3  }
0x36: {  	p1 =	seq.s32 s10, $0x1;
	s10 =	sld [smem:$0x3FBA];
	_ =	sdelay $0x3  }
0x37: {  	[smem:$0x3FBA] =	sst s10  }
0x38: {  	s10 =	sld [smem:$0x3FBB]  }
0x39: {  	_ = 	snop;
	(pc) =	sbr.ind lr, $3  }
0x3a: {  	_ = 	snop  }
0x3b: {  	_ = 	snop  }
0x3c: {  	p2 =	seq.s32 s10, $0x1;
	s10 =	sld [smem:$0x3FBA]  }
0x3d: {  	_ =	shalt  }
0x3e: {  	_ =	shalt  }
0x3f: {  	_ =	shalt  }
0x40: {  	_ =	shalt  }
0x41: {  	_ =	shalt  }
0x42: {  	_ =	shalt  }
0x43: {  	_ =	shalt  }
0x44: {  	_ =	shalt  }
0x45: {  	_ =	shalt  }
0x46: {  	_ =	shalt  }
0x47: {  	_ =	shalt  }
0x48: {  	_ =	shalt  }
0x49: {  	_ =	shalt  }
0x4a: {  	_ =	shalt  }
0x4b: {  	_ =	shalt  }
0x4c: {  	_ =	shalt  }
0x4d: {  	_ =	shalt  }
0x4e: {  	_ =	shalt  }
0x4f: {  	_ =	shalt  }
0x50: {  	_ =	shalt  }
0x51: {  	_ =	shalt  }
0x52: {  	_ =	shalt  }
0x53: {  	_ =	shalt  }
0x54: {  	_ =	shalt  }
0x55: {  	_ =	shalt  }
0x56: {  	_ =	shalt  }
0x57: {  	_ =	shalt  }
0x58: {  	_ =	shalt  }
0x59: {  	_ =	shalt  }
0x5a: {  	_ =	shalt  }
0x5b: {  	_ =	shalt  }
0x5c: {  	_ =	shalt  }
0x5d: {  	_ =	shalt  }
0x5e: {  	_ =	shalt  }
0x5f: {  	_ =	shalt  }
0x60: {  	_ =	shalt  }
0x61: {  	_ =	shalt  }
0x62: {  	_ =	shalt  }
0x63: {  	_ =	shalt  }
0x64: {  	_ =	shalt  }
0x65: {  	_ =	shalt  }
0x66: {  	_ =	shalt  }
0x67: {  	_ =	shalt  }
0x68: {  	_ =	shalt  }
0x69: {  	_ =	shalt  }
0x6a: {  	_ =	shalt  }
0x6b: {  	_ =	shalt  }
0x6c: {  	_ =	shalt  }
0x6d: {  	_ =	shalt  }
0x6e: {  	_ =	shalt  }
0x6f: {  	_ =	shalt  }
0x70: {  	_ =	shalt  }
0x71: {  	_ =	shalt  }
0x72: {  	_ =	shalt  }
0x73: {  	_ =	shalt  }
0x74: {  	_ =	shalt  }
0x75: {  	_ =	shalt  }
0x76: {  	_ =	shalt  }
0x77: {  	_ =	shalt  }
0x78: {  	_ =	shalt  }
0x79: {  	_ =	shalt  }
0x7a: {  	_ =	shalt  }
0x7b: {  	_ =	shalt  }
0x7c: {  	_ =	shalt  }
0x7d: {  	_ =	shalt  }
0x7e: {  	_ =	shalt  }
0x7f: {  	_ =	shalt  }
0x80: {  	_ =	shalt  }
0x81: {  	_ =	shalt  }
0x82: {  	_ =	shalt  }
0x83: {  	_ =	shalt  }
0x84: {  	_ =	shalt  }
0x85: {  	_ =	shalt  }
0x86: {  	_ =	shalt  }
0x87: {  	_ =	shalt  }
.Lfunc_end0:
.L_simem_size_0:
called_computation_lowered:
.L_overlay_start_0:
0x88: {  	s0 =	sld [smem:$0x3FD9]  }
0x89: {  	s1 =	sld [smem:$0x3FFE];
	_ =	sdelay $0x3  }
0x8a: {  	s0 =	sadd.s32 s1, s0  }
0x8b: {  	[smem:$0x3FC6] =	sst s0  }
0x8c: {  	_ = 	snop  }
0x8d: {  	s0 =	sld [smem:$0x3FD0];
	_ =	sdelay $0x2  }
0x8e: {  	s2 =	simm.s32 $0xA;
	s3 =	simm.s32 $0x10;
	s13 =	sld [smem:$0x3FC9]  }
0x8f: {  	[smem:s3], [sflag:s2] =	dma.local [hbm:s0], $0x1  }
0x90: {  	_ =	swait.eq [sflag:s2], $0x1  }
0x91: {  	[sflag:s2] =	ssyncset.done $0x0  }
0x92: {  	s14 =	sld [smem:$0x11];
	[sflag:s2] =	ssyncadd.s32 $0xFFFFFFFF  }
0x93: {  	s15 =	sld [smem:$0x12];
	(tm) =	ssettm $0x1  }
0x94: {  	s16 =	sld [smem:$0x3FFB];
	_ =	sdelay $0x3  }
0x95: {  	_ =	strace s16  }
0x96: {  	s3 =	sld [smem:$0x3FFC];
	_ =	sdelay $0x3  }
0x97: {  	_ =	strace s3  }
0x98: {  	s3 =	sld [smem:$0x3FFD];
	_ =	sdelay $0x3  }
0x99: {  	_ =	strace s3  }
0x9a: {  	_ =	strace $0x8FFFFFFF  }
0x9b: {  	s17 =	sld [smem:$0x3FDB];
	_ =	sdelay $0x1  }
0x9c: {  	s4 =	simm.s32 $_scs_section_size  }
0x9d: {  	s5 =	simm.s32 $_size__tile_overlayer_lowered;
	s6 =	simm.s32 $_tile_overlayer_lowered  }
0x9e: {  	s20 =	simm.s32 $0x1BFF;
	s19 =	sshll.u32 s6, $0x1;
	s3 =	sadd.s32 s4, s17  }
0x9f: {  	s7 =	simm.s32 $0x0;
	s18 =	sshll.u32 s5, $0x1;
	s5 =	sadd.s32 s19, s3  }
0xa0: {  	[timem:s7], [sflag:s20] =	dma.local [hbm:s5], s18  }
0xa1: {  	_ =	swait.ge [sflag:s20], s18  }
0xa2: {  	s4 =	ssub.s32 $0x0, s18;
	[sflag:s20] =	ssyncset.done $0x0  }
0xa3: {  	[sflag:s20] =	ssyncadd.s32 s4;
	_ =	sdelay $0x1  }
0xa4: {  	s21 =	simm.s32 $0x1B8B  }
0xa5: {  	_ =	swait.ge [sflag:s21], $0x1  }
0xa6: {  	[sflag:s21] =	ssyncset.done $0x0  }
0xa7: {  	s23 =	simm.s32 $0x1B8E;
	s22 =	sld [smem:$0x3FFE];
	[sflag:s21] =	ssyncadd.s32 $0xFFFFFFFF  }
0xa8: {  	s24 =	simm.s32 $execute0_lowered;
	[smem:$0x3FD2] =	sst s23  }
0xa9: {  	s5 =	sshll.u32 s24, $0x1;
	_ =	strace $0x80000046;
	[dreg:$0x1] =	wrdreg $0xFFFFFFFF  }
0xaa: {  	s25 =	simm.s32 $_size_execute0_lowered;
	s3 =	sadd.s32 s3, s5;
	[dreg:$0x0] =	wrdreg $0x0  }
0xab: {  	s5 =	sshll.u32 s25, $0x1;
	[dreg:$0x2] =	wrdreg s3  }
0xac: {  	[dreg:$0x3] =	wrdreg s5  }
0xad: {  	[dreg:$0x4] =	wrdreg $0xC0  }
0xae: {  	_ =	task [dreg:s7], $0x5FFFF  }
0xaf: {  	[dreg:$0x1] =	wrdreg $0xFFFFFFFF  }
0xb0: {  	[dreg:$0x0] =	wrdreg $0x60  }
0xb1: {  	[dreg:$0x2] =	wrdreg s13  }
0xb2: {  	[dreg:$0x3] =	wrdreg s15  }
0xb3: {  	[dreg:$0x4] =	wrdreg s14  }
0xb4: {  	[dreg:$0x5] =	wrdreg s22  }
0xb5: {  	[dreg:$0x6] =	wrdreg $0x16000  }
0xb6: {  	[dreg:$0x7] =	wrdreg $0x16400  }
0xb7: {  	[dreg:$0x8] =	wrdreg $0x9  }
0xb8: {  	_ =	task.clear_ibuf [dreg:s7], $0x9FFFF;
	_ =	strace $0x90000046  }
0xb9: {  	s26 =	simm.s32 $0x9;
	_ =	strace $0x80000048  }
0xba: {  	_ =	swait.ge [sflag:s26], $0x1  }
0xbb: {  	[sflag:s26] =	ssyncadd.s32 $0xFFFFFFFF  }
0xbc: {  	_ =	strace $0x90000048  }
0xbd: {  	_ =	sfence  }
0xbe: {  	s28 =	sld [smem:$0x0];
	_ =	sdelay $0x1  }
0xbf: {  	s29 =	srdreg.scid  }
0xc0: {  	s30 =	sshll.u32 s29, $0xD;
	s31 =	sshrl.u32 s29, $0x2  }
0xc1: {  	s1 =	sand.u32 $0x1, s29;
	s2 =	sand.u32 $0x4000, s30;
	s0 =	sadd.s32 s31, s28  }
0xc2: {  	s1 =	sor.u32 s2, s1;
	s0 =	sshll.u32 s0, $0x11  }
0xc3: {  	s0 =	sor.u32 s0, s1  }
0xc4: {  	s0 =	sadd.s32 $0x8F2B, s0  }
0xc5: {  	[sflag:s0] =	ssyncadd.remote.s32 $0x1  }
0xc6: {  	_ =	sfence.sel $0xFFFF  }
0xc7: {  	[dreg:$0x0] =	wrdreg $0xFFFFFFFF;
	(pc) =	sbr.abs _section_cstart, $3  }
0xc8: {  	[dreg:$0x1] =	wrdreg $0xFFFFFFFF  }
0xc9: {  	_ =	task.clear_ibuf [dreg:s7], $0x2FFFF;
	_ =	strace $0x9FFFFFFF  }
0xca: {  	(tm) =	ssettm $0x7FFFFFFF  }
0xcb: {  	_ =	shalt  }
tec
execute0_lowered:
.L_overlay_start_1:
0x0: {  	(tag) =	ssettag $0x1  }
0x1: {  	s2 =	rddreg [dreg:$0x0]  }
0x2: {  	s5 =	rddreg [dreg:$0x1]  }
0x3: {  	s4 =	rddreg [dreg:$0x2]  }
0x4: {  	s6 =	rddreg [dreg:$0x3]  }
0x5: {  	s7 =	rddreg [dreg:$0x4]  }
0x6: {  	s1 =	rddreg [dreg:$0x5]  }
0x7: {  	s3 =	stileid.u32;
	s11 =	simm.s32 $0x0;
	s10 =	simm.s32 $0x80  }
0x8: {  	s22 =	simm.s32 $0x5;
	s15 =	simm.s32 $0x440;
	s18 =	simm.s32 $0x420  }
0x9: {  	s19 =	simm.s32 $0x460;
	s12 =	sand.u32 $0x7, s3;
	s16 =	sshrl.u32 s3, $0x3  }
0xa: {  	[smem:$0x7FF] =	sst s11;
	s13 =	sshll.u32 s3, $0x6;
	s8 =	sshll.u32 s12, $0x4  }
0xb: {  	s9 =	sshll.u32 s16, $0xD;
	_ =	strace $0x80000047;
	s20 =	sshll.u32 s12, $0x1  }
0xc: {  	s13 =	sor.u32 $0x1C05, s13;
	s12 =	simm.s32 $0x4C0;
	s9 =	sor.u32 s8, s9  }
0xd: {  	p0 =	sne.s32 s16, $0x0;
	s23 =	sadd.s32 s8, s7;
	s9 =	sshrl.u32 s9, $0x3  }
0xe: {  	s5 =	sadd.s32 s5, s20;
	s2 =	sadd.s32 s2, s9;
	s9 =	simm.s32 $0x10  }
0xf: {  	[tilespmem:s11], [sflag:$0x5] =	stream.strided.gather [hbm4b:s2+s9], $0x400, s10, s9, $0x38;
	[tilespmem:$0x1650] =	vst v63  }
0x10: {  	s4 =	sadd.s32 s4, s20;
	s11 =	sshll.u32 s16, $0x8;
	_ =	swait.ge [sflag:s22], $0x400  }
0x11: {  	s21 =	simm.s32 @!p0 $0x80;
	s24 =	sadd.s32 s11, s23;
	[sflag:s22] =	ssyncset.done $0x0  }
0x12: {  	s14 =	sshrl.u32 s24, $0x3;
	s25 =	sadd.s32 $0x80, s24;
	[sflag:s22] =	ssyncadd.s32 $0xFFFFFC00  }
0x13: {  	[spmem:s14], [sflag:s13] =	dma.local [hbm:s5], $0x2  }
0x14: {  	s13 =	sshll.u32 s16, $0x6;
	s14 =	simm.s32 $0x400;
	s5 =	sadd.s32 s20, s6  }
0x15: {  	s20 =	simm.s32 @!p0 $0x10;
	_ =	swait.ge [sflag:s22], $0x2;
	s26 =	sadd.s32 s13, s7  }
0x16: {  	s17 =	sor.u32 $0x20, s13;
	s31 =	sor.u32 $0x1, s13;
	s24 =	sor.u32 $0x2, s13  }
0x17: {  	s0 =	sor.u32 $0x4, s13;
	s28 =	sor.u32 $0x6, s13;
	s29 =	sor.u32 $0x7, s13  }
0x18: {  	s5 =	sadd.s32 $0xE00, s5;
	[sflag:s22] =	ssyncset.done $0x0;
	s2 =	sadd.s32 $0x100, s26  }
0x19: {  	s30 =	sadd.s32 s17, s7;
	v48 =	vmov s31;
	v51 =	vmov s0;
	s31 =	sor.u32 $0x9, s13;
	s0 =	sor.u32 $0xA, s13  }
0x1a: {  	v49 =	vmov s24;
	v53 =	vmov s28;
	v54 =	vmov s29;
	s28 =	sor.u32 $0xC, s13;
	s29 =	sor.u32 $0xD, s13;
	s24 =	simm.s32 $0xCE0  }
0x1b: {  	v0 =	vimm.f32 $0.0e+00;
	[sflag:s22] =	ssyncadd.s32 $0xFFFFFFFE;
	v56 =	vmov s31;
	v57 =	vmov s0;
	s31 =	sor.u32 $0xF, s13;
	s0 =	sor.u32 $0x10, s13  }
0x1c: {  	v59 =	vmov s28;
	v60 =	vmov s29;
	s28 =	sor.u32 $0x12, s13;
	s29 =	sor.u32 $0x13, s13;
	v62 =	vmov s31;
	s31 =	sor.u32 $0x15, s13  }
0x1d: {  	[tilespmem:$0x4C0] =	vst v0;
	v63 =	vmov s0;
	s0 =	sor.u32 $0x16, s13;
	v17 =	vmov s28;
	v18 =	vmov s29;
	s28 =	sor.u32 $0x18, s13;
	s29 =	sor.u32 $0x19, s13  }
0x1e: {  	[spmem:s25] =	stream.linear.scatter [tilespmem:s12], [sflag:$0x5], $0x10, $0x38;
	[tilespmem:$0x1650] =	vst v63  }
0x1f: {  	s25 =	sor.u32 $0x3, s13;
	v20 =	vmov s31;
	s31 =	sor.u32 $0x1B, s13;
	_ =	swait.ge [sflag:s22], $0x10  }
0x20: {  	v21 =	vmov s0;
	s0 =	sor.u32 $0x1C, s13;
	v23 =	vmov s28;
	s28 =	sor.u32 $0x1E, s13;
	[sflag:s22] =	ssyncset.done $0x0  }
0x21: {  	v24 =	vmov s29;
	s29 =	sor.u32 $0x1F, s13;
	v50 =	vmov s25;
	s25 =	sor.u32 $0x8, s13;
	[sflag:s22] =	ssyncadd.s32 $0xFFFFFFF0  }
0x22: {  	v26 =	vmov s31;
	v27 =	vmov s0;
	s31 =	sor.u32 $0x22, s13;
	s0 =	sor.u32 $0x23, s13;
	[bflag:$0x0] =	sbarrier.arrive $0xFFFF  }
0x23: {  	[tilespmem:s14], [sflag:$0x1] =	stream.linear.gather [spmem:s26], $0x20, $0x38;
	[tilespmem:$0x1650] =	vst v63  }
0x24: {  	v29 =	vmov s28;
	v30 =	vmov s29;
	s28 =	sor.u32 $0x25, s13;
	s29 =	sor.u32 $0x26, s13;
	v55 =	vmov s25;
	s25 =	sor.u32 $0xE, s13;
	[tilespmem:$0x1FF00] =	vst v48  }
0x25: {  	v32 =	vmov s31;
	v33 =	vmov s0;
	s31 =	sor.u32 $0x28, s13;
	s0 =	sor.u32 $0x29, s13;
	v35 =	vmov s28;
	s28 =	sor.u32 $0x2B, s13;
	[tilespmem:$0x1FF10] =	vst v49  }
0x26: {  	v36 =	vmov s29;
	s29 =	sor.u32 $0x2C, s13;
	s22 =	simm.s32 @!p0 $0x480;
	v61 =	vmov s25;
	s25 =	sor.u32 $0x14, s13;
	[tilespmem:$0x1FF20] =	vst v50  }
0x27: {  	v38 =	vmov s31;
	v39 =	vmov s0;
	s31 =	sor.u32 $0x2E, s13;
	s0 =	sor.u32 $0x2F, s13;
	v41 =	vmov s28;
	s28 =	sor.u32 $0x31, s13;
	[tilespmem:$0x1FF30] =	vst v51  }
0x28: {  	[tilespmem:s15], [sflag:$0x1] =	stream.linear.gather [spmem:s2], $0x20, $0x38;
	[tilespmem:$0x1650] =	vst v63  }
0x29: {  	v42 =	vmov s29;
	s29 =	sor.u32 $0x32, s13;
	v19 =	vmov s25;
	s25 =	sor.u32 $0x1A, s13;
	v44 =	vmov s31;
	s31 =	sor.u32 $0x34, s13;
	[tilespmem:$0x1FF50] =	vst v53  }
0x2a: {  	[tilespmem:s18], [sflag:$0x2] =	stream.linear.gather [spmem:s30], $0x20, $0x38;
	[tilespmem:$0x1650] =	vst v63  }
0x2b: {  	v45 =	vmov s0;
	s0 =	sor.u32 $0x35, s13;
	[tilespmem:$0x1FF60] =	vst v54;
	s2 =	sadd.s32 $0x100, s30;
	s30 =	sor.u32 $0x5, s13  }
0x2c: {  	v47 =	vmov s28;
	s28 =	sor.u32 $0x37, s13;
	s26 =	sshllo.u32 s16, $0x6;
	[tilespmem:$0x1FF70] =	vst v55;
	v52 =	vmov s30;
	s30 =	sor.u32 $0xB, s13  }
0x2d: {  	[tilespmem:s19], [sflag:$0x2] =	stream.linear.gather [spmem:s2], $0x20, $0x38;
	[tilespmem:$0x1650] =	vst v63  }
0x2e: {  	s16 =	sadd.s32 $0x200, s23;
	[tilespmem:$0x1FF80] =	vst v56;
	v25 =	vmov s25;
	s25 =	sor.u32 $0x21, s13;
	v58 =	vmov s30;
	s30 =	sor.u32 $0x11, s13  }
0x2f: {  	[tilespmem:$0x1FF90] =	vst v57;
	v48 =	vmov s29;
	s29 =	sor.u32 $0x38, s13;
	v50 =	vmov s31;
	s31 =	sor.u32 $0x3A, s13;
	v16 =	vmov s30;
	s30 =	sor.u32 $0x17, s13  }
0x30: {  	v51 =	vmov s0;
	[tilespmem:s22], [sflag:$0x3] =	stream.strided.gather @!p0 [spmem:s23], $0x40, s21, s20, $0x38;
	[tilespmem:$0x1650] =	vst v63  }
0x31: {  	[tilespmem:$0x1FFE0] =	vst v62;
	s0 =	sor.u32 $0x3B, s13;
	v53 =	vmov s28;
	s28 =	sor.u32 $0x3C, s13;
	v62 =	vmov s13;
	v22 =	vmov s30;
	s30 =	sor.u32 $0x1D, s13  }
0x32: {  	[tilespmem:$0x1FFB0] =	vst v59;
	v31 =	vmov s25;
	s25 =	sor.u32 $0x27, s13;
	v54 =	vmov s29;
	s29 =	sor.u32 $0x3D, s13;
	v28 =	vmov s30;
	s30 =	sor.u32 $0x24, s13  }
0x33: {  	[tilespmem:$0x1FFC0] =	vst v60;
	v56 =	vmov s31;
	s31 =	sor.u32 $0x3E, s13;
	v37 =	vmov s25;
	s25 =	sor.u32 $0x2D, s13;
	v34 =	vmov s30;
	s30 =	sor.u32 $0x2A, s13  }
0x34: {  	[tilespmem:$0x1FFD0] =	vst v61;
	v61 =	vmov s26;
	s26 =	simm.s32 $0x1;
	v43 =	vmov s25;
	s25 =	sor.u32 $0x33, s13;
	v40 =	vmov s30;
	s30 =	sor.u32 $0x30, s13  }
0x35: {  	[tilespmem:$0x1FFF0] =	vst v63;
	v59 =	vmov s29;
	s29 =	simm.s32 $0x4;
	v49 =	vmov s25;
	s25 =	sor.u32 $0x39, s13;
	v46 =	vmov s30;
	s30 =	sor.u32 $0x36, s13  }
0x36: {  	v63 =	vmov s17;
	v55 =	vmov s25;
	s25 =	simm.s32 $0x4E0;
	s2 =	sadd.s32 $0x1600, s6;
	[tilespmem:$0x1FF40] =	vst v52;
	v52 =	vmov s30;
	s30 =	sshll.u32 s3, $0x4  }
0x37: {  	v57 =	vmov s0;
	v60 =	vmov s31;
	[tilespmem:$0x1FFA0] =	vst v58;
	v58 =	vmov s28;
	s28 =	simm.s32 $0x2;
	s23 =	simm.s32 $0x200;
	s6 =	sadd.s32 s30, s1  }
.LBB2_1:
0x38: {  	_ =	swait.ge [sflag:s26], $0x40  }
0x39: {  	[sflag:s26] =	ssyncset.done $0x0  }
0x3a: {  	[sflag:s26] =	ssyncadd.s32 $0xFFFFFFC0  }
0x3b: {  	v0 =	vld [tilespmem:$0x400]  }
0x3c: {  	v1 =	vld [tilespmem:$0x440]  }
0x3d: {  	v2 =	vld [tilespmem:$0x0]  }
0x3e: {  	v3 =	vld [tilespmem:$0x10]  }
0x3f: {  	v12 =	vld [tilespmem:$0x20]  }
0x40: {  	v5 =	vld [tilespmem:$0x30]  }
0x41: {  	v7 =	vld [tilespmem:$0x40];
	v0 =	vmin.f32 v0, v1  }
0x42: {  	v1 =	vbroadcast v0, $0x0;
	v4 =	vbroadcast v0, $0x1  }
0x43: {  	v13 =	vbroadcast v0, $0x2;
	v14 =	vbroadcast v0, $0x3  }
0x44: {  	v9 =	vld [tilespmem:$0x1FF00];
	v11 =	vbroadcast v0, $0x4;
	v1 =	vadd.f32 v2, v1;
	v3 =	vadd.f32 v3, v4  }
0x45: {  	v10 =	vld [tilespmem:$0x50];
	v2 =	vadd.f32 v12, v13;
	v4 =	vadd.f32 v5, v14  }
0x46: {  	v12 =	vld [tilespmem:$0x1FF10];
	v5 =	vadd.f32 v7, v11;
	v14 =	vbroadcast v0, $0x5;
	vm0 =	vlt.f32 v1, $+Inf  }
0x47: {  	v13 =	vld [tilespmem:$0x60];
	vm1 =	vgt.f32 v1, $+Inf;
	vm8 =	vlt.f32 v3, v1;
	v1 =	vmin.f32 v3, v1  }
0x48: {  	v8 =	vld [tilespmem:$0x1FF20];
	vm0 =	vmor vm1, vm0;
	vm9 =	vlt.f32 v2, v1;
	v1 =	vmin.f32 v2, v1  }
0x49: {  	v11 =	vld [tilespmem:$0x1FF30];
	v6 =	vnsel vm0, $0x0, v62;
	vm10 =	vlt.f32 v4, v1;
	v1 =	vmin.f32 v4, v1  }
0x4a: {  	v3 =	vsel vm8, v9, v6;
	v9 =	vld [tilespmem:$0x70];
	v6 =	vadd.f32 v10, v14;
	v10 =	vbroadcast v0, $0x6  }
0x4b: {  	vm11 =	vlt.f32 v5, v1;
	v1 =	vmin.f32 v5, v1;
	v5 =	vld [tilespmem:$0x80]  }
0x4c: {  	v2 =	vsel vm9, v12, v3;
	v3 =	vadd.f32 v13, v10;
	v13 =	vld [tilespmem:$0x1FF40]  }
0x4d: {  	vm12 =	vlt.f32 v6, v1;
	v1 =	vmin.f32 v6, v1;
	v6 =	vld [tilespmem:$0x90]  }
0x4e: {  	v2 =	vsel vm10, v8, v2;
	v8 =	vld [tilespmem:$0x410]  }
0x4f: {  	v14 =	vbroadcast v0, $0x8;
	v2 =	vsel vm11, v11, v2;
	v11 =	vld [tilespmem:$0x1FF50]  }
0x50: {  	v12 =	vbroadcast v0, $0x7;
	vm13 =	vlt.f32 v3, v1;
	v1 =	vmin.f32 v3, v1;
	v3 =	vld [tilespmem:$0xA0]  }
0x51: {  	v5 =	vadd.f32 v5, v14;
	v14 =	vld [tilespmem:$0xB0]  }
0x52: {  	v4 =	vadd.f32 v9, v12;
	v9 =	vld [tilespmem:$0x450]  }
0x53: {  	v10 =	vbroadcast v0, $0xA;
	v12 =	vbroadcast v0, $0x9;
	v2 =	vsel vm12, v13, v2;
	v13 =	vld [tilespmem:$0x1FF60]  }
0x54: {  	vm14 =	vlt.f32 v4, v1;
	v1 =	vmin.f32 v4, v1;
	v2 =	vsel vm13, v11, v2;
	v11 =	vld [tilespmem:$0x1FF70]  }
0x55: {  	v6 =	vadd.f32 v6, v12;
	vm15 =	vlt.f32 v5, v1;
	v1 =	vmin.f32 v5, v1;
	v5 =	vld [tilespmem:$0xC0]  }
0x56: {  	v12 =	vbroadcast v0, $0xB;
	v3 =	vadd.f32 v3, v10;
	v10 =	vld [tilespmem:$0xD0]  }
0x57: {  	vm4 =	vlt.f32 v6, v1;
	v1 =	vmin.f32 v6, v1;
	v6 =	vld [tilespmem:$0xE0]  }
0x58: {  	v7 =	vbroadcast v0, $0xD;
	v4 =	vadd.f32 v14, v12;
	v2 =	vsel vm14, v13, v2;
	v13 =	vld [tilespmem:$0x1FF80]  }
0x59: {  	v14 =	vbroadcast v0, $0xC;
	v12 =	vld [tilespmem:$0x1FF90];
	vm5 =	vlt.f32 v3, v1;
	v1 =	vmin.f32 v3, v1  }
0x5a: {  	v8 =	vmin.f32 v8, v9;
	vm6 =	vlt.f32 v4, v1;
	v2 =	vsel vm15, v11, v2;
	v11 =	vld [tilespmem:$0xF0]  }
0x5b: {  	v3 =	vld [tilespmem:$0x100];
	v1 =	vmin.f32 v4, v1;
	v4 =	vbroadcast v0, $0xE;
	v5 =	vadd.f32 v5, v14  }
0x5c: {  	v9 =	vld [tilespmem:$0x110];
	v0 =	vbroadcast v0, $0xF;
	v14 =	vbroadcast v8, $0x0;
	v7 =	vadd.f32 v10, v7  }
0x5d: {  	v15 =	vld [tilespmem:$0x1FFC0];
	v4 =	vadd.f32 v6, v4;
	v2 =	vsel vm4, v13, v2;
	vm4 =	vlt.f32 v5, v1  }
0x5e: {  	v10 =	vld [tilespmem:$0x130];
	v1 =	vmin.f32 v5, v1;
	v5 =	vbroadcast v8, $0x1;
	v2 =	vsel vm5, v12, v2  }
0x5f: {  	v12 =	vld [tilespmem:$0x120];
	vm2 =	vlt.f32 v7, v1;
	v1 =	vmin.f32 v7, v1;
	v0 =	vadd.f32 v11, v0  }
0x60: {  	v3 =	vadd.f32 v3, v14;
	v13 =	vld [tilespmem:$0x1FFA0];
	v11 =	vmin.f32 v4, v1;
	vm7 =	vlt.f32 v4, v1  }
0x61: {  	v6 =	vld [tilespmem:$0x140];
	v1 =	vmin.f32 v0, v11;
	vm1 =	vlt.f32 v0, v11;
	v0 =	vadd.f32 v9, v5  }
0x62: {  	v14 =	vld [tilespmem:$0x170];
	v4 =	vbroadcast v8, $0x2;
	vm3 =	vlt.f32 v3, v1;
	v1 =	vmin.f32 v3, v1  }
0x63: {  	v7 =	vld [tilespmem:$0x150];
	vm14 =	vlt.f32 v0, v1;
	v0 =	vmin.f32 v0, v1  }
0x64: {  	v1 =	vbroadcast v8, $0x4;
	v3 =	vadd.f32 v12, v4;
	v4 =	vbroadcast v8, $0x3;
	v12 =	vld [tilespmem:$0x1FFB0]  }
0x65: {  	v2 =	vsel vm6, v13, v2;
	v13 =	vld [tilespmem:$0x160]  }
0x66: {  	v5 =	vld [tilespmem:$0x180];
	v1 =	vadd.f32 v6, v1;
	v4 =	vadd.f32 v10, v4  }
0x67: {  	v9 =	vld [tilespmem:$0x190];
	vm13 =	vlt.f32 v3, v0;
	v0 =	vmin.f32 v3, v0;
	v3 =	vbroadcast v8, $0x5  }
0x68: {  	v11 =	vld [tilespmem:$0x1A0];
	vm12 =	vlt.f32 v4, v0;
	v0 =	vmin.f32 v4, v0;
	v4 =	vbroadcast v8, $0x6  }
0x69: {  	v6 =	vld [tilespmem:$0x1C0];
	v3 =	vadd.f32 v7, v3;
	v2 =	vsel vm4, v12, v2;
	vm11 =	vlt.f32 v1, v0  }
0x6a: {  	v10 =	vld [tilespmem:$0x1B0];
	v0 =	vmin.f32 v1, v0;
	v1 =	vadd.f32 v13, v4;
	v4 =	vbroadcast v8, $0x7  }
0x6b: {  	v7 =	vld [tilespmem:$0x1E0];
	vm10 =	vlt.f32 v3, v0;
	v0 =	vmin.f32 v3, v0;
	v3 =	vbroadcast v8, $0x8  }
0x6c: {  	v12 =	vld [tilespmem:$0x1D0];
	v2 =	vsel vm2, v15, v2;
	vm9 =	vlt.f32 v1, v0;
	v4 =	vadd.f32 v14, v4  }
0x6d: {  	v13 =	vld [tilespmem:$0x1F0];
	_ =	swait.ge [sflag:s28], $0x40;
	v0 =	vmin.f32 v1, v0;
	v1 =	vadd.f32 v5, v3;
	v3 =	vbroadcast v8, $0x9  }
0x6e: {  	v15 =	vld [tilespmem:$0x1FFD0];
	vm8 =	vlt.f32 v4, v0;
	v0 =	vmin.f32 v4, v0;
	v4 =	vbroadcast v8, $0xA  }
0x6f: {  	[sflag:s28] =	ssyncset.done $0x0;
	v14 =	vimm.s32 $0x0;
	v3 =	vadd.f32 v9, v3;
	v9 =	vbroadcast v8, $0xB  }
0x70: {  	[sflag:s28] =	ssyncadd.s32 $0xFFFFFFC0;
	vm6 =	vlt.f32 v1, v0;
	v0 =	vmin.f32 v1, v0;
	v1 =	vadd.f32 v11, v4;
	v11 =	vld [tilespmem:$0x1FFE0]  }
0x71: {  	v5 =	vld [tilespmem:$0x420];
	v14 =	vsel vm6, $0xFFFFFFFF, v14  }
0x72: {  	vm2 =	vlt.f32 v3, v0;
	v0 =	vmin.f32 v3, v0;
	v3 =	vadd.f32 v10, v9;
	v9 =	vld [tilespmem:$0x1FFF0]  }
0x73: {  	v2 =	vsel vm7, v15, v2;
	[tilespmem:$0x1FEE0] =	vst v14;
	v14 =	vld [tilespmem:$0x460]  }
0x74: {  	vm7 =	vlt.f32 v1, v0;
	v0 =	vmin.f32 v1, v0;
	v1 =	vbroadcast v8, $0xC  }
0x75: {  	v2 =	vsel vm1, v11, v2;
	v11 =	vimm.s32 $0x0  }
0x76: {  	v1 =	vadd.f32 v6, v1;
	v4 =	vsel vm7, $0xFFFFFFFF, v11  }
0x77: {  	v6 =	vbroadcast v8, $0xE;
	v2 =	vsel vm3, v9, v2;
	v9 =	vbroadcast v8, $0xD;
	[tilespmem:$0x1FEF0] =	vst v4;
	v4 =	vld [tilespmem:$0x200]  }
0x78: {  	vm3 =	vlt.f32 v3, v0;
	v5 =	vmin.f32 v5, v14  }
0x79: {  	v0 =	vmin.f32 v3, v0;
	v6 =	vadd.f32 v7, v6;
	v3 =	vadd.f32 v12, v9  }
0x7a: {  	v10 =	vbroadcast v5, $0x0;
	v14 =	vmin.f32 v1, v0;
	v12 =	vbroadcast v8, $0xF;
	v8 =	vld [tilespmem:$0x210]  }
0x7b: {  	vm4 =	vlt.f32 v1, v0;
	v1 =	vld [tilespmem:$0x470];
	v11 =	vbroadcast v5, $0x1;
	v0 =	vmin.f32 v3, v14  }
0x7c: {  	vm5 =	vlt.f32 v3, v14;
	v7 =	vadd.f32 v13, v12;
	v4 =	vadd.f32 v4, v10;
	v10 =	vld [tilespmem:$0x220]  }
0x7d: {  	v12 =	vld [tilespmem:$0x230];
	v13 =	vbroadcast v5, $0x2;
	v3 =	vmin.f32 v6, v0;
	vm7 =	vlt.f32 v6, v0  }
0x7e: {  	v9 =	vld [tilespmem:$0x430];
	v0 =	vmin.f32 v7, v3;
	vm15 =	vlt.f32 v4, $+Inf;
	vm6 =	vgt.f32 v4, $+Inf  }
0x7f: {  	vm0 =	vmor vm6, vm15;
	vm6 =	vlt.f32 v7, v3;
	v3 =	vadd.f32 v8, v11;
	v7 =	vld [tilespmem:$0x240]  }
0x80: {  	v2 =	vsel vm14, v16, v2;
	v14 =	vbroadcast v5, $0x3;
	v8 =	vnsel vm0, $0x0, v63  }
0x81: {  	v11 =	vld [tilespmem:$0x250];
	vm15 =	vlt.f32 v3, v4;
	v3 =	vmin.f32 v3, v4;
	v13 =	vadd.f32 v10, v13  }
0x82: {  	v6 =	vsel vm15, v31, v8;
	v8 =	vadd.f32 v12, v14;
	v14 =	vbroadcast v5, $0x4;
	v12 =	vld [tilespmem:$0x260]  }
0x83: {  	v1 =	vmin.f32 v9, v1;
	vm15 =	vlt.f32 v13, v3;
	v3 =	vmin.f32 v13, v3  }
0x84: {  	v9 =	vld [tilespmem:$0x270];
	v13 =	vbroadcast v5, $0x5;
	v6 =	vsel vm15, v32, v6;
	v7 =	vadd.f32 v7, v14  }
0x85: {  	vm15 =	vlt.f32 v8, v3;
	v3 =	vmin.f32 v8, v3;
	v14 =	vbroadcast v5, $0x6  }
0x86: {  	v2 =	vsel vm13, v17, v2;
	v4 =	vadd.f32 v11, v13;
	v11 =	vld [tilespmem:$0x280];
	vm0 =	vlt.f32 v7, v3  }
0x87: {  	v13 =	vld [tilespmem:$0x290];
	v3 =	vmin.f32 v7, v3;
	v7 =	vadd.f32 v12, v14;
	v12 =	vbroadcast v5, $0x7  }
0x88: {  	v6 =	vsel vm15, v33, v6;
	vm14 =	vlt.f32 v4, v3;
	v3 =	vmin.f32 v4, v3  }
0x89: {  	v14 =	vbroadcast v5, $0x8;
	v6 =	vsel vm0, v34, v6;
	v8 =	vadd.f32 v9, v12;
	v9 =	vld [tilespmem:$0x2A0]  }
0x8a: {  	vm0 =	vlt.f32 v7, v3;
	v3 =	vmin.f32 v7, v3;
	v12 =	vbroadcast v5, $0x9  }
0x8b: {  	v6 =	vsel vm14, v35, v6;
	v4 =	vadd.f32 v11, v14;
	v11 =	vld [tilespmem:$0x2B0];
	vm13 =	vlt.f32 v8, v3  }
0x8c: {  	v14 =	vld [tilespmem:$0x2C0];
	v3 =	vmin.f32 v8, v3;
	v7 =	vadd.f32 v13, v12;
	v13 =	vbroadcast v5, $0xA  }
0x8d: {  	v6 =	vsel vm0, v36, v6;
	v12 =	vbroadcast v5, $0xB;
	vm14 =	vlt.f32 v4, v3  }
0x8e: {  	v3 =	vmin.f32 v4, v3;
	v6 =	vsel vm13, v37, v6;
	v8 =	vadd.f32 v9, v13;
	v9 =	vld [tilespmem:$0x2D0]  }
0x8f: {  	vm0 =	vlt.f32 v7, v3;
	v6 =	vsel vm14, v38, v6;
	v13 =	vbroadcast v5, $0xC  }
0x90: {  	v2 =	vsel vm12, v18, v2;
	v3 =	vmin.f32 v7, v3;
	v6 =	vsel vm0, v39, v6  }
0x91: {  	v4 =	vadd.f32 v11, v12;
	v11 =	vld [tilespmem:$0x2E0];
	v7 =	vadd.f32 v14, v13;
	v14 =	vbroadcast v5, $0xD  }
0x92: {  	v12 =	vbroadcast v5, $0xE;
	vm12 =	vlt.f32 v8, v3;
	v3 =	vmin.f32 v8, v3;
	v13 =	vld [tilespmem:$0x2F0]  }
0x93: {  	vm15 =	vlt.f32 v4, v3;
	v3 =	vmin.f32 v4, v3;
	v8 =	vadd.f32 v9, v14;
	v9 =	vld [tilespmem:$0x300]  }
0x94: {  	v5 =	vbroadcast v5, $0xF;
	v6 =	vsel vm12, v40, v6;
	vm1 =	vlt.f32 v7, v3  }
0x95: {  	v3 =	vmin.f32 v7, v3;
	v7 =	vld [tilespmem:$0x310];
	v6 =	vsel vm15, v41, v6;
	v14 =	vbroadcast v1, $0x0  }
0x96: {  	v6 =	vsel vm1, v42, v6;
	v4 =	vadd.f32 v11, v12;
	vm0 =	vlt.f32 v8, v3  }
0x97: {  	v10 =	vld [tilespmem:$0x320];
	v3 =	vmin.f32 v8, v3;
	v12 =	vadd.f32 v13, v5;
	v13 =	vbroadcast v1, $0x1  }
0x98: {  	vm13 =	vlt.f32 v4, v3;
	v3 =	vmin.f32 v4, v3;
	v8 =	vadd.f32 v9, v14;
	v9 =	vld [tilespmem:$0x330]  }
0x99: {  	v2 =	vsel vm11, v19, v2;
	v6 =	vsel vm0, v43, v6;
	vm15 =	vlt.f32 v12, v3  }
0x9a: {  	v5 =	vld [tilespmem:$0x340];
	v3 =	vmin.f32 v12, v3;
	v12 =	vbroadcast v1, $0x2;
	v14 =	vadd.f32 v7, v13  }
0x9b: {  	v13 =	vbroadcast v1, $0x3;
	vm14 =	vlt.f32 v8, v3;
	v3 =	vmin.f32 v8, v3  }
0x9c: {  	vm11 =	vlt.f32 v14, v3;
	v3 =	vmin.f32 v14, v3;
	v14 =	vadd.f32 v10, v12;
	v10 =	vld [tilespmem:$0x350]  }
0x9d: {  	v6 =	vsel vm13, v44, v6;
	v12 =	vbroadcast v1, $0x4;
	v8 =	vadd.f32 v9, v13;
	v9 =	vld [tilespmem:$0x360]  }
0x9e: {  	v2 =	vsel vm10, v20, v2;
	v6 =	vsel vm15, v45, v6;
	vm12 =	vlt.f32 v14, v3  }
0x9f: {  	v3 =	vmin.f32 v14, v3;
	v13 =	vadd.f32 v5, v12;
	v5 =	vld [tilespmem:$0x370];
	v14 =	vbroadcast v1, $0x5  }
0xa0: {  	v12 =	vbroadcast v1, $0x6;
	vm10 =	vlt.f32 v8, v3;
	v3 =	vmin.f32 v8, v3  }
0xa1: {  	vm13 =	vlt.f32 v13, v3;
	v3 =	vmin.f32 v13, v3;
	v13 =	vadd.f32 v10, v14;
	v10 =	vld [tilespmem:$0x380]  }
0xa2: {  	v6 =	vsel vm14, v46, v6;
	v14 =	vbroadcast v1, $0x7;
	v8 =	vadd.f32 v9, v12;
	v9 =	vld [tilespmem:$0x390]  }
0xa3: {  	v2 =	vsel vm9, v21, v2;
	v6 =	vsel vm11, v47, v6;
	vm15 =	vlt.f32 v13, v3  }
0xa4: {  	v3 =	vmin.f32 v13, v3;
	v12 =	vadd.f32 v5, v14;
	v5 =	vld [tilespmem:$0x3A0];
	v13 =	vbroadcast v1, $0x8  }
0xa5: {  	v14 =	vbroadcast v1, $0x9;
	vm0 =	vlt.f32 v8, v3;
	v3 =	vmin.f32 v8, v3  }
0xa6: {  	v6 =	vsel vm12, v48, v6;
	vm9 =	vlt.f32 v12, v3;
	v3 =	vmin.f32 v12, v3  }
0xa7: {  	v12 =	vadd.f32 v10, v13;
	v13 =	vbroadcast v1, $0xA;
	v8 =	vadd.f32 v9, v14;
	v9 =	vld [tilespmem:$0x3C0]  }
0xa8: {  	v2 =	vsel vm8, v22, v2;
	v11 =	vsel vm10, v49, v6;
	v10 =	vld [tilespmem:$0x3B0]  }
0xa9: {  	vm1 =	vlt.f32 v12, v3;
	v3 =	vmin.f32 v12, v3;
	v14 =	vadd.f32 v5, v13  }
0xaa: {  	v12 =	vbroadcast v1, $0xB;
	v13 =	vbroadcast v1, $0xC;
	v5 =	vsel vm13, v50, v11  }
0xab: {  	v7 =	vld [tilespmem:$0x3D0];
	v5 =	vsel vm15, v51, v5;
	vm8 =	vlt.f32 v8, v3;
	v3 =	vmin.f32 v8, v3  }
0xac: {  	v5 =	vsel vm0, v52, v5;
	vm11 =	vlt.f32 v14, v3;
	v6 =	vadd.f32 v9, v13;
	v9 =	vld [tilespmem:$0x1FEE0]  }
0xad: {  	v11 =	vld [tilespmem:$0x1FEF0];
	v3 =	vmin.f32 v14, v3;
	v14 =	vadd.f32 v10, v12;
	v5 =	vsel vm9, v53, v5  }
0xae: {  	v12 =	vbroadcast v1, $0xD;
	v10 =	vbroadcast v1, $0xE;
	v5 =	vsel vm1, v54, v5;
	v13 =	vld [tilespmem:$0x3E0]  }
0xaf: {  	v1 =	vbroadcast v1, $0xF;
	vm10 =	vlt.f32 v14, v3;
	v5 =	vsel vm8, v55, v5  }
0xb0: {  	v3 =	vmin.f32 v14, v3;
	v7 =	vadd.f32 v7, v12;
	v14 =	vld [tilespmem:$0x3F0];
	v5 =	vsel vm11, v56, v5  }
0xb1: {  	vm0 =	vlt.f32 v6, v3;
	v3 =	vmin.f32 v6, v3;
	vm12 =	vnez.u8 v9  }
0xb2: {  	v5 =	vsel vm10, v57, v5;
	vm15 =	vlt.f32 v7, v3;
	v2 =	vsel vm12, v23, v2  }
0xb3: {  	v4 =	vadd.f32 v13, v10;
	vm12 =	vnez.u8 v11;
	v2 =	vsel vm2, v24, v2  }
0xb4: {  	v3 =	vmin.f32 v7, v3;
	v12 =	vsel vm0, v58, v5;
	v2 =	vsel vm12, v25, v2  }
0xb5: {  	v1 =	vadd.f32 v14, v1;
	vm13 =	vlt.f32 v4, v3;
	v2 =	vsel vm3, v26, v2  }
0xb6: {  	v3 =	vmin.f32 v4, v3;
	v4 =	vsel vm15, v59, v12;
	v2 =	vsel vm4, v27, v2  }
0xb7: {  	vm14 =	vlt.f32 v1, v3;
	v13 =	vsel vm13, v60, v4;
	v2 =	vsel vm5, v28, v2  }
0xb8: {  	s30 =	sand.u32 $0x200, s23;
	v1 =	vmin.f32 v1, v3;
	v3 =	vsel vm14, v61, v13;
	v2 =	vsel vm7, v29, v2  }
0xb9: {  	s31 =	sadd.s32 s30, s7;
	vm15 =	vlt.f32 v1, v0;
	v0 =	vmin.f32 v1, v0;
	v2 =	vsel vm6, v30, v2  }
0xba: {  	s30 =	sadd.s32 s11, s31;
	[tilespmem:$0x4C0] =	vst v0;
	v14 =	vsel vm15, v3, v2  }
0xbb: {  	s30 =	sadd.s32 s8, s30;
	[tilespmem:$0x4D0] =	vst v14  }
0xbc: {  	[spmem:s30] =	stream.strided.scatter [tilespmem:s12], [sflag:$0x4], $0x20, s10, s9, $0x38;
	[tilespmem:$0x1650] =	vst v63  }
0xbd: {  	s30 =	simm.s32 @!p0 $0x3  }
0xbe: {  	_ =	swait.ge @!p0 [sflag:s30], $0x40  }
0xbf: {  	[sflag:s30] =	ssyncset.done @!p0 $0x0  }
0xc0: {  	[sflag:s30] =	ssyncadd.s32 @!p0 $0xFFFFFFC0  }
0xc1: {  	v0 =	vld @!p0 [tilespmem:$0x480]  }
0xc2: {  	v1 =	vld @!p0 [tilespmem:$0x4A0]  }
0xc3: {  	v2 =	vld @!p0 [tilespmem:$0x490]  }
0xc4: {  	v3 =	vld @!p0 [tilespmem:$0x4B0];
	_ =	sdelay $0x3  }
0xc5: {  	vm0 =	vlt.f32 @!p0 v1, v0;
	v0 =	vmin.f32 @!p0 v1, v0  }
0xc6: {  	v1 =	vsel @!p0 vm0, v3, v2;
	[tilespmem:s25+$0x0] =	vst @!p0 v0  }
0xc7: {  	[tilespmem:s24+$0x0] =	vst @!p0 v1  }
0xc8: {  	_ =	swait.ge [sflag:s29], $0x20  }
0xc9: {  	[sflag:s29] =	ssyncset.done $0x0  }
0xca: {  	[sflag:s29] =	ssyncadd.s32 $0xFFFFFFE0  }
0xcb: {  	s0 =	sadd.s32 s13, s31;
	[bflag:$0x0] =	sbarrier.arrive $0xFFFF  }
0xcc: {  	[tilespmem:s14], [sflag:$0x1] =	stream.linear.gather [spmem:s0], $0x20, $0x38;
	[tilespmem:$0x1650] =	vst v63  }
0xcd: {  	s23 =	sadd.s32 $0x200, s23;
	s0 =	sadd.s32 $0x100, s0  }
0xce: {  	[tilespmem:s15], [sflag:$0x1] =	stream.linear.gather [spmem:s0], $0x20, $0x38;
	[tilespmem:$0x1650] =	vst v63  }
0xcf: {  	p1 =	sne.s32 s23, $0x10000;
	s0 =	sadd.s32 s17, s31  }
0xd0: {  	[tilespmem:s18], [sflag:$0x2] =	stream.linear.gather [spmem:s0], $0x20, $0x38;
	[tilespmem:$0x1650] =	vst v63  }
.Ltmp0:
0xd1: {  	_ = 	snop;
	(pc) =	sbr.rel @p1 .LBB2_1-.Ltmp0, $4  }
0xd2: {  	s0 =	sadd.s32 $0x100, s0  }
0xd3: {  	[tilespmem:s19], [sflag:$0x2] =	stream.linear.gather [spmem:s0], $0x20, $0x38;
	[tilespmem:$0x1650] =	vst v63  }
0xd4: {  	s25 =	sadd.s32 $0x10, s25;
	s24 =	sadd.s32 $0x10, s24;
	s0 =	sadd.s32 @!p0 s8, s31  }
0xd5: {  	[tilespmem:s22], [sflag:$0x3] =	stream.strided.gather @!p0 [spmem:s0], $0x40, s21, s20, $0x38;
	[tilespmem:$0x1650] =	vst v63  }
0xd6: {  	s0 =	simm.s32 $0x1  }
0xd7: {  	_ =	swait.ge [sflag:s0], $0x40  }
0xd8: {  	[sflag:s0] =	ssyncset.done $0x0  }
0xd9: {  	s29 =	simm.s32 $0x2;
	[sflag:s0] =	ssyncadd.s32 $0xFFFFFFC0  }
0xda: {  	_ =	swait.ge [sflag:s29], $0x40  }
0xdb: {  	[sflag:s29] =	ssyncset.done $0x0  }
0xdc: {  	[sflag:s29] =	ssyncadd.s32 $0xFFFFFFC0  }
0xdd: {  	v0 =	vld [tilespmem:$0x400]  }
0xde: {  	v5 =	vld [tilespmem:$0x440]  }
0xdf: {  	v6 =	vld [tilespmem:$0x410]  }
0xe0: {  	v7 =	vld [tilespmem:$0x450]  }
0xe1: {  	v3 =	vld [tilespmem:$0x420]  }
0xe2: {  	v4 =	vld [tilespmem:$0x460]  }
0xe3: {  	s7 =	simm.s32 @p0 $0x80;
	s8 =	simm.s32 @p0 $0x480;
	s0 =	simm.s32 @p0 $0x10;
	v1 =	vld [tilespmem:$0x430]  }
0xe4: {  	v2 =	vld [tilespmem:$0x470];
	[tilespmem:s8], [sflag:$0x5] =	stream.strided.gather @p0 [spmem:s16], $0x40, s7, s0, $0x38  }
0xe5: {  	s0 =	simm.s32 @p0 $0x5  }
0xe6: {  	_ =	swait.ge @p0 [sflag:s0], $0x40  }
0xe7: {  	[sflag:s0] =	ssyncset.done @p0 $0x0  }
0xe8: {  	[sflag:s0] =	ssyncadd.s32 @p0 $0xFFFFFFC0  }
0xe9: {  	_ =	swait.ge @!p0 [sflag:s30], $0x40  }
0xea: {  	[sflag:s30] =	ssyncset.done @!p0 $0x0  }
0xeb: {  	[sflag:s30] =	ssyncadd.s32 @!p0 $0xFFFFFFC0  }
0xec: {  	v8 =	vld [tilespmem:$0x480]  }
0xed: {  	v9 =	vld [tilespmem:$0x4A0]  }
0xee: {  	v10 =	vld [tilespmem:$0x0]  }
0xef: {  	v11 =	vld [tilespmem:$0x10]  }
0xf0: {  	v12 =	vld [tilespmem:$0x20]  }
0xf1: {  	v5 =	vmin.f32 v0, v5;
	v14 =	vld [tilespmem:$0x30]  }
0xf2: {  	v0 =	vbroadcast v5, $0x0;
	v13 =	vbroadcast v5, $0x1;
	v45 =	vld [tilespmem:$0x40]  }
0xf3: {  	v44 =	vbroadcast v5, $0x2;
	v47 =	vbroadcast v5, $0x3;
	v48 =	vld [tilespmem:$0x50]  }
0xf4: {  	v50 =	vbroadcast v5, $0x4;
	v53 =	vbroadcast v5, $0x5;
	v51 =	vld [tilespmem:$0x60]  }
0xf5: {  	v56 =	vbroadcast v5, $0x6;
	v59 =	vbroadcast v5, $0x7;
	v54 =	vld [tilespmem:$0x70]  }
0xf6: {  	v6 =	vmin.f32 v6, v7;
	v63 =	vbroadcast v5, $0x8;
	v19 =	vbroadcast v5, $0x9;
	v57 =	vld [tilespmem:$0x80]  }
0xf7: {  	v3 =	vmin.f32 v3, v4;
	v21 =	vbroadcast v5, $0xA;
	v24 =	vbroadcast v5, $0xB;
	v60 =	vld [tilespmem:$0x90]  }
0xf8: {  	v1 =	vmin.f32 v1, v2;
	v25 =	vbroadcast v5, $0xC;
	v26 =	vbroadcast v5, $0xD;
	v61 =	vld [tilespmem:$0xA0]  }
0xf9: {  	v32 =	vbroadcast v5, $0xE;
	v5 =	vbroadcast v5, $0xF;
	v18 =	vld [tilespmem:$0xB0];
	v10 =	vadd.f32 v10, v0  }
0xfa: {  	v35 =	vbroadcast v6, $0x0;
	v15 =	vld [tilespmem:$0xC0];
	v43 =	vadd.f32 v11, v13;
	v46 =	vadd.f32 v12, v44  }
0xfb: {  	v38 =	vbroadcast v6, $0x1;
	v22 =	vld [tilespmem:$0xD0];
	v49 =	vadd.f32 v14, v47;
	v52 =	vadd.f32 v45, v50  }
0xfc: {  	v41 =	vbroadcast v6, $0x2;
	v27 =	vld [tilespmem:$0xE0];
	v55 =	vadd.f32 v48, v53;
	v58 =	vadd.f32 v51, v56  }
0xfd: {  	v16 =	vbroadcast v6, $0xB;
	v31 =	vld [tilespmem:$0xF0];
	v62 =	vadd.f32 v54, v59;
	v20 =	vadd.f32 v57, v63  }
0xfe: {  	v33 =	vld [tilespmem:$0x100];
	v0 =	vmin.f32 v8, v9;
	v12 =	vadd.f32 v60, v19;
	v23 =	vadd.f32 v61, v21  }
0xff: {  	v34 =	vld [tilespmem:$0x110];
	v28 =	vadd.f32 v18, v24;
	v29 =	vadd.f32 v15, v25;
	v44 =	vbroadcast v6, $0x3  }
0x100: {  	v30 =	vadd.f32 v22, v26;
	v47 =	vbroadcast v6, $0x4;
	v50 =	vbroadcast v6, $0x5  }
0x101: {  	v8 =	vadd.f32 v27, v32;
	v53 =	vbroadcast v6, $0x6;
	v56 =	vbroadcast v6, $0x7  }
0x102: {  	v5 =	vadd.f32 v31, v5;
	v59 =	vbroadcast v6, $0x8;
	v13 =	vbroadcast v6, $0xA  }
0x103: {  	v36 =	vld [tilespmem:$0x120];
	v37 =	vadd.f32 v33, v35;
	v19 =	vbroadcast v6, $0xC;
	v22 =	vbroadcast v6, $0xD  }
0x104: {  	v39 =	vld [tilespmem:$0x130];
	v40 =	vadd.f32 v34, v38;
	v25 =	vbroadcast v6, $0xE;
	v33 =	vbroadcast v3, $0x1  }
0x105: {  	v42 =	vld [tilespmem:$0x140];
	v35 =	vbroadcast v3, $0x2;
	v38 =	vbroadcast v3, $0x3;
	vm0 =	vlt.f32 v10, v0  }
0x106: {  	v17 =	vld [tilespmem:$0x1D0];
	vm1 =	vlt.f32 v43, v0;
	vm15 =	vlt.f32 v46, v0;
	vm4 =	vlt.f32 v49, v0  }
0x107: {  	v45 =	vld [tilespmem:$0x150];
	vm5 =	vlt.f32 v52, v0;
	vm6 =	vlt.f32 v55, v0;
	vm7 =	vlt.f32 v58, v0  }
0x108: {  	v48 =	vld [tilespmem:$0x160];
	vm8 =	vlt.f32 v62, v0;
	vm9 =	vlt.f32 v20, v0;
	vm2 =	vlt.f32 v12, v0  }
0x109: {  	v51 =	vld [tilespmem:$0x170];
	vm10 =	vlt.f32 v23, v0;
	vm11 =	vlt.f32 v28, v0;
	vm12 =	vlt.f32 v29, v0  }
0x10a: {  	v54 =	vld [tilespmem:$0x180];
	vm13 =	vlt.f32 v30, v0;
	vm14 =	vlt.f32 v8, v0;
	v43 =	vadd.f32 v36, v41  }
0x10b: {  	v57 =	vld [tilespmem:$0x190];
	v46 =	vadd.f32 v39, v44;
	v49 =	vadd.f32 v42, v47;
	v62 =	vbroadcast v6, $0x9  }
0x10c: {  	v60 =	vld [tilespmem:$0x1A0];
	v24 =	vadd.f32 v17, v22;
	v6 =	vbroadcast v6, $0xF;
	vm0 =	vmor vm0, vm1  }
0x10d: {  	v63 =	vld [tilespmem:$0x1B0];
	v30 =	vbroadcast v3, $0x0;
	v41 =	vbroadcast v3, $0x4;
	vm0 =	vmor vm0, vm15  }
0x10e: {  	v14 =	vld [tilespmem:$0x1C0];
	v44 =	vbroadcast v3, $0x5;
	v47 =	vbroadcast v3, $0x6;
	vm0 =	vmor vm0, vm4  }
0x10f: {  	v26 =	vld [tilespmem:$0x200];
	v22 =	vbroadcast v1, $0x0;
	vm15 =	vlt.f32 v5, v0;
	vm0 =	vmor vm0, vm5  }
0x110: {  	v31 =	vld [tilespmem:$0x220];
	vm4 =	vlt.f32 v37, v0;
	v52 =	vadd.f32 v45, v50;
	vm0 =	vmor vm0, vm6  }
0x111: {  	v55 =	vadd.f32 v48, v53;
	v58 =	vadd.f32 v51, v56;
	vm0 =	vmor vm0, vm7  }
0x112: {  	v34 =	vld [tilespmem:$0x230];
	v61 =	vadd.f32 v54, v59;
	v12 =	vadd.f32 v57, v62;
	vm0 =	vmor vm0, vm8  }
0x113: {  	v20 =	vld [tilespmem:$0x1E0];
	v15 =	vadd.f32 v60, v13;
	v18 =	vadd.f32 v63, v16;
	vm0 =	vmor vm0, vm9  }
0x114: {  	v23 =	vld [tilespmem:$0x1F0];
	v21 =	vadd.f32 v14, v19;
	v32 =	vadd.f32 v26, v30;
	vm0 =	vmor vm0, vm2  }
0x115: {  	v28 =	vld [tilespmem:$0x210];
	v37 =	vadd.f32 v31, v35;
	v50 =	vbroadcast v3, $0x7;
	vm0 =	vmor vm0, vm10  }
0x116: {  	v36 =	vld [tilespmem:$0x240];
	v53 =	vbroadcast v3, $0x8;
	v56 =	vbroadcast v3, $0x9;
	vm0 =	vmor vm0, vm11  }
0x117: {  	v59 =	vbroadcast v3, $0xA;
	v62 =	vbroadcast v3, $0xB;
	vm0 =	vmor vm0, vm12  }
0x118: {  	v30 =	vbroadcast v1, $0x3;
	vm5 =	vlt.f32 v40, v0;
	vm0 =	vmor vm0, vm13  }
0x119: {  	v39 =	vld [tilespmem:$0x250];
	v40 =	vadd.f32 v34, v38;
	vm6 =	vlt.f32 v43, v0;
	vm0 =	vmor vm0, vm14  }
0x11a: {  	v27 =	vadd.f32 v20, v25;
	v29 =	vadd.f32 v23, v6;
	vm0 =	vmor vm0, vm15  }
0x11b: {  	v42 =	vld [tilespmem:$0x260];
	v4 =	vadd.f32 v28, v33;
	v43 =	vadd.f32 v36, v41;
	vm0 =	vmor vm0, vm4  }
0x11c: {  	v25 =	vbroadcast v1, $0x1;
	v33 =	vbroadcast v1, $0x4;
	vm0 =	vmor vm0, vm5  }
0x11d: {  	v45 =	vld [tilespmem:$0x270];
	v36 =	vbroadcast v1, $0x5;
	vm7 =	vlt.f32 v46, v0;
	vm0 =	vmor vm0, vm6  }
0x11e: {  	v57 =	vld [tilespmem:$0x2B0];
	v46 =	vadd.f32 v39, v44;
	vm8 =	vlt.f32 v49, v0;
	vm0 =	vmor vm0, vm7  }
0x11f: {  	v31 =	vld [tilespmem:$0x350];
	v39 =	vbroadcast v1, $0x6;
	vm9 =	vlt.f32 v52, v0;
	vm0 =	vmor vm0, vm8  }
0x120: {  	v49 =	vadd.f32 v42, v47;
	vm10 =	vlt.f32 v55, v0;
	vm0 =	vmor vm0, vm9  }
0x121: {  	v42 =	vbroadcast v1, $0x7;
	vm11 =	vlt.f32 v58, v0;
	vm0 =	vmor vm0, vm10  }
0x122: {  	v52 =	vadd.f32 v45, v50;
	vm12 =	vlt.f32 v61, v0;
	vm0 =	vmor vm0, vm11  }
0x123: {  	v34 =	vld [tilespmem:$0x360];
	v11 =	vadd.f32 v57, v62;
	vm13 =	vlt.f32 v12, v0;
	vm0 =	vmor vm0, vm12  }
0x124: {  	v48 =	vld [tilespmem:$0x280];
	v38 =	vadd.f32 v31, v36;
	vm14 =	vlt.f32 v15, v0;
	vm0 =	vmor vm0, vm13  }
0x125: {  	v28 =	vld [tilespmem:$0x340];
	v45 =	vbroadcast v1, $0x8;
	vm15 =	vlt.f32 v18, v0;
	vm0 =	vmor vm0, vm14  }
0x126: {  	v50 =	vbroadcast v1, $0xA;
	vm4 =	vlt.f32 v21, v0;
	vm0 =	vmor vm0, vm15  }
0x127: {  	v51 =	vld [tilespmem:$0x290];
	v57 =	vbroadcast v1, $0xC;
	vm5 =	vlt.f32 v24, v0;
	vm0 =	vmor vm0, vm4  }
0x128: {  	v54 =	vld [tilespmem:$0x2A0];
	v41 =	vadd.f32 v34, v39;
	vm6 =	vlt.f32 v27, v0;
	vm0 =	vmor vm0, vm5  }
0x129: {  	v47 =	vld [tilespmem:$0x3B0];
	v55 =	vadd.f32 v48, v53;
	vm7 =	vlt.f32 v29, v0;
	vm0 =	vmor vm0, vm6  }
0x12a: {  	v35 =	vadd.f32 v28, v33;
	vm8 =	vlt.f32 v32, v0;
	vm0 =	vmor vm0, vm7  }
0x12b: {  	v53 =	vbroadcast v1, $0xB;
	vm9 =	vlt.f32 v4, v0;
	vm0 =	vmor vm0, vm8  }
0x12c: {  	v60 =	vld [tilespmem:$0x2C0];
	v58 =	vadd.f32 v51, v56;
	vm10 =	vlt.f32 v37, v0;
	vm0 =	vmor vm0, vm9  }
0x12d: {  	v61 =	vadd.f32 v54, v59;
	vm11 =	vlt.f32 v40, v0;
	vm0 =	vmor vm0, vm10  }
0x12e: {  	v56 =	vadd.f32 v47, v53;
	vm12 =	vlt.f32 v43, v0;
	vm0 =	vmor vm0, vm11  }
0x12f: {  	v63 =	vld [tilespmem:$0x2D0];
	v12 =	vbroadcast v3, $0xC;
	vm13 =	vlt.f32 v46, v0;
	vm0 =	vmor vm0, vm12  }
0x130: {  	v13 =	vld [tilespmem:$0x2E0];
	v15 =	vbroadcast v3, $0xD;
	vm14 =	vlt.f32 v49, v0;
	vm0 =	vmor vm0, vm13  }
0x131: {  	v16 =	vld [tilespmem:$0x2F0];
	v14 =	vadd.f32 v60, v12;
	vm15 =	vlt.f32 v52, v0;
	vm0 =	vmor vm0, vm14  }
0x132: {  	v19 =	vld [tilespmem:$0x300];
	v18 =	vbroadcast v3, $0xE;
	vm4 =	vlt.f32 v55, v0;
	vm0 =	vmor vm0, vm15  }
0x133: {  	v3 =	vbroadcast v3, $0xF;
	vm5 =	vlt.f32 v58, v0;
	vm0 =	vmor vm0, vm4  }
0x134: {  	v17 =	vadd.f32 v63, v15;
	v21 =	vld [tilespmem:$0x310];
	vm6 =	vlt.f32 v61, v0;
	vm0 =	vmor vm0, vm5  }
0x135: {  	v23 =	vld [tilespmem:$0x320];
	v20 =	vadd.f32 v13, v18;
	vm7 =	vlt.f32 v11, v0;
	vm0 =	vmor vm0, vm6  }
0x136: {  	v26 =	vld [tilespmem:$0x330];
	v3 =	vadd.f32 v16, v3;
	vm8 =	vlt.f32 v14, v0;
	vm0 =	vmor vm0, vm7  }
0x137: {  	v24 =	vadd.f32 v19, v22;
	vm9 =	vlt.f32 v17, v0;
	vm0 =	vmor vm0, vm8  }
0x138: {  	v27 =	vbroadcast v1, $0x2;
	vm10 =	vlt.f32 v20, v0;
	vm0 =	vmor vm0, vm9  }
0x139: {  	v2 =	vadd.f32 v21, v25;
	vm11 =	vlt.f32 v3, v0;
	vm0 =	vmor vm0, vm10  }
0x13a: {  	v29 =	vadd.f32 v23, v27;
	v37 =	vld [tilespmem:$0x370];
	vm12 =	vlt.f32 v24, v0;
	vm0 =	vmor vm0, vm11  }
0x13b: {  	v32 =	vadd.f32 v26, v30;
	v40 =	vld [tilespmem:$0x380];
	vm13 =	vlt.f32 v2, v0;
	vm0 =	vmor vm0, vm12  }
0x13c: {  	v59 =	vbroadcast v1, $0xD;
	v43 =	vld [tilespmem:$0x390];
	vm14 =	vlt.f32 v29, v0;
	vm0 =	vmor vm0, vm13  }
0x13d: {  	v60 =	vbroadcast v1, $0xE;
	v46 =	vld [tilespmem:$0x3A0];
	vm15 =	vlt.f32 v32, v0;
	vm0 =	vmor vm0, vm14  }
0x13e: {  	v8 =	vld @!p0 [tilespmem:$0x480];
	v49 =	vbroadcast v1, $0x9;
	vm4 =	vlt.f32 v35, v0;
	vm0 =	vmor vm0, vm15  }
0x13f: {  	v51 =	vld [tilespmem:$0x3C0];
	v44 =	vadd.f32 v37, v42;
	vm5 =	vlt.f32 v38, v0;
	vm0 =	vmor vm0, vm4  }
0x140: {  	v54 =	vld [tilespmem:$0x3D0];
	v48 =	vadd.f32 v40, v45;
	vm6 =	vlt.f32 v41, v0;
	vm0 =	vmor vm0, vm5  }
0x141: {  	v55 =	vld [tilespmem:$0x3E0];
	v52 =	vadd.f32 v43, v49;
	vm7 =	vlt.f32 v44, v0;
	vm0 =	vmor vm0, vm6  }
0x142: {  	v58 =	vld [tilespmem:$0x3F0];
	v4 =	vadd.f32 v46, v50;
	vm8 =	vlt.f32 v48, v0;
	vm0 =	vmor vm0, vm7  }
0x143: {  	v10 =	vld @!p0 [tilespmem:$0x4A0];
	v1 =	vbroadcast v1, $0xF;
	vm9 =	vlt.f32 v52, v0;
	vm0 =	vmor vm0, vm8  }
0x144: {  	v6 =	vld @!p0 [tilespmem:$0x4B0];
	v3 =	vadd.f32 v51, v57;
	vm10 =	vlt.f32 v4, v0;
	vm0 =	vmor vm0, vm9  }
0x145: {  	v2 =	vld @!p0 [tilespmem:$0x490];
	v4 =	vadd.f32 v54, v59;
	vm11 =	vlt.f32 v56, v0;
	vm0 =	vmor vm0, vm10  }
0x146: {  	v61 =	vadd.f32 v55, v60;
	vm12 =	vlt.f32 v3, v0;
	vm0 =	vmor vm0, vm11  }
0x147: {  	v1 =	vadd.f32 v58, v1;
	vm13 =	vlt.f32 v4, v0;
	vm0 =	vmor vm0, vm12  }
0x148: {  	vm1 =	vlt.f32 @!p0 v10, v8;
	vm14 =	vlt.f32 v61, v0;
	vm0 =	vmor vm0, vm13  }
0x149: {  	v3 =	vmin.f32 @!p0 v10, v8;
	vm15 =	vlt.f32 v1, v0;
	vm0 =	vmor vm0, vm14  }
0x14a: {  	v62 =	vimm.s32 $0x0;
	[tilespmem:$0xCD0] =	vst @!p0 v3;
	v0 =	vsel @!p0 vm1, v6, v2;
	vm0 =	vmor vm0, vm15  }
0x14b: {  	[tilespmem:$0x14D0] =	vst @!p0 v0;
	v63 =	vsel vm0, $0x1, v62  }
0x14c: {  	s31 =	simm.s32 $0x5;
	s30 =	simm.s32 $0x14E0;
	[tilespmem:$0x14E0] =	vst v63  }
0x14d: {  	[spmem:s6] =	stream.linear.scatter [tilespmem:s30], [sflag:$0x5], $0x10, $0x38;
	[tilespmem:$0x1650] =	vst v63  }
0x14e: {  	_ =	swait.ge [sflag:s31], $0x10  }
0x14f: {  	s7 =	simm.s32 @!p0 $0x4E0;
	[sflag:s31] =	ssyncset.done $0x0  }
0x150: {  	s0 =	simm.s32 @!p0 $0x10;
	s6 =	simm.s32 @!p0 $0x80;
	[sflag:s31] =	ssyncadd.s32 $0xFFFFFFF0  }
0x151: {  	[hbm4b:s4+s0] =	stream.strided.scatter @!p0 [tilespmem:s7], [sflag:$0x5], $0x800, s6, s0, $0x38;
	[tilespmem:$0x1650] =	vst v63  }
0x152: {  	s4 =	simm.s32 @!p0 $0x5  }
0x153: {  	_ =	swait.ge @!p0 [sflag:s4], $0x800  }
0x154: {  	[sflag:s4] =	ssyncset.done @!p0 $0x0  }
0x155: {  	s7 =	simm.s32 @!p0 $0xCE0;
	[sflag:s4] =	ssyncadd.s32 @!p0 $0xFFFFF800  }
0x156: {  	[hbm4b:s5+s0] =	stream.strided.scatter @!p0 [tilespmem:s7], [sflag:$0x5], $0x800, s6, s0, $0x38;
	[tilespmem:$0x1650] =	vst v63  }
0x157: {  	_ =	swait.ge @!p0 [sflag:s4], $0x800  }
0x158: {  	[sflag:s4] =	ssyncset.done @!p0 $0x0  }
0x159: {  	[sflag:s4] =	ssyncadd.s32 @!p0 $0xFFFFF800  }
0x15a: {  	p0 =	sne.s32 s3, $0x0;
	[bflag:$0x0] =	sbarrier.arrive $0xFFFF  }
0x15b: {  	_ =	sfence.sel @p0 $0x180000  }
0x15c: {  	[bflag:$0x0] =	sbarrier.arrive @p0 $0xFFFF  }
0x15d: {  	_ =	strace @p0 $0x90000047  }
0x15e: {  	s0 =	simm.s32 @!p0 $0x14F0;
	[bflag:$0x2] =	sbarrier.arrive @p0 $0xFFFF  }
0x15f: {  	[tilespmem:s0], [sflag:$0x5] =	stream.linear.gather @!p0 [spmem:s1], $0x100, $0x38;
	[tilespmem:$0x1650] =	vst v63  }
0x160: {  	s0 =	simm.s32 @!p0 $0x5  }
0x161: {  	_ =	swait.ge @!p0 [sflag:s0], $0x100  }
0x162: {  	[sflag:s0] =	ssyncset.done @!p0 $0x0  }
0x163: {  	[sflag:s0] =	ssyncadd.s32 @!p0 $0xFFFFFF00  }
0x164: {  	v0 =	vld @!p0 [tilespmem:$0x14F0]  }
0x165: {  	v1 =	vld @!p0 [tilespmem:$0x1500]  }
0x166: {  	v2 =	vld @!p0 [tilespmem:$0x1510]  }
0x167: {  	v3 =	vld @!p0 [tilespmem:$0x1520]  }
0x168: {  	v4 =	vld @!p0 [tilespmem:$0x1530]  }
0x169: {  	v5 =	vld @!p0 [tilespmem:$0x1540]  }
0x16a: {  	v0 =	vor.u32 @!p0 v0, v1;
	v1 =	vld @!p0 [tilespmem:$0x1550]  }
0x16b: {  	v0 =	vor.u32 @!p0 v2, v0;
	v2 =	vld @!p0 [tilespmem:$0x1560]  }
0x16c: {  	v0 =	vor.u32 @!p0 v3, v0;
	v3 =	vld @!p0 [tilespmem:$0x1570]  }
0x16d: {  	v0 =	vor.u32 @!p0 v4, v0;
	v4 =	vld @!p0 [tilespmem:$0x1580]  }
0x16e: {  	v0 =	vor.u32 @!p0 v5, v0;
	v5 =	vld @!p0 [tilespmem:$0x1590]  }
0x16f: {  	v0 =	vor.u32 @!p0 v1, v0;
	v1 =	vld @!p0 [tilespmem:$0x15A0]  }
0x170: {  	v0 =	vor.u32 @!p0 v2, v0;
	v2 =	vld @!p0 [tilespmem:$0x15B0]  }
0x171: {  	v0 =	vor.u32 @!p0 v3, v0;
	v3 =	vld @!p0 [tilespmem:$0x15C0]  }
0x172: {  	v0 =	vor.u32 @!p0 v4, v0;
	v4 =	vld @!p0 [tilespmem:$0x15D0]  }
0x173: {  	v0 =	vor.u32 @!p0 v5, v0;
	v5 =	vld @!p0 [tilespmem:$0x15E0]  }
0x174: {  	v0 =	vor.u32 @!p0 v1, v0  }
0x175: {  	v0 =	vor.u32 @!p0 v2, v0  }
0x176: {  	v0 =	vor.u32 @!p0 v3, v0  }
0x177: {  	v0 =	vor.u32 @!p0 v4, v0  }
0x178: {  	v0 =	vor.u32 @!p0 v5, v0  }
0x179: {  	vm0 =	veq.s32 @!p0 v0, $0x0;
	v0 =	vimm.f32 @!p0 $1.000000000e+00  }
0x17a: {  	v0 =	vsel @!p0 vm0, $0x0, v0  }
0x17b: {  	(xrf0) =	vmax.scan.msk.f32 @!p0 $0xffff, v0;
	_ =	sdelay $0x5  }
0x17c: {  	v0, _, _ =	vpop @!p0 (xrf0)  }
0x17d: {  	(v2sf) =	vpush @!p0 v0, $0xF;
	_ =	sdelay $0xe  }
0x17e: {  	s1 =	spop @!p0 (v2sf)  }
0x17f: {  	p1 =	sgt.f32 @!p0 s1, $0.0e+00;
	_ =	sdelay $0x1  }
0x180: {  	s1 =	simm.s32 @!p0 $0x1;
	p1 =	por !p1, p0  }
0x181: {  	s1 =	simm.s32 @p1 $0x0  }
0x182: {  	v0 =	vmov @!p0 s1  }
0x183: {  	s3 =	simm.s32 @!p0 $0x15F0;
	s1 =	simm.s32 @!p0 $0x0;
	[tilespmem:$0x15F0] =	vst @!p0 v0  }
0x184: {  	[hbm4b:s2+s1] =	stream.linear.scatter @!p0 [tilespmem:s3], [sflag:$0x5], $0x10, $0x38;
	[tilespmem:$0x1650] =	vst v63  }
0x185: {  	_ =	swait.ge @!p0 [sflag:s0], $0x10  }
0x186: {  	[sflag:s0] =	ssyncset.done @!p0 $0x0  }
0x187: {  	[sflag:s0] =	ssyncadd.s32 @!p0 $0xFFFFFFF0  }
0x188: {  	_ =	sfence.sel @!p0 $0x180000  }
0x189: {  	[bflag:$0x0] =	sbarrier.arrive @!p0 $0xFFFF  }
0x18a: {  	_ =	strace @!p0 $0x90000047  }
0x18b: {  	[bflag:$0x2] =	sbarrier.arrive @!p0 $0xFFFF  }
0x18c: {  	s0 =	rddreg [dreg:$0x6]  }
0x18d: {  	s0 =	sadd.s32 @!p0 $0x100000, s0  }
0x18e: {  	[sflag:s0] =	ssyncadd.tile.s32 @!p0 $0x1;
	_ =	shalt  }
.Lfunc_end2:
_tile_overlayer_lowered:
.L_overlay_start_2:
0x18f: {  	(tag) =	ssettag $0x2  }
0x190: {  	s0 =	rddreg [dreg:$0x0];
	s2 =	stileid.u32  }
0x191: {  	s1 =	rddreg [dreg:$0x1];
	p0 =	sne.s32 s2, $0x0  }
0x192: {  	s3 =	rddreg [dreg:$0x2];
	[bflag:$0x3] =	sbarrier.arrive $0xFFFF;
	s2 =	simm.s32 @!p0 $0x1C05  }
0x193: {  	[timem:s3], [sflag:s2] =	dma.local @!p0 [hbm:s0], s1  }
0x194: {  	s0 =	simm.s32 @!p0 $0x5  }
0x195: {  	_ =	swait.ge @!p0 [sflag:s0], s1  }
0x196: {  	s1 =	ssub.s32 @!p0 $0x0, s1;
	[sflag:s0] =	ssyncset.done @!p0 $0x0  }
0x197: {  	[sflag:s0] =	ssyncadd.s32 @!p0 s1  }
0x198: {  	[bflag:$0x3] =	sbarrier.arrive $0xFFFF  }
0x199: {  	_ =	shalt  }

</sc_bundles>
